<compile_context>
chip_gen: v7x
topology: tpu7x:2x2x1
jax: 0.10.2.dev20260603
libtpu: 0.0.44.dev20260713+nightly
codegen_flags: <defaults>
</compile_context>

<pallas_src>
import jax
import jax.numpy as jnp
from jax import lax
from jax.experimental import pallas as pl
from jax.experimental.pallas import tpu as pltpu
from jax.experimental.pallas import tpu_sc as plsc

HID = 128
LAT = 64
V = 6
MAXNB = 10
N = 160000
E = 160000
B = 1024

NC = 2
NS = 16
NW = NC * NS
NPW = N // NW
C = 40
NCHUNK = NPW // C
G = 2 * C
NG = C * MAXNB // G
TOTCHUNK = N // C


def _sc_gather_body(mess, nei3, o3, ctx3, tree,
                    sumh, curo, tctx,
                    idx_n, idx_o, idx_c, rows_n, rows_o, acc, trow,
                    sem_n, sem_o, sem_c):
    w = lax.axis_index("s") * NC + lax.axis_index("c")

    def stage_idx(cid, par):
        pltpu.sync_copy(nei3.at[cid], idx_n.at[par])
        pltpu.sync_copy(o3.at[cid], idx_o.at[par])
        pltpu.sync_copy(ctx3.at[cid], idx_c.at[par])

    def fire_nei(par):
        for g in range(NG):
            pltpu.async_copy(mess.at[idx_n.at[par, g]],
                             rows_n.at[pl.ds(g * G, G)], sem_n)

    def fire_o(par):
        for g in range(NG):
            pltpu.async_copy(mess.at[idx_o.at[par, g]],
                             rows_o.at[pl.ds(g * G, G)], sem_o)

    def fire_tree(par):
        pltpu.async_copy(tree.at[idx_c.at[par, 0]], trow, sem_c)

    def wait_rows(rows, sem):
        for g in range(NG):
            pltpu.make_async_copy(mess.at[idx_n.at[0, g]],
                                  rows.at[pl.ds(g * G, G)], sem).wait()

    def wait_tree():
        pltpu.make_async_copy(tree.at[idx_c.at[0, 0]], trow, sem_c).wait()

    def accumulate(rows, out_hbm, nb):
        def per_node(i, _):
            base = i * MAXNB
            for c8 in range(HID // 16):
                sl = pl.ds(c8 * 16, 16)
                tot = rows[base, sl]
                for j in range(1, MAXNB):
                    tot = tot + rows[base + j, sl]

                acc[i, sl] = tot
            return 0

        lax.fori_loop(0, C, per_node, 0, unroll=False)
        pltpu.sync_copy(acc, out_hbm.at[pl.ds(nb, C)])

    cid0 = w * NCHUNK
    stage_idx(cid0, 0)
    fire_nei(0)
    fire_o(0)
    fire_tree(0)

    def chunk(t, _):
        cur = lax.rem(t, 2)
        nxt = 1 - cur
        cid = w * NCHUNK + t
        nb = cid * C
        stage_idx(cid + 1, nxt)
        wait_rows(rows_n, sem_n)
        accumulate(rows_n, sumh, nb)
        fire_nei(nxt)
        wait_rows(rows_o, sem_o)
        accumulate(rows_o, curo, nb)
        wait_tree()
        pltpu.sync_copy(trow, tctx.at[pl.ds(nb, C)])
        fire_o(nxt)
        fire_tree(nxt)
        return 0

    lax.fori_loop(0, NCHUNK, chunk, 0, unroll=False)

    wait_rows(rows_n, sem_n)
    wait_rows(rows_o, sem_o)
    wait_tree()


@jax.jit
def _sc_gather(mess, nei3, o3, ctx3, tree):
    mesh = plsc.VectorSubcoreMesh(core_axis_name="c", subcore_axis_name="s",
                                  num_cores=NC, num_subcores=NS)
    f = pl.kernel(
        _sc_gather_body,
        out_type=[
            jax.ShapeDtypeStruct((N, HID), jnp.float32),
            jax.ShapeDtypeStruct((N, HID), jnp.float32),
            jax.ShapeDtypeStruct((N, HID), jnp.float32),
        ],
        mesh=mesh,
        scratch_types=[
            pltpu.VMEM((2, NG, G), jnp.int32),
            pltpu.VMEM((2, NG, G), jnp.int32),
            pltpu.VMEM((2, 1, C), jnp.int32),
            pltpu.VMEM((C * MAXNB, HID), jnp.float32),
            pltpu.VMEM((C * MAXNB, HID), jnp.float32),
            pltpu.VMEM((C, HID), jnp.float32),
            pltpu.VMEM((C, HID), jnp.float32),
            pltpu.SemaphoreType.DMA,
            pltpu.SemaphoreType.DMA,
            pltpu.SemaphoreType.DMA,
        ],
    )
    return f(mess, nei3, o3, ctx3, tree)


R = 2000


def _tc_body(x_ref, sh_ref, co_ref, tc_ref, pt_ref, st_ref,
             wzx, wzh, bz, wr, br, whx, whh, bh, wuix, wuih, bui,
             wwh, wwt, bw, wwo, bwo, wuh, wut, bu, wuo, buo,
             out_ref):
    f32 = jnp.float32
    bf16 = jnp.bfloat16
    xb = x_ref[...]
    sh = sh_ref[...]
    co = co_ref[...]
    tc = tc_ref[...]

    def mm(a, b):
        return jnp.dot(a.astype(bf16), b[...], preferred_element_type=f32)

    z = jax.nn.sigmoid(mm(xb, wzx) + mm(sh, wzh) + bz[...])
    r = jax.nn.sigmoid(mm(xb, wr) + br[...])
    pre = jnp.tanh(mm(xb, whx) + mm(r * sh, whh) + bh[...])
    new_h = (1.0 - z) * sh + z * pre
    stop_hidden = jax.nn.relu(mm(xb, wuix) + mm(co, wuih) + bui[...])
    word_vec = jax.nn.relu(mm(new_h, wwh) + mm(tc, wwt) + bw[...])
    ps = mm(word_vec, wwo) + bwo[...]
    stop_vec = jax.nn.relu(mm(stop_hidden, wuh) + mm(tc, wut) + bu[...])
    ss = mm(stop_vec, wuo) + buo[...]

    m = jnp.max(ps, axis=1, keepdims=True)
    lse = jnp.log(jnp.sum(jnp.exp(ps - m), axis=1, keepdims=True)) + m
    iot = lax.broadcasted_iota(jnp.int32, (R, V), 1)
    tgt = jnp.sum(jnp.where(iot == pt_ref[...], ps, 0.0), axis=1, keepdims=True)
    pred_part = jnp.sum(lse - tgt) * (1.0 / B)

    t = st_ref[...]
    bce = jnp.maximum(ss, 0.0) - ss * t + jnp.log1p(jnp.exp(-jnp.abs(ss)))
    stop_part = jnp.sum(bce) * (1.0 / B)

    part = jnp.concatenate(
        [pred_part.reshape(1, 1), stop_part.reshape(1, 1)], axis=1)

    @pl.when(pl.program_id(0) == 0)
    def _init():
        out_ref[...] = jnp.zeros_like(out_ref)

    out_ref[...] += part


@jax.jit
def _tc_dense(x, sumh, curo, tctx, pt, st, *weights):
    row_spec = lambda width: pl.BlockSpec((R, width), lambda i: (i, 0))
    full = lambda a: pl.BlockSpec(a.shape, lambda i: tuple(0 for _ in a.shape))
    grid_spec = pltpu.PrefetchScalarGridSpec(
        num_scalar_prefetch=0,
        grid=(N // R,),
        in_specs=[
            row_spec(V), row_spec(HID), row_spec(HID), row_spec(HID),
            row_spec(1), row_spec(1),
            *[full(w) for w in weights],
        ],
        out_specs=pl.BlockSpec((1, 2), lambda i: (0, 0)),
    )
    return pl.pallas_call(
        _tc_body,
        grid_spec=grid_spec,
        out_shape=jax.ShapeDtypeStruct((1, 2), jnp.float32),
        compiler_params=pltpu.CompilerParams(
            dimension_semantics=("arbitrary",)),
    )(x, sumh, curo, tctx, pt, st, *weights)


def kernel(x, mess, nei_idx, o_idx, contexts, tree_vecs, pred_targets,
           stop_targets, W_z, b_z, W_r, b_r, W_h, b_h, W_ui, b_ui, W_w, b_w,
           W_wo, b_wo, W_u, b_u, W_uo, b_uo):
    nei3 = jnp.pad(nei_idx.reshape(TOTCHUNK, NG, G), ((0, 1), (0, 0), (0, 0)))
    o3 = jnp.pad(o_idx.reshape(TOTCHUNK, NG, G), ((0, 1), (0, 0), (0, 0)))
    ctx3 = jnp.pad(contexts.reshape(TOTCHUNK, 1, C), ((0, 1), (0, 0), (0, 0)))
    tree_pad = jnp.pad(tree_vecs, ((0, 0), (0, HID - LAT)))
    sumh, curo, tctx = _sc_gather(mess, nei3, o3, ctx3, tree_pad)

    bfw = lambda a: a.astype(jnp.bfloat16)
    weights = (
        bfw(W_z[:V]), bfw(W_z[V:]), b_z.reshape(1, HID),
        bfw(W_r), b_r.reshape(1, HID),
        bfw(W_h[:V]), bfw(W_h[V:]), b_h.reshape(1, HID),
        bfw(W_ui[:V]), bfw(W_ui[V:]), b_ui.reshape(1, HID),
        bfw(W_w[:HID]), bfw(jnp.pad(W_w[HID:], ((0, HID - LAT), (0, 0)))),
        b_w.reshape(1, HID),
        bfw(W_wo), b_wo.reshape(1, V),
        bfw(W_u[:HID]), bfw(jnp.pad(W_u[HID:], ((0, HID - LAT), (0, 0)))),
        b_u.reshape(1, HID),
        bfw(W_uo), b_uo.reshape(1, 1),
    )
    out = _tc_dense(x, sumh, curo, tctx,
                    pred_targets.reshape(N, 1), stop_targets.reshape(N, 1),
                    *weights)
    return out.reshape(2)

# --- scband reference (transcript-rebuilt; emitter-appended) ---
"""Pipeline reference for scband-graph-decoder-67594195304571 (READ-ONLY COPY).

The authoritative reference and input builder live on the scoring server;
editing this copy changes nothing except your own understanding.
"""

import jax, jax.numpy as jnp
import numpy as np

HID = 128
LAT = 64
V = 6
MAXNB = 10
N = 160000
E = 160000
B = 1024


def setup_inputs(seed: int = 0):
    key = jax.random.key(seed)
    ks = jax.random.split(key, 26)

    def nrm(k, shape, scale=1.0):
        return jax.random.normal(k, shape, dtype=jnp.float32) * scale

    inp = {}
    inp["x"] = nrm(ks[0], (N, V))
    inp["mess"] = nrm(ks[1], (E, HID))
    inp["nei_idx"] = jax.random.randint(ks[2], (N, MAXNB), 0, E)
    inp["o_idx"] = jax.random.randint(ks[3], (N, MAXNB), 0, E)
    inp["contexts"] = jax.random.randint(ks[4], (N,), 0, B)
    inp["tree_vecs"] = nrm(ks[5], (B, LAT))
    inp["pred_targets"] = jax.random.randint(ks[6], (N,), 0, V)
    inp["stop_targets"] = jax.random.uniform(ks[7], (N,), dtype=jnp.float32)
    inp["W_z"] = nrm(ks[8], (HID + V, HID), 1.0 / np.sqrt(HID + V))
    inp["b_z"] = nrm(ks[9], (HID,), 0.01)
    inp["W_r"] = nrm(ks[10], (V, HID), 1.0 / np.sqrt(V))
    inp["b_r"] = nrm(ks[11], (HID,), 0.01)
    inp["W_h"] = nrm(ks[12], (HID + V, HID), 1.0 / np.sqrt(HID + V))
    inp["b_h"] = nrm(ks[13], (HID,), 0.01)
    inp["W_ui"] = nrm(ks[14], (HID + V, HID), 1.0 / np.sqrt(HID + V))
    inp["b_ui"] = nrm(ks[15], (HID,), 0.01)
    inp["W_w"] = nrm(ks[16], (HID + LAT, HID), 1.0 / np.sqrt(HID + LAT))
    inp["b_w"] = nrm(ks[17], (HID,), 0.01)
    inp["W_wo"] = nrm(ks[18], (HID, V), 1.0 / np.sqrt(HID))
    inp["b_wo"] = nrm(ks[19], (V,), 0.01)
    inp["W_u"] = nrm(ks[20], (HID + LAT, HID), 1.0 / np.sqrt(HID + LAT))
    inp["b_u"] = nrm(ks[21], (HID,), 0.01)
    inp["W_uo"] = nrm(ks[22], (HID, 1), 1.0 / np.sqrt(HID))
    inp["b_uo"] = nrm(ks[23], (1,), 0.01)
    return inp


def _forward(x, mess, tree_vecs, stop_targets, W_z, b_z, W_r, b_r, W_h, b_h, W_ui, b_ui, W_w, b_w, W_wo, b_wo, W_u, b_u, W_uo, b_uo, nei_idx, o_idx, contexts, pred_targets):
    # gather incoming neighbor messages (excl. target edge) and run GRU message update
    h_nei = jnp.take(mess, nei_idx, axis=0)  # [N, MAXNB, HID]
    sum_h = h_nei.sum(axis=1)
    z = jax.nn.sigmoid(jnp.concatenate([x, sum_h], axis=1) @ W_z + b_z)
    r = jax.nn.sigmoid(x @ W_r + b_r)
    gated_h = r * sum_h
    pre_h = jnp.tanh(jnp.concatenate([x, gated_h], axis=1) @ W_h + b_h)
    new_h = (1.0 - z) * sum_h + z * pre_h
    # gather all neighbor messages for stop prediction
    o_nei = jnp.take(mess, o_idx, axis=0)  # [N, MAXNB, HID]
    cur_o = o_nei.sum(axis=1)
    stop_hidden = jax.nn.relu(jnp.concatenate([x, cur_o], axis=1) @ W_ui + b_ui)
    # aggregate with latent tree context
    tree_ctx = jnp.take(tree_vecs, contexts, axis=0)
    word_vec = jax.nn.relu(jnp.concatenate([new_h, tree_ctx], axis=1) @ W_w + b_w)
    pred_scores = word_vec @ W_wo + b_wo  # [N, V]
    stop_vec = jax.nn.relu(jnp.concatenate([stop_hidden, tree_ctx], axis=1) @ W_u + b_u)
    stop_scores = (stop_vec @ W_uo + b_uo)[:, 0]
    # cross-entropy (sum) for word prediction
    lse = jax.scipy.special.logsumexp(pred_scores, axis=1)
    tgt = jnp.take_along_axis(pred_scores, pred_targets[:, None], axis=1)[:, 0]
    pred_loss = jnp.sum(lse - tgt) / B
    # BCE-with-logits (sum) for stop prediction
    s = stop_scores
    t = stop_targets
    bce = jnp.maximum(s, 0.0) - s * t + jnp.log1p(jnp.exp(-jnp.abs(s)))
    stop_loss = jnp.sum(bce) / B
    return jnp.stack([pred_loss, stop_loss])


def reference(x, mess, nei_idx, o_idx, contexts, tree_vecs, pred_targets, stop_targets, W_z, b_z, W_r, b_r, W_h, b_h, W_ui, b_ui, W_w, b_w, W_wo, b_wo, W_u, b_u, W_uo, b_uo):
    return _forward(x, mess, tree_vecs, stop_targets, W_z, b_z, W_r, b_r, W_h, b_h, W_ui, b_ui, W_w, b_w, W_wo, b_wo, W_u, b_u, W_uo, b_uo, nei_idx, o_idx, contexts, pred_targets)

if __name__ == "__main__":
    import jax
    _d = setup_inputs()
    print(jax.jit(kernel)(*tuple(_d.values())))

</pallas_src>

<mosaic_0001>
#map = affine_map<(d0, d1) -> (0, 0)>
#map1 = affine_map<(d0, d1) -> (0, 0, 0)>
module attributes {stable_mosaic.version = 14 : i64} {
  func.func @_sc_gather_body(%arg0: i32, %arg1: i32, %arg2: memref<160000x128xf32, #tpu.memory_space<hbm>>, %arg3: memref<4001x5x80xi32, #tpu.memory_space<hbm>>, %arg4: memref<4001x5x80xi32, #tpu.memory_space<hbm>>, %arg5: memref<4001x1x40xi32, #tpu.memory_space<hbm>>, %arg6: memref<1024x128xf32, #tpu.memory_space<hbm>>, %arg7: memref<160000x128xf32, #tpu.memory_space<hbm>>, %arg8: memref<160000x128xf32, #tpu.memory_space<hbm>>, %arg9: memref<160000x128xf32, #tpu.memory_space<hbm>>, %arg10: memref<2x5x80xi32, #tpu.memory_space<vmem>>, %arg11: memref<2x5x80xi32, #tpu.memory_space<vmem>>, %arg12: memref<2x1x40xi32, #tpu.memory_space<vmem>>, %arg13: memref<400x128xf32, #tpu.memory_space<vmem>>, %arg14: memref<400x128xf32, #tpu.memory_space<vmem>>, %arg15: memref<40x128xf32, #tpu.memory_space<vmem>>, %arg16: memref<40x128xf32, #tpu.memory_space<vmem>>, %arg17: memref<!tpu.dma_semaphore, #tpu.memory_space<semaphore_mem>>, %arg18: memref<!tpu.dma_semaphore, #tpu.memory_space<semaphore_mem>>, %arg19: memref<!tpu.dma_semaphore, #tpu.memory_space<semaphore_mem>>) attributes {dimension_semantics = [#tpu.dimension_semantics<core_parallel>, #tpu.dimension_semantics<subcore_parallel>], iteration_bounds = array<i64: 2, 16>, scalar_prefetch = 0 : i64, scratch_operands = 10 : i64, tpu.core_type = #tpu.core_type<sc_vector_subcore>, window_params = [{transform_indices = #map}, {transform_indices = #map1}, {transform_indices = #map1}, {transform_indices = #map1}, {transform_indices = #map}, {transform_indices = #map}, {transform_indices = #map}, {transform_indices = #map}]} {
    %mul3A = arith.constant 2 : i32
    %mul3A_0 = arith.muli %arg1, %mul3A : i32
    %add3A = arith.addi %mul3A_0, %arg0 : i32
    %mul3A_1 = arith.constant 125 : i32
    %mul3A_2 = arith.muli %add3A, %mul3A_1 : i32
    %run_scoped3A = arith.constant 0 : i32
    "tpu.region"() ({
      %run_scoped3A_245 = tpu.sem_alloc : memref<!tpu.dma_semaphore, #tpu.memory_space<semaphore_mem>>
      %dma_start3A_246 = arith.constant 0 : i32
      %dma_start3A_247 = arith.constant 0 : i32
      %dma_start3A_248 = tpu.memref_slice %arg10[%run_scoped3A, %dma_start3A_246, %dma_start3A_247] : memref<2x5x80xi32, #tpu.memory_space<vmem>> -> memref<1x5x80xi32, #tpu.memory_space<vmem>>
      %dma_start3A_249 = tpu.memref_squeeze %dma_start3A_248 : memref<1x5x80xi32, #tpu.memory_space<vmem>> -> memref<5x80xi32, #tpu.memory_space<vmem>>
      %dma_start3A_250 = arith.constant 0 : i32
      %dma_start3A_251 = arith.constant 0 : i32
      %dma_start3A_252 = tpu.memref_slice %arg3[%mul3A_2, %dma_start3A_250, %dma_start3A_251] : memref<4001x5x80xi32, #tpu.memory_space<hbm>> -> memref<1x5x80xi32, #tpu.memory_space<hbm>>
      %dma_start3A_253 = tpu.memref_squeeze %dma_start3A_252 : memref<1x5x80xi32, #tpu.memory_space<hbm>> -> memref<5x80xi32, #tpu.memory_space<hbm>>
      %dma_start3A_254 = arith.constant 0 : i32
      %dma_start3A_255 = arith.constant 0 : i32
      %dma_start3A_256 = tpu.memref_slice %arg10[%run_scoped3A, %dma_start3A_254, %dma_start3A_255] : memref<2x5x80xi32, #tpu.memory_space<vmem>> -> memref<1x5x80xi32, #tpu.memory_space<vmem>>
      %dma_start3A_257 = tpu.memref_squeeze %dma_start3A_256 : memref<1x5x80xi32, #tpu.memory_space<vmem>> -> memref<5x80xi32, #tpu.memory_space<vmem>>
      %dma_start3A_258 = arith.constant 0 : i32
      %dma_start3A_259 = arith.constant 0 : i32
      %dma_start3A_260 = tpu.memref_slice %arg3[%mul3A_2, %dma_start3A_258, %dma_start3A_259] : memref<4001x5x80xi32, #tpu.memory_space<hbm>> -> memref<1x5x80xi32, #tpu.memory_space<hbm>>
      %dma_start3A_261 = tpu.memref_squeeze %dma_start3A_260 : memref<1x5x80xi32, #tpu.memory_space<hbm>> -> memref<5x80xi32, #tpu.memory_space<hbm>>
      tpu.enqueue_dma source(%dma_start3A_261 : memref<5x80xi32, #tpu.memory_space<hbm>>) target(%dma_start3A_257 : memref<5x80xi32, #tpu.memory_space<vmem>>) target_semaphore(%run_scoped3A_245 : memref<!tpu.dma_semaphore, #tpu.memory_space<semaphore_mem>>)
      %dma_wait3A_262 = arith.constant 0 : i32
      %dma_wait3A_263 = arith.constant 0 : i32
      %dma_wait3A_264 = tpu.memref_slice %arg10[%run_scoped3A, %dma_wait3A_262, %dma_wait3A_263] : memref<2x5x80xi32, #tpu.memory_space<vmem>> -> memref<1x5x80xi32, #tpu.memory_space<vmem>>
      %dma_wait3A_265 = tpu.memref_squeeze %dma_wait3A_264 : memref<1x5x80xi32, #tpu.memory_space<vmem>> -> memref<5x80xi32, #tpu.memory_space<vmem>>
      %dma_wait3A_266 = arith.constant 0 : i32
      %dma_wait3A_267 = arith.constant 0 : i32
      %dma_wait3A_268 = tpu.memref_slice %arg3[%mul3A_2, %dma_wait3A_266, %dma_wait3A_267] : memref<4001x5x80xi32, #tpu.memory_space<hbm>> -> memref<1x5x80xi32, #tpu.memory_space<hbm>>
      %dma_wait3A_269 = tpu.memref_squeeze %dma_wait3A_268 : memref<1x5x80xi32, #tpu.memory_space<hbm>> -> memref<5x80xi32, #tpu.memory_space<hbm>>
      %dma_wait3A_270 = arith.constant 0 : i32
      %dma_wait3A_271 = arith.constant 0 : i32
      %dma_wait3A_272 = tpu.memref_slice %arg10[%run_scoped3A, %dma_wait3A_270, %dma_wait3A_271] : memref<2x5x80xi32, #tpu.memory_space<vmem>> -> memref<1x5x80xi32, #tpu.memory_space<vmem>>
      %dma_wait3A_273 = tpu.memref_squeeze %dma_wait3A_272 : memref<1x5x80xi32, #tpu.memory_space<vmem>> -> memref<5x80xi32, #tpu.memory_space<vmem>>
      %dma_wait3A_274 = arith.constant 0 : i32
      %dma_wait3A_275 = arith.constant 0 : i32
      %dma_wait3A_276 = tpu.memref_slice %arg3[%mul3A_2, %dma_wait3A_274, %dma_wait3A_275] : memref<4001x5x80xi32, #tpu.memory_space<hbm>> -> memref<1x5x80xi32, #tpu.memory_space<hbm>>
      %dma_wait3A_277 = tpu.memref_squeeze %dma_wait3A_276 : memref<1x5x80xi32, #tpu.memory_space<hbm>> -> memref<5x80xi32, #tpu.memory_space<hbm>>
      tpu.wait_dma2 semaphore(%run_scoped3A_245 : memref<!tpu.dma_semaphore, #tpu.memory_space<semaphore_mem>>) src(%dma_wait3A_277 : memref<5x80xi32, #tpu.memory_space<hbm>>) dst(%dma_wait3A_273 : memref<5x80xi32, #tpu.memory_space<vmem>>)
      tpu.yield
    }) : () -> ()
    %run_scoped3A_3 = arith.constant 0 : i32
    "tpu.region"() ({
      %run_scoped3A_245 = tpu.sem_alloc : memref<!tpu.dma_semaphore, #tpu.memory_space<semaphore_mem>>
      %dma_start3A_246 = arith.constant 0 : i32
      %dma_start3A_247 = arith.constant 0 : i32
      %dma_start3A_248 = tpu.memref_slice %arg11[%run_scoped3A_3, %dma_start3A_246, %dma_start3A_247] : memref<2x5x80xi32, #tpu.memory_space<vmem>> -> memref<1x5x80xi32, #tpu.memory_space<vmem>>
      %dma_start3A_249 = tpu.memref_squeeze %dma_start3A_248 : memref<1x5x80xi32, #tpu.memory_space<vmem>> -> memref<5x80xi32, #tpu.memory_space<vmem>>
      %dma_start3A_250 = arith.constant 0 : i32
      %dma_start3A_251 = arith.constant 0 : i32
      %dma_start3A_252 = tpu.memref_slice %arg4[%mul3A_2, %dma_start3A_250, %dma_start3A_251] : memref<4001x5x80xi32, #tpu.memory_space<hbm>> -> memref<1x5x80xi32, #tpu.memory_space<hbm>>
      %dma_start3A_253 = tpu.memref_squeeze %dma_start3A_252 : memref<1x5x80xi32, #tpu.memory_space<hbm>> -> memref<5x80xi32, #tpu.memory_space<hbm>>
      %dma_start3A_254 = arith.constant 0 : i32
      %dma_start3A_255 = arith.constant 0 : i32
      %dma_start3A_256 = tpu.memref_slice %arg11[%run_scoped3A_3, %dma_start3A_254, %dma_start3A_255] : memref<2x5x80xi32, #tpu.memory_space<vmem>> -> memref<1x5x80xi32, #tpu.memory_space<vmem>>
      %dma_start3A_257 = tpu.memref_squeeze %dma_start3A_256 : memref<1x5x80xi32, #tpu.memory_space<vmem>> -> memref<5x80xi32, #tpu.memory_space<vmem>>
      %dma_start3A_258 = arith.constant 0 : i32
      %dma_start3A_259 = arith.constant 0 : i32
      %dma_start3A_260 = tpu.memref_slice %arg4[%mul3A_2, %dma_start3A_258, %dma_start3A_259] : memref<4001x5x80xi32, #tpu.memory_space<hbm>> -> memref<1x5x80xi32, #tpu.memory_space<hbm>>
      %dma_start3A_261 = tpu.memref_squeeze %dma_start3A_260 : memref<1x5x80xi32, #tpu.memory_space<hbm>> -> memref<5x80xi32, #tpu.memory_space<hbm>>
      tpu.enqueue_dma source(%dma_start3A_261 : memref<5x80xi32, #tpu.memory_space<hbm>>) target(%dma_start3A_257 : memref<5x80xi32, #tpu.memory_space<vmem>>) target_semaphore(%run_scoped3A_245 : memref<!tpu.dma_semaphore, #tpu.memory_space<semaphore_mem>>)
      %dma_wait3A_262 = arith.constant 0 : i32
      %dma_wait3A_263 = arith.constant 0 : i32
      %dma_wait3A_264 = tpu.memref_slice %arg11[%run_scoped3A_3, %dma_wait3A_262, %dma_wait3A_263] : memref<2x5x80xi32, #tpu.memory_space<vmem>> -> memref<1x5x80xi32, #tpu.memory_space<vmem>>
      %dma_wait3A_265 = tpu.memref_squeeze %dma_wait3A_264 : memref<1x5x80xi32, #tpu.memory_space<vmem>> -> memref<5x80xi32, #tpu.memory_space<vmem>>
      %dma_wait3A_266 = arith.constant 0 : i32
      %dma_wait3A_267 = arith.constant 0 : i32
      %dma_wait3A_268 = tpu.memref_slice %arg4[%mul3A_2, %dma_wait3A_266, %dma_wait3A_267] : memref<4001x5x80xi32, #tpu.memory_space<hbm>> -> memref<1x5x80xi32, #tpu.memory_space<hbm>>
      %dma_wait3A_269 = tpu.memref_squeeze %dma_wait3A_268 : memref<1x5x80xi32, #tpu.memory_space<hbm>> -> memref<5x80xi32, #tpu.memory_space<hbm>>
      %dma_wait3A_270 = arith.constant 0 : i32
      %dma_wait3A_271 = arith.constant 0 : i32
      %dma_wait3A_272 = tpu.memref_slice %arg11[%run_scoped3A_3, %dma_wait3A_270, %dma_wait3A_271] : memref<2x5x80xi32, #tpu.memory_space<vmem>> -> memref<1x5x80xi32, #tpu.memory_space<vmem>>
      %dma_wait3A_273 = tpu.memref_squeeze %dma_wait3A_272 : memref<1x5x80xi32, #tpu.memory_space<vmem>> -> memref<5x80xi32, #tpu.memory_space<vmem>>
      %dma_wait3A_274 = arith.constant 0 : i32
      %dma_wait3A_275 = arith.constant 0 : i32
      %dma_wait3A_276 = tpu.memref_slice %arg4[%mul3A_2, %dma_wait3A_274, %dma_wait3A_275] : memref<4001x5x80xi32, #tpu.memory_space<hbm>> -> memref<1x5x80xi32, #tpu.memory_space<hbm>>
      %dma_wait3A_277 = tpu.memref_squeeze %dma_wait3A_276 : memref<1x5x80xi32, #tpu.memory_space<hbm>> -> memref<5x80xi32, #tpu.memory_space<hbm>>
      tpu.wait_dma2 semaphore(%run_scoped3A_245 : memref<!tpu.dma_semaphore, #tpu.memory_space<semaphore_mem>>) src(%dma_wait3A_277 : memref<5x80xi32, #tpu.memory_space<hbm>>) dst(%dma_wait3A_273 : memref<5x80xi32, #tpu.memory_space<vmem>>)
      tpu.yield
    }) : () -> ()
    %run_scoped3A_4 = arith.constant 0 : i32
    "tpu.region"() ({
      %run_scoped3A_245 = tpu.sem_alloc : memref<!tpu.dma_semaphore, #tpu.memory_space<semaphore_mem>>
      %dma_start3A_246 = arith.constant 0 : i32
      %dma_start3A_247 = arith.constant 0 : i32
      %dma_start3A_248 = tpu.memref_slice %arg12[%run_scoped3A_4, %dma_start3A_246, %dma_start3A_247] : memref<2x1x40xi32, #tpu.memory_space<vmem>> -> memref<1x1x40xi32, #tpu.memory_space<vmem>>
      %dma_start3A_249 = tpu.memref_squeeze %dma_start3A_248 : memref<1x1x40xi32, #tpu.memory_space<vmem>> -> memref<1x40xi32, #tpu.memory_space<vmem>>
      %dma_start3A_250 = arith.constant 0 : i32
      %dma_start3A_251 = arith.constant 0 : i32
      %dma_start3A_252 = tpu.memref_slice %arg5[%mul3A_2, %dma_start3A_250, %dma_start3A_251] : memref<4001x1x40xi32, #tpu.memory_space<hbm>> -> memref<1x1x40xi32, #tpu.memory_space<hbm>>
      %dma_start3A_253 = tpu.memref_squeeze %dma_start3A_252 : memref<1x1x40xi32, #tpu.memory_space<hbm>> -> memref<1x40xi32, #tpu.memory_space<hbm>>
      %dma_start3A_254 = arith.constant 0 : i32
      %dma_start3A_255 = arith.constant 0 : i32
      %dma_start3A_256 = tpu.memref_slice %arg12[%run_scoped3A_4, %dma_start3A_254, %dma_start3A_255] : memref<2x1x40xi32, #tpu.memory_space<vmem>> -> memref<1x1x40xi32, #tpu.memory_space<vmem>>
      %dma_start3A_257 = tpu.memref_squeeze %dma_start3A_256 : memref<1x1x40xi32, #tpu.memory_space<vmem>> -> memref<1x40xi32, #tpu.memory_space<vmem>>
      %dma_start3A_258 = arith.constant 0 : i32
      %dma_start3A_259 = arith.constant 0 : i32
      %dma_start3A_260 = tpu.memref_slice %arg5[%mul3A_2, %dma_start3A_258, %dma_start3A_259] : memref<4001x1x40xi32, #tpu.memory_space<hbm>> -> memref<1x1x40xi32, #tpu.memory_space<hbm>>
      %dma_start3A_261 = tpu.memref_squeeze %dma_start3A_260 : memref<1x1x40xi32, #tpu.memory_space<hbm>> -> memref<1x40xi32, #tpu.memory_space<hbm>>
      tpu.enqueue_dma source(%dma_start3A_261 : memref<1x40xi32, #tpu.memory_space<hbm>>) target(%dma_start3A_257 : memref<1x40xi32, #tpu.memory_space<vmem>>) target_semaphore(%run_scoped3A_245 : memref<!tpu.dma_semaphore, #tpu.memory_space<semaphore_mem>>)
      %dma_wait3A_262 = arith.constant 0 : i32
      %dma_wait3A_263 = arith.constant 0 : i32
      %dma_wait3A_264 = tpu.memref_slice %arg12[%run_scoped3A_4, %dma_wait3A_262, %dma_wait3A_263] : memref<2x1x40xi32, #tpu.memory_space<vmem>> -> memref<1x1x40xi32, #tpu.memory_space<vmem>>
      %dma_wait3A_265 = tpu.memref_squeeze %dma_wait3A_264 : memref<1x1x40xi32, #tpu.memory_space<vmem>> -> memref<1x40xi32, #tpu.memory_space<vmem>>
      %dma_wait3A_266 = arith.constant 0 : i32
      %dma_wait3A_267 = arith.constant 0 : i32
      %dma_wait3A_268 = tpu.memref_slice %arg5[%mul3A_2, %dma_wait3A_266, %dma_wait3A_267] : memref<4001x1x40xi32, #tpu.memory_space<hbm>> -> memref<1x1x40xi32, #tpu.memory_space<hbm>>
      %dma_wait3A_269 = tpu.memref_squeeze %dma_wait3A_268 : memref<1x1x40xi32, #tpu.memory_space<hbm>> -> memref<1x40xi32, #tpu.memory_space<hbm>>
      %dma_wait3A_270 = arith.constant 0 : i32
      %dma_wait3A_271 = arith.constant 0 : i32
      %dma_wait3A_272 = tpu.memref_slice %arg12[%run_scoped3A_4, %dma_wait3A_270, %dma_wait3A_271] : memref<2x1x40xi32, #tpu.memory_space<vmem>> -> memref<1x1x40xi32, #tpu.memory_space<vmem>>
      %dma_wait3A_273 = tpu.memref_squeeze %dma_wait3A_272 : memref<1x1x40xi32, #tpu.memory_space<vmem>> -> memref<1x40xi32, #tpu.memory_space<vmem>>
      %dma_wait3A_274 = arith.constant 0 : i32
      %dma_wait3A_275 = arith.constant 0 : i32
      %dma_wait3A_276 = tpu.memref_slice %arg5[%mul3A_2, %dma_wait3A_274, %dma_wait3A_275] : memref<4001x1x40xi32, #tpu.memory_space<hbm>> -> memref<1x1x40xi32, #tpu.memory_space<hbm>>
      %dma_wait3A_277 = tpu.memref_squeeze %dma_wait3A_276 : memref<1x1x40xi32, #tpu.memory_space<hbm>> -> memref<1x40xi32, #tpu.memory_space<hbm>>
      tpu.wait_dma2 semaphore(%run_scoped3A_245 : memref<!tpu.dma_semaphore, #tpu.memory_space<semaphore_mem>>) src(%dma_wait3A_277 : memref<1x40xi32, #tpu.memory_space<hbm>>) dst(%dma_wait3A_273 : memref<1x40xi32, #tpu.memory_space<vmem>>)
      tpu.yield
    }) : () -> ()
    %dma_start3A = arith.constant 0 : i32
    %dma_start3A_5 = arith.constant 0 : i32
    %dma_start3A_6 = arith.constant 0 : i32
    %dma_start3A_7 = arith.constant 0 : i32
    %dma_start3A_8 = tpu.memref_slice %arg13[%dma_start3A_6, %dma_start3A_7] : memref<400x128xf32, #tpu.memory_space<vmem>> -> memref<80x128xf32, #tpu.memory_space<vmem>>
    %dma_start3A_9 = arith.constant 0 : i32
    %dma_start3A_10 = tpu.memref_slice %arg10[%dma_start3A, %dma_start3A_5, %dma_start3A_9] : memref<2x5x80xi32, #tpu.memory_space<vmem>> -> memref<1x1x80xi32, #tpu.memory_space<vmem>>
    %dma_start3A_11 = tpu.memref_squeeze %dma_start3A_10 : memref<1x1x80xi32, #tpu.memory_space<vmem>> -> memref<80xi32, #tpu.memory_space<vmem>>
    %dma_start3A_12 = arith.constant 0 : i32
    %dma_start3A_13 = arith.constant 0 : i32
    %dma_start3A_14 = tpu.memref_slice %arg2[%dma_start3A_12, %dma_start3A_13] : memref<160000x128xf32, #tpu.memory_space<hbm>> -> memref<160000x128xf32, #tpu.memory_space<hbm>>
    tpu.enqueue_indirect_dma source(%dma_start3A_14 : memref<160000x128xf32, #tpu.memory_space<hbm>>) target(%dma_start3A_8 : memref<80x128xf32, #tpu.memory_space<vmem>>) offsets(%dma_start3A_11 : memref<80xi32, #tpu.memory_space<vmem>>) semaphore(%arg17 : memref<!tpu.dma_semaphore, #tpu.memory_space<semaphore_mem>>)
    %dma_start3A_15 = arith.constant 0 : i32
    %dma_start3A_16 = arith.constant 1 : i32
    %dma_start3A_17 = arith.constant 80 : i32
    %dma_start3A_18 = arith.constant 0 : i32
    %dma_start3A_19 = tpu.memref_slice %arg13[%dma_start3A_17, %dma_start3A_18] : memref<400x128xf32, #tpu.memory_space<vmem>> -> memref<80x128xf32, #tpu.memory_space<vmem>>
    %dma_start3A_20 = arith.constant 0 : i32
    %dma_start3A_21 = tpu.memref_slice %arg10[%dma_start3A_15, %dma_start3A_16, %dma_start3A_20] : memref<2x5x80xi32, #tpu.memory_space<vmem>> -> memref<1x1x80xi32, #tpu.memory_space<vmem>>
    %dma_start3A_22 = tpu.memref_squeeze %dma_start3A_21 : memref<1x1x80xi32, #tpu.memory_space<vmem>> -> memref<80xi32, #tpu.memory_space<vmem>>
    %dma_start3A_23 = arith.constant 0 : i32
    %dma_start3A_24 = arith.constant 0 : i32
    %dma_start3A_25 = tpu.memref_slice %arg2[%dma_start3A_23, %dma_start3A_24] : memref<160000x128xf32, #tpu.memory_space<hbm>> -> memref<160000x128xf32, #tpu.memory_space<hbm>>
    tpu.enqueue_indirect_dma source(%dma_start3A_25 : memref<160000x128xf32, #tpu.memory_space<hbm>>) target(%dma_start3A_19 : memref<80x128xf32, #tpu.memory_space<vmem>>) offsets(%dma_start3A_22 : memref<80xi32, #tpu.memory_space<vmem>>) semaphore(%arg17 : memref<!tpu.dma_semaphore, #tpu.memory_space<semaphore_mem>>)
    %dma_start3A_26 = arith.constant 0 : i32
    %dma_start3A_27 = arith.constant 2 : i32
    %dma_start3A_28 = arith.constant 160 : i32
    %dma_start3A_29 = arith.constant 0 : i32
    %dma_start3A_30 = tpu.memref_slice %arg13[%dma_start3A_28, %dma_start3A_29] : memref<400x128xf32, #tpu.memory_space<vmem>> -> memref<80x128xf32, #tpu.memory_space<vmem>>
    %dma_start3A_31 = arith.constant 0 : i32
    %dma_start3A_32 = tpu.memref_slice %arg10[%dma_start3A_26, %dma_start3A_27, %dma_start3A_31] : memref<2x5x80xi32, #tpu.memory_space<vmem>> -> memref<1x1x80xi32, #tpu.memory_space<vmem>>
    %dma_start3A_33 = tpu.memref_squeeze %dma_start3A_32 : memref<1x1x80xi32, #tpu.memory_space<vmem>> -> memref<80xi32, #tpu.memory_space<vmem>>
    %dma_start3A_34 = arith.constant 0 : i32
    %dma_start3A_35 = arith.constant 0 : i32
    %dma_start3A_36 = tpu.memref_slice %arg2[%dma_start3A_34, %dma_start3A_35] : memref<160000x128xf32, #tpu.memory_space<hbm>> -> memref<160000x128xf32, #tpu.memory_space<hbm>>
    tpu.enqueue_indirect_dma source(%dma_start3A_36 : memref<160000x128xf32, #tpu.memory_space<hbm>>) target(%dma_start3A_30 : memref<80x128xf32, #tpu.memory_space<vmem>>) offsets(%dma_start3A_33 : memref<80xi32, #tpu.memory_space<vmem>>) semaphore(%arg17 : memref<!tpu.dma_semaphore, #tpu.memory_space<semaphore_mem>>)
    %dma_start3A_37 = arith.constant 0 : i32
    %dma_start3A_38 = arith.constant 3 : i32
    %dma_start3A_39 = arith.constant 240 : i32
    %dma_start3A_40 = arith.constant 0 : i32
    %dma_start3A_41 = tpu.memref_slice %arg13[%dma_start3A_39, %dma_start3A_40] : memref<400x128xf32, #tpu.memory_space<vmem>> -> memref<80x128xf32, #tpu.memory_space<vmem>>
    %dma_start3A_42 = arith.constant 0 : i32
    %dma_start3A_43 = tpu.memref_slice %arg10[%dma_start3A_37, %dma_start3A_38, %dma_start3A_42] : memref<2x5x80xi32, #tpu.memory_space<vmem>> -> memref<1x1x80xi32, #tpu.memory_space<vmem>>
    %dma_start3A_44 = tpu.memref_squeeze %dma_start3A_43 : memref<1x1x80xi32, #tpu.memory_space<vmem>> -> memref<80xi32, #tpu.memory_space<vmem>>
    %dma_start3A_45 = arith.constant 0 : i32
    %dma_start3A_46 = arith.constant 0 : i32
    %dma_start3A_47 = tpu.memref_slice %arg2[%dma_start3A_45, %dma_start3A_46] : memref<160000x128xf32, #tpu.memory_space<hbm>> -> memref<160000x128xf32, #tpu.memory_space<hbm>>
    tpu.enqueue_indirect_dma source(%dma_start3A_47 : memref<160000x128xf32, #tpu.memory_space<hbm>>) target(%dma_start3A_41 : memref<80x128xf32, #tpu.memory_space<vmem>>) offsets(%dma_start3A_44 : memref<80xi32, #tpu.memory_space<vmem>>) semaphore(%arg17 : memref<!tpu.dma_semaphore, #tpu.memory_space<semaphore_mem>>)
    %dma_start3A_48 = arith.constant 0 : i32
    %dma_start3A_49 = arith.constant 4 : i32
    %dma_start3A_50 = arith.constant 320 : i32
    %dma_start3A_51 = arith.constant 0 : i32
    %dma_start3A_52 = tpu.memref_slice %arg13[%dma_start3A_50, %dma_start3A_51] : memref<400x128xf32, #tpu.memory_space<vmem>> -> memref<80x128xf32, #tpu.memory_space<vmem>>
    %dma_start3A_53 = arith.constant 0 : i32
    %dma_start3A_54 = tpu.memref_slice %arg10[%dma_start3A_48, %dma_start3A_49, %dma_start3A_53] : memref<2x5x80xi32, #tpu.memory_space<vmem>> -> memref<1x1x80xi32, #tpu.memory_space<vmem>>
    %dma_start3A_55 = tpu.memref_squeeze %dma_start3A_54 : memref<1x1x80xi32, #tpu.memory_space<vmem>> -> memref<80xi32, #tpu.memory_space<vmem>>
    %dma_start3A_56 = arith.constant 0 : i32
    %dma_start3A_57 = arith.constant 0 : i32
    %dma_start3A_58 = tpu.memref_slice %arg2[%dma_start3A_56, %dma_start3A_57] : memref<160000x128xf32, #tpu.memory_space<hbm>> -> memref<160000x128xf32, #tpu.memory_space<hbm>>
    tpu.enqueue_indirect_dma source(%dma_start3A_58 : memref<160000x128xf32, #tpu.memory_space<hbm>>) target(%dma_start3A_52 : memref<80x128xf32, #tpu.memory_space<vmem>>) offsets(%dma_start3A_55 : memref<80xi32, #tpu.memory_space<vmem>>) semaphore(%arg17 : memref<!tpu.dma_semaphore, #tpu.memory_space<semaphore_mem>>)
    %dma_start3A_59 = arith.constant 0 : i32
    %dma_start3A_60 = arith.constant 0 : i32
    %dma_start3A_61 = arith.constant 0 : i32
    %dma_start3A_62 = arith.constant 0 : i32
    %dma_start3A_63 = tpu.memref_slice %arg14[%dma_start3A_61, %dma_start3A_62] : memref<400x128xf32, #tpu.memory_space<vmem>> -> memref<80x128xf32, #tpu.memory_space<vmem>>
    %dma_start3A_64 = arith.constant 0 : i32
    %dma_start3A_65 = tpu.memref_slice %arg11[%dma_start3A_59, %dma_start3A_60, %dma_start3A_64] : memref<2x5x80xi32, #tpu.memory_space<vmem>> -> memref<1x1x80xi32, #tpu.memory_space<vmem>>
    %dma_start3A_66 = tpu.memref_squeeze %dma_start3A_65 : memref<1x1x80xi32, #tpu.memory_space<vmem>> -> memref<80xi32, #tpu.memory_space<vmem>>
    %dma_start3A_67 = arith.constant 0 : i32
    %dma_start3A_68 = arith.constant 0 : i32
    %dma_start3A_69 = tpu.memref_slice %arg2[%dma_start3A_67, %dma_start3A_68] : memref<160000x128xf32, #tpu.memory_space<hbm>> -> memref<160000x128xf32, #tpu.memory_space<hbm>>
    tpu.enqueue_indirect_dma source(%dma_start3A_69 : memref<160000x128xf32, #tpu.memory_space<hbm>>) target(%dma_start3A_63 : memref<80x128xf32, #tpu.memory_space<vmem>>) offsets(%dma_start3A_66 : memref<80xi32, #tpu.memory_space<vmem>>) semaphore(%arg18 : memref<!tpu.dma_semaphore, #tpu.memory_space<semaphore_mem>>)
    %dma_start3A_70 = arith.constant 0 : i32
    %dma_start3A_71 = arith.constant 1 : i32
    %dma_start3A_72 = arith.constant 80 : i32
    %dma_start3A_73 = arith.constant 0 : i32
    %dma_start3A_74 = tpu.memref_slice %arg14[%dma_start3A_72, %dma_start3A_73] : memref<400x128xf32, #tpu.memory_space<vmem>> -> memref<80x128xf32, #tpu.memory_space<vmem>>
    %dma_start3A_75 = arith.constant 0 : i32
    %dma_start3A_76 = tpu.memref_slice %arg11[%dma_start3A_70, %dma_start3A_71, %dma_start3A_75] : memref<2x5x80xi32, #tpu.memory_space<vmem>> -> memref<1x1x80xi32, #tpu.memory_space<vmem>>
    %dma_start3A_77 = tpu.memref_squeeze %dma_start3A_76 : memref<1x1x80xi32, #tpu.memory_space<vmem>> -> memref<80xi32, #tpu.memory_space<vmem>>
    %dma_start3A_78 = arith.constant 0 : i32
    %dma_start3A_79 = arith.constant 0 : i32
    %dma_start3A_80 = tpu.memref_slice %arg2[%dma_start3A_78, %dma_start3A_79] : memref<160000x128xf32, #tpu.memory_space<hbm>> -> memref<160000x128xf32, #tpu.memory_space<hbm>>
    tpu.enqueue_indirect_dma source(%dma_start3A_80 : memref<160000x128xf32, #tpu.memory_space<hbm>>) target(%dma_start3A_74 : memref<80x128xf32, #tpu.memory_space<vmem>>) offsets(%dma_start3A_77 : memref<80xi32, #tpu.memory_space<vmem>>) semaphore(%arg18 : memref<!tpu.dma_semaphore, #tpu.memory_space<semaphore_mem>>)
    %dma_start3A_81 = arith.constant 0 : i32
    %dma_start3A_82 = arith.constant 2 : i32
    %dma_start3A_83 = arith.constant 160 : i32
    %dma_start3A_84 = arith.constant 0 : i32
    %dma_start3A_85 = tpu.memref_slice %arg14[%dma_start3A_83, %dma_start3A_84] : memref<400x128xf32, #tpu.memory_space<vmem>> -> memref<80x128xf32, #tpu.memory_space<vmem>>
    %dma_start3A_86 = arith.constant 0 : i32
    %dma_start3A_87 = tpu.memref_slice %arg11[%dma_start3A_81, %dma_start3A_82, %dma_start3A_86] : memref<2x5x80xi32, #tpu.memory_space<vmem>> -> memref<1x1x80xi32, #tpu.memory_space<vmem>>
    %dma_start3A_88 = tpu.memref_squeeze %dma_start3A_87 : memref<1x1x80xi32, #tpu.memory_space<vmem>> -> memref<80xi32, #tpu.memory_space<vmem>>
    %dma_start3A_89 = arith.constant 0 : i32
    %dma_start3A_90 = arith.constant 0 : i32
    %dma_start3A_91 = tpu.memref_slice %arg2[%dma_start3A_89, %dma_start3A_90] : memref<160000x128xf32, #tpu.memory_space<hbm>> -> memref<160000x128xf32, #tpu.memory_space<hbm>>
    tpu.enqueue_indirect_dma source(%dma_start3A_91 : memref<160000x128xf32, #tpu.memory_space<hbm>>) target(%dma_start3A_85 : memref<80x128xf32, #tpu.memory_space<vmem>>) offsets(%dma_start3A_88 : memref<80xi32, #tpu.memory_space<vmem>>) semaphore(%arg18 : memref<!tpu.dma_semaphore, #tpu.memory_space<semaphore_mem>>)
    %dma_start3A_92 = arith.constant 0 : i32
    %dma_start3A_93 = arith.constant 3 : i32
    %dma_start3A_94 = arith.constant 240 : i32
    %dma_start3A_95 = arith.constant 0 : i32
    %dma_start3A_96 = tpu.memref_slice %arg14[%dma_start3A_94, %dma_start3A_95] : memref<400x128xf32, #tpu.memory_space<vmem>> -> memref<80x128xf32, #tpu.memory_space<vmem>>
    %dma_start3A_97 = arith.constant 0 : i32
    %dma_start3A_98 = tpu.memref_slice %arg11[%dma_start3A_92, %dma_start3A_93, %dma_start3A_97] : memref<2x5x80xi32, #tpu.memory_space<vmem>> -> memref<1x1x80xi32, #tpu.memory_space<vmem>>
    %dma_start3A_99 = tpu.memref_squeeze %dma_start3A_98 : memref<1x1x80xi32, #tpu.memory_space<vmem>> -> memref<80xi32, #tpu.memory_space<vmem>>
    %dma_start3A_100 = arith.constant 0 : i32
    %dma_start3A_101 = arith.constant 0 : i32
    %dma_start3A_102 = tpu.memref_slice %arg2[%dma_start3A_100, %dma_start3A_101] : memref<160000x128xf32, #tpu.memory_space<hbm>> -> memref<160000x128xf32, #tpu.memory_space<hbm>>
    tpu.enqueue_indirect_dma source(%dma_start3A_102 : memref<160000x128xf32, #tpu.memory_space<hbm>>) target(%dma_start3A_96 : memref<80x128xf32, #tpu.memory_space<vmem>>) offsets(%dma_start3A_99 : memref<80xi32, #tpu.memory_space<vmem>>) semaphore(%arg18 : memref<!tpu.dma_semaphore, #tpu.memory_space<semaphore_mem>>)
    %dma_start3A_103 = arith.constant 0 : i32
    %dma_start3A_104 = arith.constant 4 : i32
    %dma_start3A_105 = arith.constant 320 : i32
    %dma_start3A_106 = arith.constant 0 : i32
    %dma_start3A_107 = tpu.memref_slice %arg14[%dma_start3A_105, %dma_start3A_106] : memref<400x128xf32, #tpu.memory_space<vmem>> -> memref<80x128xf32, #tpu.memory_space<vmem>>
    %dma_start3A_108 = arith.constant 0 : i32
    %dma_start3A_109 = tpu.memref_slice %arg11[%dma_start3A_103, %dma_start3A_104, %dma_start3A_108] : memref<2x5x80xi32, #tpu.memory_space<vmem>> -> memref<1x1x80xi32, #tpu.memory_space<vmem>>
    %dma_start3A_110 = tpu.memref_squeeze %dma_start3A_109 : memref<1x1x80xi32, #tpu.memory_space<vmem>> -> memref<80xi32, #tpu.memory_space<vmem>>
    %dma_start3A_111 = arith.constant 0 : i32
    %dma_start3A_112 = arith.constant 0 : i32
    %dma_start3A_113 = tpu.memref_slice %arg2[%dma_start3A_111, %dma_start3A_112] : memref<160000x128xf32, #tpu.memory_space<hbm>> -> memref<160000x128xf32, #tpu.memory_space<hbm>>
    tpu.enqueue_indirect_dma source(%dma_start3A_113 : memref<160000x128xf32, #tpu.memory_space<hbm>>) target(%dma_start3A_107 : memref<80x128xf32, #tpu.memory_space<vmem>>) offsets(%dma_start3A_110 : memref<80xi32, #tpu.memory_space<vmem>>) semaphore(%arg18 : memref<!tpu.dma_semaphore, #tpu.memory_space<semaphore_mem>>)
    %dma_start3A_114 = arith.constant 0 : i32
    %dma_start3A_115 = arith.constant 0 : i32
    %dma_start3A_116 = arith.constant 0 : i32
    %dma_start3A_117 = tpu.memref_slice %arg12[%dma_start3A_114, %dma_start3A_115, %dma_start3A_116] : memref<2x1x40xi32, #tpu.memory_space<vmem>> -> memref<1x1x40xi32, #tpu.memory_space<vmem>>
    %dma_start3A_118 = tpu.memref_squeeze %dma_start3A_117 : memref<1x1x40xi32, #tpu.memory_space<vmem>> -> memref<40xi32, #tpu.memory_space<vmem>>
    %dma_start3A_119 = arith.constant 0 : i32
    %dma_start3A_120 = arith.constant 0 : i32
    %dma_start3A_121 = tpu.memref_slice %arg6[%dma_start3A_119, %dma_start3A_120] : memref<1024x128xf32, #tpu.memory_space<hbm>> -> memref<1024x128xf32, #tpu.memory_space<hbm>>
    tpu.enqueue_indirect_dma source(%dma_start3A_121 : memref<1024x128xf32, #tpu.memory_space<hbm>>) target(%arg16 : memref<40x128xf32, #tpu.memory_space<vmem>>) offsets(%dma_start3A_118 : memref<40xi32, #tpu.memory_space<vmem>>) semaphore(%arg19 : memref<!tpu.dma_semaphore, #tpu.memory_space<semaphore_mem>>)
    %scan3A = arith.constant 0 : i32
    %scan3A_122 = arith.constant 0 : i32
    %scan3A_123 = arith.constant 125 : i32
    %scan3A_124 = arith.addi %scan3A_122, %scan3A_123 : i32
    %scan3A_125 = arith.constant 1 : i32
    %scan3A_126 = scf.for %scan3A_245 = %scan3A_122 to %scan3A_124 step %scan3A_125 iter_args(%scan3A_246 = %scan3A) -> (i32)  : i32 {
      %rem3A = arith.constant 2 : i32
      %rem3A_247 = arith.remsi %scan3A_245, %rem3A : i32
      %sub3A = arith.constant 1 : i32
      %sub3A_248 = arith.subi %sub3A, %rem3A_247 : i32
      %mul3A_249 = arith.constant 125 : i32
      %mul3A_250 = arith.muli %add3A, %mul3A_249 : i32
      %add3A_251 = arith.addi %mul3A_250, %scan3A_245 : i32
      %mul3A_252 = arith.constant 40 : i32
      %mul3A_253 = arith.muli %add3A_251, %mul3A_252 : i32
      %add3A_254 = arith.constant 1 : i32
      %add3A_255 = arith.addi %add3A_251, %add3A_254 : i32
      "tpu.region"() ({
        %run_scoped3A_496 = tpu.sem_alloc : memref<!tpu.dma_semaphore, #tpu.memory_space<semaphore_mem>>
        %dma_start3A_497 = arith.constant 0 : i32
        %dma_start3A_498 = arith.constant 0 : i32
        %dma_start3A_499 = tpu.memref_slice %arg10[%sub3A_248, %dma_start3A_497, %dma_start3A_498] : memref<2x5x80xi32, #tpu.memory_space<vmem>> -> memref<1x5x80xi32, #tpu.memory_space<vmem>>
        %dma_start3A_500 = tpu.memref_squeeze %dma_start3A_499 : memref<1x5x80xi32, #tpu.memory_space<vmem>> -> memref<5x80xi32, #tpu.memory_space<vmem>>
        %dma_start3A_501 = arith.constant 0 : i32
        %dma_start3A_502 = arith.constant 0 : i32
        %dma_start3A_503 = tpu.memref_slice %arg3[%add3A_255, %dma_start3A_501, %dma_start3A_502] : memref<4001x5x80xi32, #tpu.memory_space<hbm>> -> memref<1x5x80xi32, #tpu.memory_space<hbm>>
        %dma_start3A_504 = tpu.memref_squeeze %dma_start3A_503 : memref<1x5x80xi32, #tpu.memory_space<hbm>> -> memref<5x80xi32, #tpu.memory_space<hbm>>
        %dma_start3A_505 = arith.constant 0 : i32
        %dma_start3A_506 = arith.constant 0 : i32
        %dma_start3A_507 = tpu.memref_slice %arg10[%sub3A_248, %dma_start3A_505, %dma_start3A_506] : memref<2x5x80xi32, #tpu.memory_space<vmem>> -> memref<1x5x80xi32, #tpu.memory_space<vmem>>
        %dma_start3A_508 = tpu.memref_squeeze %dma_start3A_507 : memref<1x5x80xi32, #tpu.memory_space<vmem>> -> memref<5x80xi32, #tpu.memory_space<vmem>>
        %dma_start3A_509 = arith.constant 0 : i32
        %dma_start3A_510 = arith.constant 0 : i32
        %dma_start3A_511 = tpu.memref_slice %arg3[%add3A_255, %dma_start3A_509, %dma_start3A_510] : memref<4001x5x80xi32, #tpu.memory_space<hbm>> -> memref<1x5x80xi32, #tpu.memory_space<hbm>>
        %dma_start3A_512 = tpu.memref_squeeze %dma_start3A_511 : memref<1x5x80xi32, #tpu.memory_space<hbm>> -> memref<5x80xi32, #tpu.memory_space<hbm>>
        tpu.enqueue_dma source(%dma_start3A_512 : memref<5x80xi32, #tpu.memory_space<hbm>>) target(%dma_start3A_508 : memref<5x80xi32, #tpu.memory_space<vmem>>) target_semaphore(%run_scoped3A_496 : memref<!tpu.dma_semaphore, #tpu.memory_space<semaphore_mem>>)
        %dma_wait3A_513 = arith.constant 0 : i32
        %dma_wait3A_514 = arith.constant 0 : i32
        %dma_wait3A_515 = tpu.memref_slice %arg10[%sub3A_248, %dma_wait3A_513, %dma_wait3A_514] : memref<2x5x80xi32, #tpu.memory_space<vmem>> -> memref<1x5x80xi32, #tpu.memory_space<vmem>>
        %dma_wait3A_516 = tpu.memref_squeeze %dma_wait3A_515 : memref<1x5x80xi32, #tpu.memory_space<vmem>> -> memref<5x80xi32, #tpu.memory_space<vmem>>
        %dma_wait3A_517 = arith.constant 0 : i32
        %dma_wait3A_518 = arith.constant 0 : i32
        %dma_wait3A_519 = tpu.memref_slice %arg3[%add3A_255, %dma_wait3A_517, %dma_wait3A_518] : memref<4001x5x80xi32, #tpu.memory_space<hbm>> -> memref<1x5x80xi32, #tpu.memory_space<hbm>>
        %dma_wait3A_520 = tpu.memref_squeeze %dma_wait3A_519 : memref<1x5x80xi32, #tpu.memory_space<hbm>> -> memref<5x80xi32, #tpu.memory_space<hbm>>
        %dma_wait3A_521 = arith.constant 0 : i32
        %dma_wait3A_522 = arith.constant 0 : i32
        %dma_wait3A_523 = tpu.memref_slice %arg10[%sub3A_248, %dma_wait3A_521, %dma_wait3A_522] : memref<2x5x80xi32, #tpu.memory_space<vmem>> -> memref<1x5x80xi32, #tpu.memory_space<vmem>>
        %dma_wait3A_524 = tpu.memref_squeeze %dma_wait3A_523 : memref<1x5x80xi32, #tpu.memory_space<vmem>> -> memref<5x80xi32, #tpu.memory_space<vmem>>
        %dma_wait3A_525 = arith.constant 0 : i32
        %dma_wait3A_526 = arith.constant 0 : i32
        %dma_wait3A_527 = tpu.memref_slice %arg3[%add3A_255, %dma_wait3A_525, %dma_wait3A_526] : memref<4001x5x80xi32, #tpu.memory_space<hbm>> -> memref<1x5x80xi32, #tpu.memory_space<hbm>>
        %dma_wait3A_528 = tpu.memref_squeeze %dma_wait3A_527 : memref<1x5x80xi32, #tpu.memory_space<hbm>> -> memref<5x80xi32, #tpu.memory_space<hbm>>
        tpu.wait_dma2 semaphore(%run_scoped3A_496 : memref<!tpu.dma_semaphore, #tpu.memory_space<semaphore_mem>>) src(%dma_wait3A_528 : memref<5x80xi32, #tpu.memory_space<hbm>>) dst(%dma_wait3A_524 : memref<5x80xi32, #tpu.memory_space<vmem>>)
        tpu.yield
      }) : () -> ()
      "tpu.region"() ({
        %run_scoped3A_496 = tpu.sem_alloc : memref<!tpu.dma_semaphore, #tpu.memory_space<semaphore_mem>>
        %dma_start3A_497 = arith.constant 0 : i32
        %dma_start3A_498 = arith.constant 0 : i32
        %dma_start3A_499 = tpu.memref_slice %arg11[%sub3A_248, %dma_start3A_497, %dma_start3A_498] : memref<2x5x80xi32, #tpu.memory_space<vmem>> -> memref<1x5x80xi32, #tpu.memory_space<vmem>>
        %dma_start3A_500 = tpu.memref_squeeze %dma_start3A_499 : memref<1x5x80xi32, #tpu.memory_space<vmem>> -> memref<5x80xi32, #tpu.memory_space<vmem>>
        %dma_start3A_501 = arith.constant 0 : i32
        %dma_start3A_502 = arith.constant 0 : i32
        %dma_start3A_503 = tpu.memref_slice %arg4[%add3A_255, %dma_start3A_501, %dma_start3A_502] : memref<4001x5x80xi32, #tpu.memory_space<hbm>> -> memref<1x5x80xi32, #tpu.memory_space<hbm>>
        %dma_start3A_504 = tpu.memref_squeeze %dma_start3A_503 : memref<1x5x80xi32, #tpu.memory_space<hbm>> -> memref<5x80xi32, #tpu.memory_space<hbm>>
        %dma_start3A_505 = arith.constant 0 : i32
        %dma_start3A_506 = arith.constant 0 : i32
        %dma_start3A_507 = tpu.memref_slice %arg11[%sub3A_248, %dma_start3A_505, %dma_start3A_506] : memref<2x5x80xi32, #tpu.memory_space<vmem>> -> memref<1x5x80xi32, #tpu.memory_space<vmem>>
        %dma_start3A_508 = tpu.memref_squeeze %dma_start3A_507 : memref<1x5x80xi32, #tpu.memory_space<vmem>> -> memref<5x80xi32, #tpu.memory_space<vmem>>
        %dma_start3A_509 = arith.constant 0 : i32
        %dma_start3A_510 = arith.constant 0 : i32
        %dma_start3A_511 = tpu.memref_slice %arg4[%add3A_255, %dma_start3A_509, %dma_start3A_510] : memref<4001x5x80xi32, #tpu.memory_space<hbm>> -> memref<1x5x80xi32, #tpu.memory_space<hbm>>
        %dma_start3A_512 = tpu.memref_squeeze %dma_start3A_511 : memref<1x5x80xi32, #tpu.memory_space<hbm>> -> memref<5x80xi32, #tpu.memory_space<hbm>>
        tpu.enqueue_dma source(%dma_start3A_512 : memref<5x80xi32, #tpu.memory_space<hbm>>) target(%dma_start3A_508 : memref<5x80xi32, #tpu.memory_space<vmem>>) target_semaphore(%run_scoped3A_496 : memref<!tpu.dma_semaphore, #tpu.memory_space<semaphore_mem>>)
        %dma_wait3A_513 = arith.constant 0 : i32
        %dma_wait3A_514 = arith.constant 0 : i32
        %dma_wait3A_515 = tpu.memref_slice %arg11[%sub3A_248, %dma_wait3A_513, %dma_wait3A_514] : memref<2x5x80xi32, #tpu.memory_space<vmem>> -> memref<1x5x80xi32, #tpu.memory_space<vmem>>
        %dma_wait3A_516 = tpu.memref_squeeze %dma_wait3A_515 : memref<1x5x80xi32, #tpu.memory_space<vmem>> -> memref<5x80xi32, #tpu.memory_space<vmem>>
        %dma_wait3A_517 = arith.constant 0 : i32
        %dma_wait3A_518 = arith.constant 0 : i32
        %dma_wait3A_519 = tpu.memref_slice %arg4[%add3A_255, %dma_wait3A_517, %dma_wait3A_518] : memref<4001x5x80xi32, #tpu.memory_space<hbm>> -> memref<1x5x80xi32, #tpu.memory_space<hbm>>
        %dma_wait3A_520 = tpu.memref_squeeze %dma_wait3A_519 : memref<1x5x80xi32, #tpu.memory_space<hbm>> -> memref<5x80xi32, #tpu.memory_space<hbm>>
        %dma_wait3A_521 = arith.constant 0 : i32
        %dma_wait3A_522 = arith.constant 0 : i32
        %dma_wait3A_523 = tpu.memref_slice %arg11[%sub3A_248, %dma_wait3A_521, %dma_wait3A_522] : memref<2x5x80xi32, #tpu.memory_space<vmem>> -> memref<1x5x80xi32, #tpu.memory_space<vmem>>
        %dma_wait3A_524 = tpu.memref_squeeze %dma_wait3A_523 : memref<1x5x80xi32, #tpu.memory_space<vmem>> -> memref<5x80xi32, #tpu.memory_space<vmem>>
        %dma_wait3A_525 = arith.constant 0 : i32
        %dma_wait3A_526 = arith.constant 0 : i32
        %dma_wait3A_527 = tpu.memref_slice %arg4[%add3A_255, %dma_wait3A_525, %dma_wait3A_526] : memref<4001x5x80xi32, #tpu.memory_space<hbm>> -> memref<1x5x80xi32, #tpu.memory_space<hbm>>
        %dma_wait3A_528 = tpu.memref_squeeze %dma_wait3A_527 : memref<1x5x80xi32, #tpu.memory_space<hbm>> -> memref<5x80xi32, #tpu.memory_space<hbm>>
        tpu.wait_dma2 semaphore(%run_scoped3A_496 : memref<!tpu.dma_semaphore, #tpu.memory_space<semaphore_mem>>) src(%dma_wait3A_528 : memref<5x80xi32, #tpu.memory_space<hbm>>) dst(%dma_wait3A_524 : memref<5x80xi32, #tpu.memory_space<vmem>>)
        tpu.yield
      }) : () -> ()
      "tpu.region"() ({
        %run_scoped3A_496 = tpu.sem_alloc : memref<!tpu.dma_semaphore, #tpu.memory_space<semaphore_mem>>
        %dma_start3A_497 = arith.constant 0 : i32
        %dma_start3A_498 = arith.constant 0 : i32
        %dma_start3A_499 = tpu.memref_slice %arg12[%sub3A_248, %dma_start3A_497, %dma_start3A_498] : memref<2x1x40xi32, #tpu.memory_space<vmem>> -> memref<1x1x40xi32, #tpu.memory_space<vmem>>
        %dma_start3A_500 = tpu.memref_squeeze %dma_start3A_499 : memref<1x1x40xi32, #tpu.memory_space<vmem>> -> memref<1x40xi32, #tpu.memory_space<vmem>>
        %dma_start3A_501 = arith.constant 0 : i32
        %dma_start3A_502 = arith.constant 0 : i32
        %dma_start3A_503 = tpu.memref_slice %arg5[%add3A_255, %dma_start3A_501, %dma_start3A_502] : memref<4001x1x40xi32, #tpu.memory_space<hbm>> -> memref<1x1x40xi32, #tpu.memory_space<hbm>>
        %dma_start3A_504 = tpu.memref_squeeze %dma_start3A_503 : memref<1x1x40xi32, #tpu.memory_space<hbm>> -> memref<1x40xi32, #tpu.memory_space<hbm>>
        %dma_start3A_505 = arith.constant 0 : i32
        %dma_start3A_506 = arith.constant 0 : i32
        %dma_start3A_507 = tpu.memref_slice %arg12[%sub3A_248, %dma_start3A_505, %dma_start3A_506] : memref<2x1x40xi32, #tpu.memory_space<vmem>> -> memref<1x1x40xi32, #tpu.memory_space<vmem>>
        %dma_start3A_508 = tpu.memref_squeeze %dma_start3A_507 : memref<1x1x40xi32, #tpu.memory_space<vmem>> -> memref<1x40xi32, #tpu.memory_space<vmem>>
        %dma_start3A_509 = arith.constant 0 : i32
        %dma_start3A_510 = arith.constant 0 : i32
        %dma_start3A_511 = tpu.memref_slice %arg5[%add3A_255, %dma_start3A_509, %dma_start3A_510] : memref<4001x1x40xi32, #tpu.memory_space<hbm>> -> memref<1x1x40xi32, #tpu.memory_space<hbm>>
        %dma_start3A_512 = tpu.memref_squeeze %dma_start3A_511 : memref<1x1x40xi32, #tpu.memory_space<hbm>> -> memref<1x40xi32, #tpu.memory_space<hbm>>
        tpu.enqueue_dma source(%dma_start3A_512 : memref<1x40xi32, #tpu.memory_space<hbm>>) target(%dma_start3A_508 : memref<1x40xi32, #tpu.memory_space<vmem>>) target_semaphore(%run_scoped3A_496 : memref<!tpu.dma_semaphore, #tpu.memory_space<semaphore_mem>>)
        %dma_wait3A_513 = arith.constant 0 : i32
        %dma_wait3A_514 = arith.constant 0 : i32
        %dma_wait3A_515 = tpu.memref_slice %arg12[%sub3A_248, %dma_wait3A_513, %dma_wait3A_514] : memref<2x1x40xi32, #tpu.memory_space<vmem>> -> memref<1x1x40xi32, #tpu.memory_space<vmem>>
        %dma_wait3A_516 = tpu.memref_squeeze %dma_wait3A_515 : memref<1x1x40xi32, #tpu.memory_space<vmem>> -> memref<1x40xi32, #tpu.memory_space<vmem>>
        %dma_wait3A_517 = arith.constant 0 : i32
        %dma_wait3A_518 = arith.constant 0 : i32
        %dma_wait3A_519 = tpu.memref_slice %arg5[%add3A_255, %dma_wait3A_517, %dma_wait3A_518] : memref<4001x1x40xi32, #tpu.memory_space<hbm>> -> memref<1x1x40xi32, #tpu.memory_space<hbm>>
        %dma_wait3A_520 = tpu.memref_squeeze %dma_wait3A_519 : memref<1x1x40xi32, #tpu.memory_space<hbm>> -> memref<1x40xi32, #tpu.memory_space<hbm>>
        %dma_wait3A_521 = arith.constant 0 : i32
        %dma_wait3A_522 = arith.constant 0 : i32
        %dma_wait3A_523 = tpu.memref_slice %arg12[%sub3A_248, %dma_wait3A_521, %dma_wait3A_522] : memref<2x1x40xi32, #tpu.memory_space<vmem>> -> memref<1x1x40xi32, #tpu.memory_space<vmem>>
        %dma_wait3A_524 = tpu.memref_squeeze %dma_wait3A_523 : memref<1x1x40xi32, #tpu.memory_space<vmem>> -> memref<1x40xi32, #tpu.memory_space<vmem>>
        %dma_wait3A_525 = arith.constant 0 : i32
        %dma_wait3A_526 = arith.constant 0 : i32
        %dma_wait3A_527 = tpu.memref_slice %arg5[%add3A_255, %dma_wait3A_525, %dma_wait3A_526] : memref<4001x1x40xi32, #tpu.memory_space<hbm>> -> memref<1x1x40xi32, #tpu.memory_space<hbm>>
        %dma_wait3A_528 = tpu.memref_squeeze %dma_wait3A_527 : memref<1x1x40xi32, #tpu.memory_space<hbm>> -> memref<1x40xi32, #tpu.memory_space<hbm>>
        tpu.wait_dma2 semaphore(%run_scoped3A_496 : memref<!tpu.dma_semaphore, #tpu.memory_space<semaphore_mem>>) src(%dma_wait3A_528 : memref<1x40xi32, #tpu.memory_space<hbm>>) dst(%dma_wait3A_524 : memref<1x40xi32, #tpu.memory_space<vmem>>)
        tpu.yield
      }) : () -> ()
      %dma_wait3A_256 = arith.constant 0 : i32
      %dma_wait3A_257 = arith.constant 0 : i32
      %dma_wait3A_258 = arith.constant 0 : i32
      %dma_wait3A_259 = arith.constant 0 : i32
      %dma_wait3A_260 = tpu.memref_slice %arg13[%dma_wait3A_258, %dma_wait3A_259] : memref<400x128xf32, #tpu.memory_space<vmem>> -> memref<80x128xf32, #tpu.memory_space<vmem>>
      %dma_wait3A_261 = arith.constant 0 : i32
      %dma_wait3A_262 = tpu.memref_slice %arg10[%dma_wait3A_256, %dma_wait3A_257, %dma_wait3A_261] : memref<2x5x80xi32, #tpu.memory_space<vmem>> -> memref<1x1x80xi32, #tpu.memory_space<vmem>>
      %dma_wait3A_263 = tpu.memref_squeeze %dma_wait3A_262 : memref<1x1x80xi32, #tpu.memory_space<vmem>> -> memref<80xi32, #tpu.memory_space<vmem>>
      %dma_wait3A_264 = arith.constant 0 : i32
      %dma_wait3A_265 = arith.constant 0 : i32
      %dma_wait3A_266 = tpu.memref_slice %arg2[%dma_wait3A_264, %dma_wait3A_265] : memref<160000x128xf32, #tpu.memory_space<hbm>> -> memref<160000x128xf32, #tpu.memory_space<hbm>>
      tpu.wait_indirect_dma semaphore(%arg17 : memref<!tpu.dma_semaphore, #tpu.memory_space<semaphore_mem>>) src(%dma_wait3A_266 : memref<160000x128xf32, #tpu.memory_space<hbm>>) dst(%dma_wait3A_260 : memref<80x128xf32, #tpu.memory_space<vmem>>)
      %dma_wait3A_267 = arith.constant 0 : i32
      %dma_wait3A_268 = arith.constant 1 : i32
      %dma_wait3A_269 = arith.constant 80 : i32
      %dma_wait3A_270 = arith.constant 0 : i32
      %dma_wait3A_271 = tpu.memref_slice %arg13[%dma_wait3A_269, %dma_wait3A_270] : memref<400x128xf32, #tpu.memory_space<vmem>> -> memref<80x128xf32, #tpu.memory_space<vmem>>
      %dma_wait3A_272 = arith.constant 0 : i32
      %dma_wait3A_273 = tpu.memref_slice %arg10[%dma_wait3A_267, %dma_wait3A_268, %dma_wait3A_272] : memref<2x5x80xi32, #tpu.memory_space<vmem>> -> memref<1x1x80xi32, #tpu.memory_space<vmem>>
      %dma_wait3A_274 = tpu.memref_squeeze %dma_wait3A_273 : memref<1x1x80xi32, #tpu.memory_space<vmem>> -> memref<80xi32, #tpu.memory_space<vmem>>
      %dma_wait3A_275 = arith.constant 0 : i32
      %dma_wait3A_276 = arith.constant 0 : i32
      %dma_wait3A_277 = tpu.memref_slice %arg2[%dma_wait3A_275, %dma_wait3A_276] : memref<160000x128xf32, #tpu.memory_space<hbm>> -> memref<160000x128xf32, #tpu.memory_space<hbm>>
      tpu.wait_indirect_dma semaphore(%arg17 : memref<!tpu.dma_semaphore, #tpu.memory_space<semaphore_mem>>) src(%dma_wait3A_277 : memref<160000x128xf32, #tpu.memory_space<hbm>>) dst(%dma_wait3A_271 : memref<80x128xf32, #tpu.memory_space<vmem>>)
      %dma_wait3A_278 = arith.constant 0 : i32
      %dma_wait3A_279 = arith.constant 2 : i32
      %dma_wait3A_280 = arith.constant 160 : i32
      %dma_wait3A_281 = arith.constant 0 : i32
      %dma_wait3A_282 = tpu.memref_slice %arg13[%dma_wait3A_280, %dma_wait3A_281] : memref<400x128xf32, #tpu.memory_space<vmem>> -> memref<80x128xf32, #tpu.memory_space<vmem>>
      %dma_wait3A_283 = arith.constant 0 : i32
      %dma_wait3A_284 = tpu.memref_slice %arg10[%dma_wait3A_278, %dma_wait3A_279, %dma_wait3A_283] : memref<2x5x80xi32, #tpu.memory_space<vmem>> -> memref<1x1x80xi32, #tpu.memory_space<vmem>>
      %dma_wait3A_285 = tpu.memref_squeeze %dma_wait3A_284 : memref<1x1x80xi32, #tpu.memory_space<vmem>> -> memref<80xi32, #tpu.memory_space<vmem>>
      %dma_wait3A_286 = arith.constant 0 : i32
      %dma_wait3A_287 = arith.constant 0 : i32
      %dma_wait3A_288 = tpu.memref_slice %arg2[%dma_wait3A_286, %dma_wait3A_287] : memref<160000x128xf32, #tpu.memory_space<hbm>> -> memref<160000x128xf32, #tpu.memory_space<hbm>>
      tpu.wait_indirect_dma semaphore(%arg17 : memref<!tpu.dma_semaphore, #tpu.memory_space<semaphore_mem>>) src(%dma_wait3A_288 : memref<160000x128xf32, #tpu.memory_space<hbm>>) dst(%dma_wait3A_282 : memref<80x128xf32, #tpu.memory_space<vmem>>)
      %dma_wait3A_289 = arith.constant 0 : i32
      %dma_wait3A_290 = arith.constant 3 : i32
      %dma_wait3A_291 = arith.constant 240 : i32
      %dma_wait3A_292 = arith.constant 0 : i32
      %dma_wait3A_293 = tpu.memref_slice %arg13[%dma_wait3A_291, %dma_wait3A_292] : memref<400x128xf32, #tpu.memory_space<vmem>> -> memref<80x128xf32, #tpu.memory_space<vmem>>
      %dma_wait3A_294 = arith.constant 0 : i32
      %dma_wait3A_295 = tpu.memref_slice %arg10[%dma_wait3A_289, %dma_wait3A_290, %dma_wait3A_294] : memref<2x5x80xi32, #tpu.memory_space<vmem>> -> memref<1x1x80xi32, #tpu.memory_space<vmem>>
      %dma_wait3A_296 = tpu.memref_squeeze %dma_wait3A_295 : memref<1x1x80xi32, #tpu.memory_space<vmem>> -> memref<80xi32, #tpu.memory_space<vmem>>
      %dma_wait3A_297 = arith.constant 0 : i32
      %dma_wait3A_298 = arith.constant 0 : i32
      %dma_wait3A_299 = tpu.memref_slice %arg2[%dma_wait3A_297, %dma_wait3A_298] : memref<160000x128xf32, #tpu.memory_space<hbm>> -> memref<160000x128xf32, #tpu.memory_space<hbm>>
      tpu.wait_indirect_dma semaphore(%arg17 : memref<!tpu.dma_semaphore, #tpu.memory_space<semaphore_mem>>) src(%dma_wait3A_299 : memref<160000x128xf32, #tpu.memory_space<hbm>>) dst(%dma_wait3A_293 : memref<80x128xf32, #tpu.memory_space<vmem>>)
      %dma_wait3A_300 = arith.constant 0 : i32
      %dma_wait3A_301 = arith.constant 4 : i32
      %dma_wait3A_302 = arith.constant 320 : i32
      %dma_wait3A_303 = arith.constant 0 : i32
      %dma_wait3A_304 = tpu.memref_slice %arg13[%dma_wait3A_302, %dma_wait3A_303] : memref<400x128xf32, #tpu.memory_space<vmem>> -> memref<80x128xf32, #tpu.memory_space<vmem>>
      %dma_wait3A_305 = arith.constant 0 : i32
      %dma_wait3A_306 = tpu.memref_slice %arg10[%dma_wait3A_300, %dma_wait3A_301, %dma_wait3A_305] : memref<2x5x80xi32, #tpu.memory_space<vmem>> -> memref<1x1x80xi32, #tpu.memory_space<vmem>>
      %dma_wait3A_307 = tpu.memref_squeeze %dma_wait3A_306 : memref<1x1x80xi32, #tpu.memory_space<vmem>> -> memref<80xi32, #tpu.memory_space<vmem>>
      %dma_wait3A_308 = arith.constant 0 : i32
      %dma_wait3A_309 = arith.constant 0 : i32
      %dma_wait3A_310 = tpu.memref_slice %arg2[%dma_wait3A_308, %dma_wait3A_309] : memref<160000x128xf32, #tpu.memory_space<hbm>> -> memref<160000x128xf32, #tpu.memory_space<hbm>>
      tpu.wait_indirect_dma semaphore(%arg17 : memref<!tpu.dma_semaphore, #tpu.memory_space<semaphore_mem>>) src(%dma_wait3A_310 : memref<160000x128xf32, #tpu.memory_space<hbm>>) dst(%dma_wait3A_304 : memref<80x128xf32, #tpu.memory_space<vmem>>)
      %scan3A_311 = arith.constant 0 : i32
      %scan3A_312 = arith.constant 0 : i32
      %scan3A_313 = arith.constant 40 : i32
      %scan3A_314 = arith.addi %scan3A_312, %scan3A_313 : i32
      %scan3A_315 = arith.constant 1 : i32
      %scan3A_316 = scf.for %scan3A_496 = %scan3A_312 to %scan3A_314 step %scan3A_315 iter_args(%scan3A_497 = %scan3A_311) -> (i32)  : i32 {
        %mul3A_498 = arith.constant 10 : i32
        %mul3A_499 = arith.muli %scan3A_496, %mul3A_498 : i32
        %get3A = arith.index_cast %mul3A_499 : i32 to index
        %get3A_500 = arith.constant 0 : index
        %get3A_501 = tpu.vector_load %arg13[%get3A, %get3A_500] {strides = array<i32>} : memref<400x128xf32, #tpu.memory_space<vmem>>, vector<1x16xf32>,
        %get3A_502 = vector.shape_cast %get3A_501 : vector<1x16xf32> to vector<16xf32>
        %add3A_503 = arith.constant 1 : i32
        %add3A_504 = arith.addi %mul3A_499, %add3A_503 : i32
        %get3A_505 = arith.index_cast %add3A_504 : i32 to index
        %get3A_506 = arith.constant 0 : index
        %get3A_507 = tpu.vector_load %arg13[%get3A_505, %get3A_506] {strides = array<i32>} : memref<400x128xf32, #tpu.memory_space<vmem>>, vector<1x16xf32>,
        %get3A_508 = vector.shape_cast %get3A_507 : vector<1x16xf32> to vector<16xf32>
        %add3A_509 = arith.addf %get3A_502, %get3A_508 : vector<16xf32>
        %add3A_510 = arith.constant 2 : i32
        %add3A_511 = arith.addi %mul3A_499, %add3A_510 : i32
        %get3A_512 = arith.index_cast %add3A_511 : i32 to index
        %get3A_513 = arith.constant 0 : index
        %get3A_514 = tpu.vector_load %arg13[%get3A_512, %get3A_513] {strides = array<i32>} : memref<400x128xf32, #tpu.memory_space<vmem>>, vector<1x16xf32>,
        %get3A_515 = vector.shape_cast %get3A_514 : vector<1x16xf32> to vector<16xf32>
        %add3A_516 = arith.addf %add3A_509, %get3A_515 : vector<16xf32>
        %add3A_517 = arith.constant 3 : i32
        %add3A_518 = arith.addi %mul3A_499, %add3A_517 : i32
        %get3A_519 = arith.index_cast %add3A_518 : i32 to index
        %get3A_520 = arith.constant 0 : index
        %get3A_521 = tpu.vector_load %arg13[%get3A_519, %get3A_520] {strides = array<i32>} : memref<400x128xf32, #tpu.memory_space<vmem>>, vector<1x16xf32>,
        %get3A_522 = vector.shape_cast %get3A_521 : vector<1x16xf32> to vector<16xf32>
        %add3A_523 = arith.addf %add3A_516, %get3A_522 : vector<16xf32>
        %add3A_524 = arith.constant 4 : i32
        %add3A_525 = arith.addi %mul3A_499, %add3A_524 : i32
        %get3A_526 = arith.index_cast %add3A_525 : i32 to index
        %get3A_527 = arith.constant 0 : index
        %get3A_528 = tpu.vector_load %arg13[%get3A_526, %get3A_527] {strides = array<i32>} : memref<400x128xf32, #tpu.memory_space<vmem>>, vector<1x16xf32>,
        %get3A_529 = vector.shape_cast %get3A_528 : vector<1x16xf32> to vector<16xf32>
        %add3A_530 = arith.addf %add3A_523, %get3A_529 : vector<16xf32>
        %add3A_531 = arith.constant 5 : i32
        %add3A_532 = arith.addi %mul3A_499, %add3A_531 : i32
        %get3A_533 = arith.index_cast %add3A_532 : i32 to index
        %get3A_534 = arith.constant 0 : index
        %get3A_535 = tpu.vector_load %arg13[%get3A_533, %get3A_534] {strides = array<i32>} : memref<400x128xf32, #tpu.memory_space<vmem>>, vector<1x16xf32>,
        %get3A_536 = vector.shape_cast %get3A_535 : vector<1x16xf32> to vector<16xf32>
        %add3A_537 = arith.addf %add3A_530, %get3A_536 : vector<16xf32>
        %add3A_538 = arith.constant 6 : i32
        %add3A_539 = arith.addi %mul3A_499, %add3A_538 : i32
        %get3A_540 = arith.index_cast %add3A_539 : i32 to index
        %get3A_541 = arith.constant 0 : index
        %get3A_542 = tpu.vector_load %arg13[%get3A_540, %get3A_541] {strides = array<i32>} : memref<400x128xf32, #tpu.memory_space<vmem>>, vector<1x16xf32>,
        %get3A_543 = vector.shape_cast %get3A_542 : vector<1x16xf32> to vector<16xf32>
        %add3A_544 = arith.addf %add3A_537, %get3A_543 : vector<16xf32>
        %add3A_545 = arith.constant 7 : i32
        %add3A_546 = arith.addi %mul3A_499, %add3A_545 : i32
        %get3A_547 = arith.index_cast %add3A_546 : i32 to index
        %get3A_548 = arith.constant 0 : index
        %get3A_549 = tpu.vector_load %arg13[%get3A_547, %get3A_548] {strides = array<i32>} : memref<400x128xf32, #tpu.memory_space<vmem>>, vector<1x16xf32>,
        %get3A_550 = vector.shape_cast %get3A_549 : vector<1x16xf32> to vector<16xf32>
        %add3A_551 = arith.addf %add3A_544, %get3A_550 : vector<16xf32>
        %add3A_552 = arith.constant 8 : i32
        %add3A_553 = arith.addi %mul3A_499, %add3A_552 : i32
        %get3A_554 = arith.index_cast %add3A_553 : i32 to index
        %get3A_555 = arith.constant 0 : index
        %get3A_556 = tpu.vector_load %arg13[%get3A_554, %get3A_555] {strides = array<i32>} : memref<400x128xf32, #tpu.memory_space<vmem>>, vector<1x16xf32>,
        %get3A_557 = vector.shape_cast %get3A_556 : vector<1x16xf32> to vector<16xf32>
        %add3A_558 = arith.addf %add3A_551, %get3A_557 : vector<16xf32>
        %add3A_559 = arith.constant 9 : i32
        %add3A_560 = arith.addi %mul3A_499, %add3A_559 : i32
        %get3A_561 = arith.index_cast %add3A_560 : i32 to index
        %get3A_562 = arith.constant 0 : index
        %get3A_563 = tpu.vector_load %arg13[%get3A_561, %get3A_562] {strides = array<i32>} : memref<400x128xf32, #tpu.memory_space<vmem>>, vector<1x16xf32>,
        %get3A_564 = vector.shape_cast %get3A_563 : vector<1x16xf32> to vector<16xf32>
        %add3A_565 = arith.addf %add3A_558, %get3A_564 : vector<16xf32>
        %swap3A = arith.index_cast %scan3A_496 : i32 to index
        %swap3A_566 = arith.constant 0 : index
        %swap3A_567 = tpu.vector_load %arg15[%swap3A, %swap3A_566] {strides = array<i32>} : memref<40x128xf32, #tpu.memory_space<vmem>>, vector<1x16xf32>,
        %swap3A_568 = vector.shape_cast %swap3A_567 : vector<1x16xf32> to vector<16xf32>
        %swap3A_569 = vector.shape_cast %add3A_565 : vector<16xf32> to vector<1x16xf32>
        tpu.vector_store %arg15[%swap3A, %swap3A_566], %swap3A_569 {strides = array<i32>} : memref<40x128xf32, #tpu.memory_space<vmem>>, vector<1x16xf32>,
        %get3A_570 = arith.index_cast %mul3A_499 : i32 to index
        %get3A_571 = arith.constant 16 : index
        %get3A_572 = tpu.vector_load %arg13[%get3A_570, %get3A_571] {strides = array<i32>} : memref<400x128xf32, #tpu.memory_space<vmem>>, vector<1x16xf32>,
        %get3A_573 = vector.shape_cast %get3A_572 : vector<1x16xf32> to vector<16xf32>
        %add3A_574 = arith.constant 1 : i32
        %add3A_575 = arith.addi %mul3A_499, %add3A_574 : i32
        %get3A_576 = arith.index_cast %add3A_575 : i32 to index
        %get3A_577 = arith.constant 16 : index
        %get3A_578 = tpu.vector_load %arg13[%get3A_576, %get3A_577] {strides = array<i32>} : memref<400x128xf32, #tpu.memory_space<vmem>>, vector<1x16xf32>,
        %get3A_579 = vector.shape_cast %get3A_578 : vector<1x16xf32> to vector<16xf32>
        %add3A_580 = arith.addf %get3A_573, %get3A_579 : vector<16xf32>
        %add3A_581 = arith.constant 2 : i32
        %add3A_582 = arith.addi %mul3A_499, %add3A_581 : i32
        %get3A_583 = arith.index_cast %add3A_582 : i32 to index
        %get3A_584 = arith.constant 16 : index
        %get3A_585 = tpu.vector_load %arg13[%get3A_583, %get3A_584] {strides = array<i32>} : memref<400x128xf32, #tpu.memory_space<vmem>>, vector<1x16xf32>,
        %get3A_586 = vector.shape_cast %get3A_585 : vector<1x16xf32> to vector<16xf32>
        %add3A_587 = arith.addf %add3A_580, %get3A_586 : vector<16xf32>
        %add3A_588 = arith.constant 3 : i32
        %add3A_589 = arith.addi %mul3A_499, %add3A_588 : i32
        %get3A_590 = arith.index_cast %add3A_589 : i32 to index
        %get3A_591 = arith.constant 16 : index
        %get3A_592 = tpu.vector_load %arg13[%get3A_590, %get3A_591] {strides = array<i32>} : memref<400x128xf32, #tpu.memory_space<vmem>>, vector<1x16xf32>,
        %get3A_593 = vector.shape_cast %get3A_592 : vector<1x16xf32> to vector<16xf32>
        %add3A_594 = arith.addf %add3A_587, %get3A_593 : vector<16xf32>
        %add3A_595 = arith.constant 4 : i32
        %add3A_596 = arith.addi %mul3A_499, %add3A_595 : i32
        %get3A_597 = arith.index_cast %add3A_596 : i32 to index
        %get3A_598 = arith.constant 16 : index
        %get3A_599 = tpu.vector_load %arg13[%get3A_597, %get3A_598] {strides = array<i32>} : memref<400x128xf32, #tpu.memory_space<vmem>>, vector<1x16xf32>,
        %get3A_600 = vector.shape_cast %get3A_599 : vector<1x16xf32> to vector<16xf32>
        %add3A_601 = arith.addf %add3A_594, %get3A_600 : vector<16xf32>
        %add3A_602 = arith.constant 5 : i32
        %add3A_603 = arith.addi %mul3A_499, %add3A_602 : i32
        %get3A_604 = arith.index_cast %add3A_603 : i32 to index
        %get3A_605 = arith.constant 16 : index
        %get3A_606 = tpu.vector_load %arg13[%get3A_604, %get3A_605] {strides = array<i32>} : memref<400x128xf32, #tpu.memory_space<vmem>>, vector<1x16xf32>,
        %get3A_607 = vector.shape_cast %get3A_606 : vector<1x16xf32> to vector<16xf32>
        %add3A_608 = arith.addf %add3A_601, %get3A_607 : vector<16xf32>
        %add3A_609 = arith.constant 6 : i32
        %add3A_610 = arith.addi %mul3A_499, %add3A_609 : i32
        %get3A_611 = arith.index_cast %add3A_610 : i32 to index
        %get3A_612 = arith.constant 16 : index
        %get3A_613 = tpu.vector_load %arg13[%get3A_611, %get3A_612] {strides = array<i32>} : memref<400x128xf32, #tpu.memory_space<vmem>>, vector<1x16xf32>,
        %get3A_614 = vector.shape_cast %get3A_613 : vector<1x16xf32> to vector<16xf32>
        %add3A_615 = arith.addf %add3A_608, %get3A_614 : vector<16xf32>
        %add3A_616 = arith.constant 7 : i32
        %add3A_617 = arith.addi %mul3A_499, %add3A_616 : i32
        %get3A_618 = arith.index_cast %add3A_617 : i32 to index
        %get3A_619 = arith.constant 16 : index
        %get3A_620 = tpu.vector_load %arg13[%get3A_618, %get3A_619] {strides = array<i32>} : memref<400x128xf32, #tpu.memory_space<vmem>>, vector<1x16xf32>,
        %get3A_621 = vector.shape_cast %get3A_620 : vector<1x16xf32> to vector<16xf32>
        %add3A_622 = arith.addf %add3A_615, %get3A_621 : vector<16xf32>
        %add3A_623 = arith.constant 8 : i32
        %add3A_624 = arith.addi %mul3A_499, %add3A_623 : i32
        %get3A_625 = arith.index_cast %add3A_624 : i32 to index
        %get3A_626 = arith.constant 16 : index
        %get3A_627 = tpu.vector_load %arg13[%get3A_625, %get3A_626] {strides = array<i32>} : memref<400x128xf32, #tpu.memory_space<vmem>>, vector<1x16xf32>,
        %get3A_628 = vector.shape_cast %get3A_627 : vector<1x16xf32> to vector<16xf32>
        %add3A_629 = arith.addf %add3A_622, %get3A_628 : vector<16xf32>
        %add3A_630 = arith.constant 9 : i32
        %add3A_631 = arith.addi %mul3A_499, %add3A_630 : i32
        %get3A_632 = arith.index_cast %add3A_631 : i32 to index
        %get3A_633 = arith.constant 16 : index
        %get3A_634 = tpu.vector_load %arg13[%get3A_632, %get3A_633] {strides = array<i32>} : memref<400x128xf32, #tpu.memory_space<vmem>>, vector<1x16xf32>,
        %get3A_635 = vector.shape_cast %get3A_634 : vector<1x16xf32> to vector<16xf32>
        %add3A_636 = arith.addf %add3A_629, %get3A_635 : vector<16xf32>
        %swap3A_637 = arith.index_cast %scan3A_496 : i32 to index
        %swap3A_638 = arith.constant 16 : index
        %swap3A_639 = tpu.vector_load %arg15[%swap3A_637, %swap3A_638] {strides = array<i32>} : memref<40x128xf32, #tpu.memory_space<vmem>>, vector<1x16xf32>,
        %swap3A_640 = vector.shape_cast %swap3A_639 : vector<1x16xf32> to vector<16xf32>
        %swap3A_641 = vector.shape_cast %add3A_636 : vector<16xf32> to vector<1x16xf32>
        tpu.vector_store %arg15[%swap3A_637, %swap3A_638], %swap3A_641 {strides = array<i32>} : memref<40x128xf32, #tpu.memory_space<vmem>>, vector<1x16xf32>,
        %get3A_642 = arith.index_cast %mul3A_499 : i32 to index
        %get3A_643 = arith.constant 32 : index
        %get3A_644 = tpu.vector_load %arg13[%get3A_642, %get3A_643] {strides = array<i32>} : memref<400x128xf32, #tpu.memory_space<vmem>>, vector<1x16xf32>,
        %get3A_645 = vector.shape_cast %get3A_644 : vector<1x16xf32> to vector<16xf32>
        %add3A_646 = arith.constant 1 : i32
        %add3A_647 = arith.addi %mul3A_499, %add3A_646 : i32
        %get3A_648 = arith.index_cast %add3A_647 : i32 to index
        %get3A_649 = arith.constant 32 : index
        %get3A_650 = tpu.vector_load %arg13[%get3A_648, %get3A_649] {strides = array<i32>} : memref<400x128xf32, #tpu.memory_space<vmem>>, vector<1x16xf32>,
        %get3A_651 = vector.shape_cast %get3A_650 : vector<1x16xf32> to vector<16xf32>
        %add3A_652 = arith.addf %get3A_645, %get3A_651 : vector<16xf32>
        %add3A_653 = arith.constant 2 : i32
        %add3A_654 = arith.addi %mul3A_499, %add3A_653 : i32
        %get3A_655 = arith.index_cast %add3A_654 : i32 to index
        %get3A_656 = arith.constant 32 : index
        %get3A_657 = tpu.vector_load %arg13[%get3A_655, %get3A_656] {strides = array<i32>} : memref<400x128xf32, #tpu.memory_space<vmem>>, vector<1x16xf32>,
        %get3A_658 = vector.shape_cast %get3A_657 : vector<1x16xf32> to vector<16xf32>
        %add3A_659 = arith.addf %add3A_652, %get3A_658 : vector<16xf32>
        %add3A_660 = arith.constant 3 : i32
        %add3A_661 = arith.addi %mul3A_499, %add3A_660 : i32
        %get3A_662 = arith.index_cast %add3A_661 : i32 to index
        %get3A_663 = arith.constant 32 : index
        %get3A_664 = tpu.vector_load %arg13[%get3A_662, %get3A_663] {strides = array<i32>} : memref<400x128xf32, #tpu.memory_space<vmem>>, vector<1x16xf32>,
        %get3A_665 = vector.shape_cast %get3A_664 : vector<1x16xf32> to vector<16xf32>
        %add3A_666 = arith.addf %add3A_659, %get3A_665 : vector<16xf32>
        %add3A_667 = arith.constant 4 : i32
        %add3A_668 = arith.addi %mul3A_499, %add3A_667 : i32
        %get3A_669 = arith.index_cast %add3A_668 : i32 to index
        %get3A_670 = arith.constant 32 : index
        %get3A_671 = tpu.vector_load %arg13[%get3A_669, %get3A_670] {strides = array<i32>} : memref<400x128xf32, #tpu.memory_space<vmem>>, vector<1x16xf32>,
        %get3A_672 = vector.shape_cast %get3A_671 : vector<1x16xf32> to vector<16xf32>
        %add3A_673 = arith.addf %add3A_666, %get3A_672 : vector<16xf32>
        %add3A_674 = arith.constant 5 : i32
        %add3A_675 = arith.addi %mul3A_499, %add3A_674 : i32
        %get3A_676 = arith.index_cast %add3A_675 : i32 to index
        %get3A_677 = arith.constant 32 : index
        %get3A_678 = tpu.vector_load %arg13[%get3A_676, %get3A_677] {strides = array<i32>} : memref<400x128xf32, #tpu.memory_space<vmem>>, vector<1x16xf32>,
        %get3A_679 = vector.shape_cast %get3A_678 : vector<1x16xf32> to vector<16xf32>
        %add3A_680 = arith.addf %add3A_673, %get3A_679 : vector<16xf32>
        %add3A_681 = arith.constant 6 : i32
        %add3A_682 = arith.addi %mul3A_499, %add3A_681 : i32
        %get3A_683 = arith.index_cast %add3A_682 : i32 to index
        %get3A_684 = arith.constant 32 : index
        %get3A_685 = tpu.vector_load %arg13[%get3A_683, %get3A_684] {strides = array<i32>} : memref<400x128xf32, #tpu.memory_space<vmem>>, vector<1x16xf32>,
        %get3A_686 = vector.shape_cast %get3A_685 : vector<1x16xf32> to vector<16xf32>
        %add3A_687 = arith.addf %add3A_680, %get3A_686 : vector<16xf32>
        %add3A_688 = arith.constant 7 : i32
        %add3A_689 = arith.addi %mul3A_499, %add3A_688 : i32
        %get3A_690 = arith.index_cast %add3A_689 : i32 to index
        %get3A_691 = arith.constant 32 : index
        %get3A_692 = tpu.vector_load %arg13[%get3A_690, %get3A_691] {strides = array<i32>} : memref<400x128xf32, #tpu.memory_space<vmem>>, vector<1x16xf32>,
        %get3A_693 = vector.shape_cast %get3A_692 : vector<1x16xf32> to vector<16xf32>
        %add3A_694 = arith.addf %add3A_687, %get3A_693 : vector<16xf32>
        %add3A_695 = arith.constant 8 : i32
        %add3A_696 = arith.addi %mul3A_499, %add3A_695 : i32
        %get3A_697 = arith.index_cast %add3A_696 : i32 to index
        %get3A_698 = arith.constant 32 : index
        %get3A_699 = tpu.vector_load %arg13[%get3A_697, %get3A_698] {strides = array<i32>} : memref<400x128xf32, #tpu.memory_space<vmem>>, vector<1x16xf32>,
        %get3A_700 = vector.shape_cast %get3A_699 : vector<1x16xf32> to vector<16xf32>
        %add3A_701 = arith.addf %add3A_694, %get3A_700 : vector<16xf32>
        %add3A_702 = arith.constant 9 : i32
        %add3A_703 = arith.addi %mul3A_499, %add3A_702 : i32
        %get3A_704 = arith.index_cast %add3A_703 : i32 to index
        %get3A_705 = arith.constant 32 : index
        %get3A_706 = tpu.vector_load %arg13[%get3A_704, %get3A_705] {strides = array<i32>} : memref<400x128xf32, #tpu.memory_space<vmem>>, vector<1x16xf32>,
        %get3A_707 = vector.shape_cast %get3A_706 : vector<1x16xf32> to vector<16xf32>
        %add3A_708 = arith.addf %add3A_701, %get3A_707 : vector<16xf32>
        %swap3A_709 = arith.index_cast %scan3A_496 : i32 to index
        %swap3A_710 = arith.constant 32 : index
        %swap3A_711 = tpu.vector_load %arg15[%swap3A_709, %swap3A_710] {strides = array<i32>} : memref<40x128xf32, #tpu.memory_space<vmem>>, vector<1x16xf32>,
        %swap3A_712 = vector.shape_cast %swap3A_711 : vector<1x16xf32> to vector<16xf32>
        %swap3A_713 = vector.shape_cast %add3A_708 : vector<16xf32> to vector<1x16xf32>
        tpu.vector_store %arg15[%swap3A_709, %swap3A_710], %swap3A_713 {strides = array<i32>} : memref<40x128xf32, #tpu.memory_space<vmem>>, vector<1x16xf32>,
        %get3A_714 = arith.index_cast %mul3A_499 : i32 to index
        %get3A_715 = arith.constant 48 : index
        %get3A_716 = tpu.vector_load %arg13[%get3A_714, %get3A_715] {strides = array<i32>} : memref<400x128xf32, #tpu.memory_space<vmem>>, vector<1x16xf32>,
        %get3A_717 = vector.shape_cast %get3A_716 : vector<1x16xf32> to vector<16xf32>
        %add3A_718 = arith.constant 1 : i32
        %add3A_719 = arith.addi %mul3A_499, %add3A_718 : i32
        %get3A_720 = arith.index_cast %add3A_719 : i32 to index
        %get3A_721 = arith.constant 48 : index
        %get3A_722 = tpu.vector_load %arg13[%get3A_720, %get3A_721] {strides = array<i32>} : memref<400x128xf32, #tpu.memory_space<vmem>>, vector<1x16xf32>,
        %get3A_723 = vector.shape_cast %get3A_722 : vector<1x16xf32> to vector<16xf32>
        %add3A_724 = arith.addf %get3A_717, %get3A_723 : vector<16xf32>
        %add3A_725 = arith.constant 2 : i32
        %add3A_726 = arith.addi %mul3A_499, %add3A_725 : i32
        %get3A_727 = arith.index_cast %add3A_726 : i32 to index
        %get3A_728 = arith.constant 48 : index
        %get3A_729 = tpu.vector_load %arg13[%get3A_727, %get3A_728] {strides = array<i32>} : memref<400x128xf32, #tpu.memory_space<vmem>>, vector<1x16xf32>,
        %get3A_730 = vector.shape_cast %get3A_729 : vector<1x16xf32> to vector<16xf32>
        %add3A_731 = arith.addf %add3A_724, %get3A_730 : vector<16xf32>
        %add3A_732 = arith.constant 3 : i32
        %add3A_733 = arith.addi %mul3A_499, %add3A_732 : i32
        %get3A_734 = arith.index_cast %add3A_733 : i32 to index
        %get3A_735 = arith.constant 48 : index
        %get3A_736 = tpu.vector_load %arg13[%get3A_734, %get3A_735] {strides = array<i32>} : memref<400x128xf32, #tpu.memory_space<vmem>>, vector<1x16xf32>,
        %get3A_737 = vector.shape_cast %get3A_736 : vector<1x16xf32> to vector<16xf32>
        %add3A_738 = arith.addf %add3A_731, %get3A_737 : vector<16xf32>
        %add3A_739 = arith.constant 4 : i32
        %add3A_740 = arith.addi %mul3A_499, %add3A_739 : i32
        %get3A_741 = arith.index_cast %add3A_740 : i32 to index
        %get3A_742 = arith.constant 48 : index
        %get3A_743 = tpu.vector_load %arg13[%get3A_741, %get3A_742] {strides = array<i32>} : memref<400x128xf32, #tpu.memory_space<vmem>>, vector<1x16xf32>,
        %get3A_744 = vector.shape_cast %get3A_743 : vector<1x16xf32> to vector<16xf32>
        %add3A_745 = arith.addf %add3A_738, %get3A_744 : vector<16xf32>
        %add3A_746 = arith.constant 5 : i32
        %add3A_747 = arith.addi %mul3A_499, %add3A_746 : i32
        %get3A_748 = arith.index_cast %add3A_747 : i32 to index
        %get3A_749 = arith.constant 48 : index
        %get3A_750 = tpu.vector_load %arg13[%get3A_748, %get3A_749] {strides = array<i32>} : memref<400x128xf32, #tpu.memory_space<vmem>>, vector<1x16xf32>,
        %get3A_751 = vector.shape_cast %get3A_750 : vector<1x16xf32> to vector<16xf32>
        %add3A_752 = arith.addf %add3A_745, %get3A_751 : vector<16xf32>
        %add3A_753 = arith.constant 6 : i32
        %add3A_754 = arith.addi %mul3A_499, %add3A_753 : i32
        %get3A_755 = arith.index_cast %add3A_754 : i32 to index
        %get3A_756 = arith.constant 48 : index
        %get3A_757 = tpu.vector_load %arg13[%get3A_755, %get3A_756] {strides = array<i32>} : memref<400x128xf32, #tpu.memory_space<vmem>>, vector<1x16xf32>,
        %get3A_758 = vector.shape_cast %get3A_757 : vector<1x16xf32> to vector<16xf32>
        %add3A_759 = arith.addf %add3A_752, %get3A_758 : vector<16xf32>
        %add3A_760 = arith.constant 7 : i32
        %add3A_761 = arith.addi %mul3A_499, %add3A_760 : i32
        %get3A_762 = arith.index_cast %add3A_761 : i32 to index
        %get3A_763 = arith.constant 48 : index
        %get3A_764 = tpu.vector_load %arg13[%get3A_762, %get3A_763] {strides = array<i32>} : memref<400x128xf32, #tpu.memory_space<vmem>>, vector<1x16xf32>,
        %get3A_765 = vector.shape_cast %get3A_764 : vector<1x16xf32> to vector<16xf32>
        %add3A_766 = arith.addf %add3A_759, %get3A_765 : vector<16xf32>
        %add3A_767 = arith.constant 8 : i32
        %add3A_768 = arith.addi %mul3A_499, %add3A_767 : i32
        %get3A_769 = arith.index_cast %add3A_768 : i32 to index
        %get3A_770 = arith.constant 48 : index
        %get3A_771 = tpu.vector_load %arg13[%get3A_769, %get3A_770] {strides = array<i32>} : memref<400x128xf32, #tpu.memory_space<vmem>>, vector<1x16xf32>,
        %get3A_772 = vector.shape_cast %get3A_771 : vector<1x16xf32> to vector<16xf32>
        %add3A_773 = arith.addf %add3A_766, %get3A_772 : vector<16xf32>
        %add3A_774 = arith.constant 9 : i32
        %add3A_775 = arith.addi %mul3A_499, %add3A_774 : i32
        %get3A_776 = arith.index_cast %add3A_775 : i32 to index
        %get3A_777 = arith.constant 48 : index
        %get3A_778 = tpu.vector_load %arg13[%get3A_776, %get3A_777] {strides = array<i32>} : memref<400x128xf32, #tpu.memory_space<vmem>>, vector<1x16xf32>,
        %get3A_779 = vector.shape_cast %get3A_778 : vector<1x16xf32> to vector<16xf32>
        %add3A_780 = arith.addf %add3A_773, %get3A_779 : vector<16xf32>
        %swap3A_781 = arith.index_cast %scan3A_496 : i32 to index
        %swap3A_782 = arith.constant 48 : index
        %swap3A_783 = tpu.vector_load %arg15[%swap3A_781, %swap3A_782] {strides = array<i32>} : memref<40x128xf32, #tpu.memory_space<vmem>>, vector<1x16xf32>,
        %swap3A_784 = vector.shape_cast %swap3A_783 : vector<1x16xf32> to vector<16xf32>
        %swap3A_785 = vector.shape_cast %add3A_780 : vector<16xf32> to vector<1x16xf32>
        tpu.vector_store %arg15[%swap3A_781, %swap3A_782], %swap3A_785 {strides = array<i32>} : memref<40x128xf32, #tpu.memory_space<vmem>>, vector<1x16xf32>,
        %get3A_786 = arith.index_cast %mul3A_499 : i32 to index
        %get3A_787 = arith.constant 64 : index
        %get3A_788 = tpu.vector_load %arg13[%get3A_786, %get3A_787] {strides = array<i32>} : memref<400x128xf32, #tpu.memory_space<vmem>>, vector<1x16xf32>,
        %get3A_789 = vector.shape_cast %get3A_788 : vector<1x16xf32> to vector<16xf32>
        %add3A_790 = arith.constant 1 : i32
        %add3A_791 = arith.addi %mul3A_499, %add3A_790 : i32
        %get3A_792 = arith.index_cast %add3A_791 : i32 to index
        %get3A_793 = arith.constant 64 : index
        %get3A_794 = tpu.vector_load %arg13[%get3A_792, %get3A_793] {strides = array<i32>} : memref<400x128xf32, #tpu.memory_space<vmem>>, vector<1x16xf32>,
        %get3A_795 = vector.shape_cast %get3A_794 : vector<1x16xf32> to vector<16xf32>
        %add3A_796 = arith.addf %get3A_789, %get3A_795 : vector<16xf32>
        %add3A_797 = arith.constant 2 : i32
        %add3A_798 = arith.addi %mul3A_499, %add3A_797 : i32
        %get3A_799 = arith.index_cast %add3A_798 : i32 to index
        %get3A_800 = arith.constant 64 : index
        %get3A_801 = tpu.vector_load %arg13[%get3A_799, %get3A_800] {strides = array<i32>} : memref<400x128xf32, #tpu.memory_space<vmem>>, vector<1x16xf32>,
        %get3A_802 = vector.shape_cast %get3A_801 : vector<1x16xf32> to vector<16xf32>
        %add3A_803 = arith.addf %add3A_796, %get3A_802 : vector<16xf32>
        %add3A_804 = arith.constant 3 : i32
        %add3A_805 = arith.addi %mul3A_499, %add3A_804 : i32
        %get3A_806 = arith.index_cast %add3A_805 : i32 to index
        %get3A_807 = arith.constant 64 : index
        %get3A_808 = tpu.vector_load %arg13[%get3A_806, %get3A_807] {strides = array<i32>} : memref<400x128xf32, #tpu.memory_space<vmem>>, vector<1x16xf32>,
        %get3A_809 = vector.shape_cast %get3A_808 : vector<1x16xf32> to vector<16xf32>
        %add3A_810 = arith.addf %add3A_803, %get3A_809 : vector<16xf32>
        %add3A_811 = arith.constant 4 : i32
        %add3A_812 = arith.addi %mul3A_499, %add3A_811 : i32
        %get3A_813 = arith.index_cast %add3A_812 : i32 to index
        %get3A_814 = arith.constant 64 : index
        %get3A_815 = tpu.vector_load %arg13[%get3A_813, %get3A_814] {strides = array<i32>} : memref<400x128xf32, #tpu.memory_space<vmem>>, vector<1x16xf32>,
        %get3A_816 = vector.shape_cast %get3A_815 : vector<1x16xf32> to vector<16xf32>
        %add3A_817 = arith.addf %add3A_810, %get3A_816 : vector<16xf32>
        %add3A_818 = arith.constant 5 : i32
        %add3A_819 = arith.addi %mul3A_499, %add3A_818 : i32
        %get3A_820 = arith.index_cast %add3A_819 : i32 to index
        %get3A_821 = arith.constant 64 : index
        %get3A_822 = tpu.vector_load %arg13[%get3A_820, %get3A_821] {strides = array<i32>} : memref<400x128xf32, #tpu.memory_space<vmem>>, vector<1x16xf32>,
        %get3A_823 = vector.shape_cast %get3A_822 : vector<1x16xf32> to vector<16xf32>
        %add3A_824 = arith.addf %add3A_817, %get3A_823 : vector<16xf32>
        %add3A_825 = arith.constant 6 : i32
        %add3A_826 = arith.addi %mul3A_499, %add3A_825 : i32
        %get3A_827 = arith.index_cast %add3A_826 : i32 to index
        %get3A_828 = arith.constant 64 : index
        %get3A_829 = tpu.vector_load %arg13[%get3A_827, %get3A_828] {strides = array<i32>} : memref<400x128xf32, #tpu.memory_space<vmem>>, vector<1x16xf32>,
        %get3A_830 = vector.shape_cast %get3A_829 : vector<1x16xf32> to vector<16xf32>
        %add3A_831 = arith.addf %add3A_824, %get3A_830 : vector<16xf32>
        %add3A_832 = arith.constant 7 : i32
        %add3A_833 = arith.addi %mul3A_499, %add3A_832 : i32
        %get3A_834 = arith.index_cast %add3A_833 : i32 to index
        %get3A_835 = arith.constant 64 : index
        %get3A_836 = tpu.vector_load %arg13[%get3A_834, %get3A_835] {strides = array<i32>} : memref<400x128xf32, #tpu.memory_space<vmem>>, vector<1x16xf32>,
        %get3A_837 = vector.shape_cast %get3A_836 : vector<1x16xf32> to vector<16xf32>
        %add3A_838 = arith.addf %add3A_831, %get3A_837 : vector<16xf32>
        %add3A_839 = arith.constant 8 : i32
        %add3A_840 = arith.addi %mul3A_499, %add3A_839 : i32
        %get3A_841 = arith.index_cast %add3A_840 : i32 to index
        %get3A_842 = arith.constant 64 : index
        %get3A_843 = tpu.vector_load %arg13[%get3A_841, %get3A_842] {strides = array<i32>} : memref<400x128xf32, #tpu.memory_space<vmem>>, vector<1x16xf32>,
        %get3A_844 = vector.shape_cast %get3A_843 : vector<1x16xf32> to vector<16xf32>
        %add3A_845 = arith.addf %add3A_838, %get3A_844 : vector<16xf32>
        %add3A_846 = arith.constant 9 : i32
        %add3A_847 = arith.addi %mul3A_499, %add3A_846 : i32
        %get3A_848 = arith.index_cast %add3A_847 : i32 to index
        %get3A_849 = arith.constant 64 : index
        %get3A_850 = tpu.vector_load %arg13[%get3A_848, %get3A_849] {strides = array<i32>} : memref<400x128xf32, #tpu.memory_space<vmem>>, vector<1x16xf32>,
        %get3A_851 = vector.shape_cast %get3A_850 : vector<1x16xf32> to vector<16xf32>
        %add3A_852 = arith.addf %add3A_845, %get3A_851 : vector<16xf32>
        %swap3A_853 = arith.index_cast %scan3A_496 : i32 to index
        %swap3A_854 = arith.constant 64 : index
        %swap3A_855 = tpu.vector_load %arg15[%swap3A_853, %swap3A_854] {strides = array<i32>} : memref<40x128xf32, #tpu.memory_space<vmem>>, vector<1x16xf32>,
        %swap3A_856 = vector.shape_cast %swap3A_855 : vector<1x16xf32> to vector<16xf32>
        %swap3A_857 = vector.shape_cast %add3A_852 : vector<16xf32> to vector<1x16xf32>
        tpu.vector_store %arg15[%swap3A_853, %swap3A_854], %swap3A_857 {strides = array<i32>} : memref<40x128xf32, #tpu.memory_space<vmem>>, vector<1x16xf32>,
        %get3A_858 = arith.index_cast %mul3A_499 : i32 to index
        %get3A_859 = arith.constant 80 : index
        %get3A_860 = tpu.vector_load %arg13[%get3A_858, %get3A_859] {strides = array<i32>} : memref<400x128xf32, #tpu.memory_space<vmem>>, vector<1x16xf32>,
        %get3A_861 = vector.shape_cast %get3A_860 : vector<1x16xf32> to vector<16xf32>
        %add3A_862 = arith.constant 1 : i32
        %add3A_863 = arith.addi %mul3A_499, %add3A_862 : i32
        %get3A_864 = arith.index_cast %add3A_863 : i32 to index
        %get3A_865 = arith.constant 80 : index
        %get3A_866 = tpu.vector_load %arg13[%get3A_864, %get3A_865] {strides = array<i32>} : memref<400x128xf32, #tpu.memory_space<vmem>>, vector<1x16xf32>,
        %get3A_867 = vector.shape_cast %get3A_866 : vector<1x16xf32> to vector<16xf32>
        %add3A_868 = arith.addf %get3A_861, %get3A_867 : vector<16xf32>
        %add3A_869 = arith.constant 2 : i32
        %add3A_870 = arith.addi %mul3A_499, %add3A_869 : i32
        %get3A_871 = arith.index_cast %add3A_870 : i32 to index
        %get3A_872 = arith.constant 80 : index
        %get3A_873 = tpu.vector_load %arg13[%get3A_871, %get3A_872] {strides = array<i32>} : memref<400x128xf32, #tpu.memory_space<vmem>>, vector<1x16xf32>,
        %get3A_874 = vector.shape_cast %get3A_873 : vector<1x16xf32> to vector<16xf32>
        %add3A_875 = arith.addf %add3A_868, %get3A_874 : vector<16xf32>
        %add3A_876 = arith.constant 3 : i32
        %add3A_877 = arith.addi %mul3A_499, %add3A_876 : i32
        %get3A_878 = arith.index_cast %add3A_877 : i32 to index
        %get3A_879 = arith.constant 80 : index
        %get3A_880 = tpu.vector_load %arg13[%get3A_878, %get3A_879] {strides = array<i32>} : memref<400x128xf32, #tpu.memory_space<vmem>>, vector<1x16xf32>,
        %get3A_881 = vector.shape_cast %get3A_880 : vector<1x16xf32> to vector<16xf32>
        %add3A_882 = arith.addf %add3A_875, %get3A_881 : vector<16xf32>
        %add3A_883 = arith.constant 4 : i32
        %add3A_884 = arith.addi %mul3A_499, %add3A_883 : i32
        %get3A_885 = arith.index_cast %add3A_884 : i32 to index
        %get3A_886 = arith.constant 80 : index
        %get3A_887 = tpu.vector_load %arg13[%get3A_885, %get3A_886] {strides = array<i32>} : memref<400x128xf32, #tpu.memory_space<vmem>>, vector<1x16xf32>,
        %get3A_888 = vector.shape_cast %get3A_887 : vector<1x16xf32> to vector<16xf32>
        %add3A_889 = arith.addf %add3A_882, %get3A_888 : vector<16xf32>
        %add3A_890 = arith.constant 5 : i32
        %add3A_891 = arith.addi %mul3A_499, %add3A_890 : i32
        %get3A_892 = arith.index_cast %add3A_891 : i32 to index
        %get3A_893 = arith.constant 80 : index
        %get3A_894 = tpu.vector_load %arg13[%get3A_892, %get3A_893] {strides = array<i32>} : memref<400x128xf32, #tpu.memory_space<vmem>>, vector<1x16xf32>,
        %get3A_895 = vector.shape_cast %get3A_894 : vector<1x16xf32> to vector<16xf32>
        %add3A_896 = arith.addf %add3A_889, %get3A_895 : vector<16xf32>
        %add3A_897 = arith.constant 6 : i32
        %add3A_898 = arith.addi %mul3A_499, %add3A_897 : i32
        %get3A_899 = arith.index_cast %add3A_898 : i32 to index
        %get3A_900 = arith.constant 80 : index
        %get3A_901 = tpu.vector_load %arg13[%get3A_899, %get3A_900] {strides = array<i32>} : memref<400x128xf32, #tpu.memory_space<vmem>>, vector<1x16xf32>,
        %get3A_902 = vector.shape_cast %get3A_901 : vector<1x16xf32> to vector<16xf32>
        %add3A_903 = arith.addf %add3A_896, %get3A_902 : vector<16xf32>
        %add3A_904 = arith.constant 7 : i32
        %add3A_905 = arith.addi %mul3A_499, %add3A_904 : i32
        %get3A_906 = arith.index_cast %add3A_905 : i32 to index
        %get3A_907 = arith.constant 80 : index
        %get3A_908 = tpu.vector_load %arg13[%get3A_906, %get3A_907] {strides = array<i32>} : memref<400x128xf32, #tpu.memory_space<vmem>>, vector<1x16xf32>,
        %get3A_909 = vector.shape_cast %get3A_908 : vector<1x16xf32> to vector<16xf32>
        %add3A_910 = arith.addf %add3A_903, %get3A_909 : vector<16xf32>
        %add3A_911 = arith.constant 8 : i32
        %add3A_912 = arith.addi %mul3A_499, %add3A_911 : i32
        %get3A_913 = arith.index_cast %add3A_912 : i32 to index
        %get3A_914 = arith.constant 80 : index
        %get3A_915 = tpu.vector_load %arg13[%get3A_913, %get3A_914] {strides = array<i32>} : memref<400x128xf32, #tpu.memory_space<vmem>>, vector<1x16xf32>,
        %get3A_916 = vector.shape_cast %get3A_915 : vector<1x16xf32> to vector<16xf32>
        %add3A_917 = arith.addf %add3A_910, %get3A_916 : vector<16xf32>
        %add3A_918 = arith.constant 9 : i32
        %add3A_919 = arith.addi %mul3A_499, %add3A_918 : i32
        %get3A_920 = arith.index_cast %add3A_919 : i32 to index
        %get3A_921 = arith.constant 80 : index
        %get3A_922 = tpu.vector_load %arg13[%get3A_920, %get3A_921] {strides = array<i32>} : memref<400x128xf32, #tpu.memory_space<vmem>>, vector<1x16xf32>,
        %get3A_923 = vector.shape_cast %get3A_922 : vector<1x16xf32> to vector<16xf32>
        %add3A_924 = arith.addf %add3A_917, %get3A_923 : vector<16xf32>
        %swap3A_925 = arith.index_cast %scan3A_496 : i32 to index
        %swap3A_926 = arith.constant 80 : index
        %swap3A_927 = tpu.vector_load %arg15[%swap3A_925, %swap3A_926] {strides = array<i32>} : memref<40x128xf32, #tpu.memory_space<vmem>>, vector<1x16xf32>,
        %swap3A_928 = vector.shape_cast %swap3A_927 : vector<1x16xf32> to vector<16xf32>
        %swap3A_929 = vector.shape_cast %add3A_924 : vector<16xf32> to vector<1x16xf32>
        tpu.vector_store %arg15[%swap3A_925, %swap3A_926], %swap3A_929 {strides = array<i32>} : memref<40x128xf32, #tpu.memory_space<vmem>>, vector<1x16xf32>,
        %get3A_930 = arith.index_cast %mul3A_499 : i32 to index
        %get3A_931 = arith.constant 96 : index
        %get3A_932 = tpu.vector_load %arg13[%get3A_930, %get3A_931] {strides = array<i32>} : memref<400x128xf32, #tpu.memory_space<vmem>>, vector<1x16xf32>,
        %get3A_933 = vector.shape_cast %get3A_932 : vector<1x16xf32> to vector<16xf32>
        %add3A_934 = arith.constant 1 : i32
        %add3A_935 = arith.addi %mul3A_499, %add3A_934 : i32
        %get3A_936 = arith.index_cast %add3A_935 : i32 to index
        %get3A_937 = arith.constant 96 : index
        %get3A_938 = tpu.vector_load %arg13[%get3A_936, %get3A_937] {strides = array<i32>} : memref<400x128xf32, #tpu.memory_space<vmem>>, vector<1x16xf32>,
        %get3A_939 = vector.shape_cast %get3A_938 : vector<1x16xf32> to vector<16xf32>
        %add3A_940 = arith.addf %get3A_933, %get3A_939 : vector<16xf32>
        %add3A_941 = arith.constant 2 : i32
        %add3A_942 = arith.addi %mul3A_499, %add3A_941 : i32
        %get3A_943 = arith.index_cast %add3A_942 : i32 to index
        %get3A_944 = arith.constant 96 : index
        %get3A_945 = tpu.vector_load %arg13[%get3A_943, %get3A_944] {strides = array<i32>} : memref<400x128xf32, #tpu.memory_space<vmem>>, vector<1x16xf32>,
        %get3A_946 = vector.shape_cast %get3A_945 : vector<1x16xf32> to vector<16xf32>
        %add3A_947 = arith.addf %add3A_940, %get3A_946 : vector<16xf32>
        %add3A_948 = arith.constant 3 : i32
        %add3A_949 = arith.addi %mul3A_499, %add3A_948 : i32
        %get3A_950 = arith.index_cast %add3A_949 : i32 to index
        %get3A_951 = arith.constant 96 : index
        %get3A_952 = tpu.vector_load %arg13[%get3A_950, %get3A_951] {strides = array<i32>} : memref<400x128xf32, #tpu.memory_space<vmem>>, vector<1x16xf32>,
        %get3A_953 = vector.shape_cast %get3A_952 : vector<1x16xf32> to vector<16xf32>
        %add3A_954 = arith.addf %add3A_947, %get3A_953 : vector<16xf32>
        %add3A_955 = arith.constant 4 : i32
        %add3A_956 = arith.addi %mul3A_499, %add3A_955 : i32
        %get3A_957 = arith.index_cast %add3A_956 : i32 to index
        %get3A_958 = arith.constant 96 : index
        %get3A_959 = tpu.vector_load %arg13[%get3A_957, %get3A_958] {strides = array<i32>} : memref<400x128xf32, #tpu.memory_space<vmem>>, vector<1x16xf32>,
        %get3A_960 = vector.shape_cast %get3A_959 : vector<1x16xf32> to vector<16xf32>
        %add3A_961 = arith.addf %add3A_954, %get3A_960 : vector<16xf32>
        %add3A_962 = arith.constant 5 : i32
        %add3A_963 = arith.addi %mul3A_499, %add3A_962 : i32
        %get3A_964 = arith.index_cast %add3A_963 : i32 to index
        %get3A_965 = arith.constant 96 : index
        %get3A_966 = tpu.vector_load %arg13[%get3A_964, %get3A_965] {strides = array<i32>} : memref<400x128xf32, #tpu.memory_space<vmem>>, vector<1x16xf32>,
        %get3A_967 = vector.shape_cast %get3A_966 : vector<1x16xf32> to vector<16xf32>
        %add3A_968 = arith.addf %add3A_961, %get3A_967 : vector<16xf32>
        %add3A_969 = arith.constant 6 : i32
        %add3A_970 = arith.addi %mul3A_499, %add3A_969 : i32
        %get3A_971 = arith.index_cast %add3A_970 : i32 to index
        %get3A_972 = arith.constant 96 : index
        %get3A_973 = tpu.vector_load %arg13[%get3A_971, %get3A_972] {strides = array<i32>} : memref<400x128xf32, #tpu.memory_space<vmem>>, vector<1x16xf32>,
        %get3A_974 = vector.shape_cast %get3A_973 : vector<1x16xf32> to vector<16xf32>
        %add3A_975 = arith.addf %add3A_968, %get3A_974 : vector<16xf32>
        %add3A_976 = arith.constant 7 : i32
        %add3A_977 = arith.addi %mul3A_499, %add3A_976 : i32
        %get3A_978 = arith.index_cast %add3A_977 : i32 to index
        %get3A_979 = arith.constant 96 : index
        %get3A_980 = tpu.vector_load %arg13[%get3A_978, %get3A_979] {strides = array<i32>} : memref<400x128xf32, #tpu.memory_space<vmem>>, vector<1x16xf32>,
        %get3A_981 = vector.shape_cast %get3A_980 : vector<1x16xf32> to vector<16xf32>
        %add3A_982 = arith.addf %add3A_975, %get3A_981 : vector<16xf32>
        %add3A_983 = arith.constant 8 : i32
        %add3A_984 = arith.addi %mul3A_499, %add3A_983 : i32
        %get3A_985 = arith.index_cast %add3A_984 : i32 to index
        %get3A_986 = arith.constant 96 : index
        %get3A_987 = tpu.vector_load %arg13[%get3A_985, %get3A_986] {strides = array<i32>} : memref<400x128xf32, #tpu.memory_space<vmem>>, vector<1x16xf32>,
        %get3A_988 = vector.shape_cast %get3A_987 : vector<1x16xf32> to vector<16xf32>
        %add3A_989 = arith.addf %add3A_982, %get3A_988 : vector<16xf32>
        %add3A_990 = arith.constant 9 : i32
        %add3A_991 = arith.addi %mul3A_499, %add3A_990 : i32
        %get3A_992 = arith.index_cast %add3A_991 : i32 to index
        %get3A_993 = arith.constant 96 : index
        %get3A_994 = tpu.vector_load %arg13[%get3A_992, %get3A_993] {strides = array<i32>} : memref<400x128xf32, #tpu.memory_space<vmem>>, vector<1x16xf32>,
        %get3A_995 = vector.shape_cast %get3A_994 : vector<1x16xf32> to vector<16xf32>
        %add3A_996 = arith.addf %add3A_989, %get3A_995 : vector<16xf32>
        %swap3A_997 = arith.index_cast %scan3A_496 : i32 to index
        %swap3A_998 = arith.constant 96 : index
        %swap3A_999 = tpu.vector_load %arg15[%swap3A_997, %swap3A_998] {strides = array<i32>} : memref<40x128xf32, #tpu.memory_space<vmem>>, vector<1x16xf32>,
        %swap3A_1000 = vector.shape_cast %swap3A_999 : vector<1x16xf32> to vector<16xf32>
        %swap3A_1001 = vector.shape_cast %add3A_996 : vector<16xf32> to vector<1x16xf32>
        tpu.vector_store %arg15[%swap3A_997, %swap3A_998], %swap3A_1001 {strides = array<i32>} : memref<40x128xf32, #tpu.memory_space<vmem>>, vector<1x16xf32>,
        %get3A_1002 = arith.index_cast %mul3A_499 : i32 to index
        %get3A_1003 = arith.constant 112 : index
        %get3A_1004 = tpu.vector_load %arg13[%get3A_1002, %get3A_1003] {strides = array<i32>} : memref<400x128xf32, #tpu.memory_space<vmem>>, vector<1x16xf32>,
        %get3A_1005 = vector.shape_cast %get3A_1004 : vector<1x16xf32> to vector<16xf32>
        %add3A_1006 = arith.constant 1 : i32
        %add3A_1007 = arith.addi %mul3A_499, %add3A_1006 : i32
        %get3A_1008 = arith.index_cast %add3A_1007 : i32 to index
        %get3A_1009 = arith.constant 112 : index
        %get3A_1010 = tpu.vector_load %arg13[%get3A_1008, %get3A_1009] {strides = array<i32>} : memref<400x128xf32, #tpu.memory_space<vmem>>, vector<1x16xf32>,
        %get3A_1011 = vector.shape_cast %get3A_1010 : vector<1x16xf32> to vector<16xf32>
        %add3A_1012 = arith.addf %get3A_1005, %get3A_1011 : vector<16xf32>
        %add3A_1013 = arith.constant 2 : i32
        %add3A_1014 = arith.addi %mul3A_499, %add3A_1013 : i32
        %get3A_1015 = arith.index_cast %add3A_1014 : i32 to index
        %get3A_1016 = arith.constant 112 : index
        %get3A_1017 = tpu.vector_load %arg13[%get3A_1015, %get3A_1016] {strides = array<i32>} : memref<400x128xf32, #tpu.memory_space<vmem>>, vector<1x16xf32>,
        %get3A_1018 = vector.shape_cast %get3A_1017 : vector<1x16xf32> to vector<16xf32>
        %add3A_1019 = arith.addf %add3A_1012, %get3A_1018 : vector<16xf32>
        %add3A_1020 = arith.constant 3 : i32
        %add3A_1021 = arith.addi %mul3A_499, %add3A_1020 : i32
        %get3A_1022 = arith.index_cast %add3A_1021 : i32 to index
        %get3A_1023 = arith.constant 112 : index
        %get3A_1024 = tpu.vector_load %arg13[%get3A_1022, %get3A_1023] {strides = array<i32>} : memref<400x128xf32, #tpu.memory_space<vmem>>, vector<1x16xf32>,
        %get3A_1025 = vector.shape_cast %get3A_1024 : vector<1x16xf32> to vector<16xf32>
        %add3A_1026 = arith.addf %add3A_1019, %get3A_1025 : vector<16xf32>
        %add3A_1027 = arith.constant 4 : i32
        %add3A_1028 = arith.addi %mul3A_499, %add3A_1027 : i32
        %get3A_1029 = arith.index_cast %add3A_1028 : i32 to index
        %get3A_1030 = arith.constant 112 : index
        %get3A_1031 = tpu.vector_load %arg13[%get3A_1029, %get3A_1030] {strides = array<i32>} : memref<400x128xf32, #tpu.memory_space<vmem>>, vector<1x16xf32>,
        %get3A_1032 = vector.shape_cast %get3A_1031 : vector<1x16xf32> to vector<16xf32>
        %add3A_1033 = arith.addf %add3A_1026, %get3A_1032 : vector<16xf32>
        %add3A_1034 = arith.constant 5 : i32
        %add3A_1035 = arith.addi %mul3A_499, %add3A_1034 : i32
        %get3A_1036 = arith.index_cast %add3A_1035 : i32 to index
        %get3A_1037 = arith.constant 112 : index
        %get3A_1038 = tpu.vector_load %arg13[%get3A_1036, %get3A_1037] {strides = array<i32>} : memref<400x128xf32, #tpu.memory_space<vmem>>, vector<1x16xf32>,
        %get3A_1039 = vector.shape_cast %get3A_1038 : vector<1x16xf32> to vector<16xf32>
        %add3A_1040 = arith.addf %add3A_1033, %get3A_1039 : vector<16xf32>
        %add3A_1041 = arith.constant 6 : i32
        %add3A_1042 = arith.addi %mul3A_499, %add3A_1041 : i32
        %get3A_1043 = arith.index_cast %add3A_1042 : i32 to index
        %get3A_1044 = arith.constant 112 : index
        %get3A_1045 = tpu.vector_load %arg13[%get3A_1043, %get3A_1044] {strides = array<i32>} : memref<400x128xf32, #tpu.memory_space<vmem>>, vector<1x16xf32>,
        %get3A_1046 = vector.shape_cast %get3A_1045 : vector<1x16xf32> to vector<16xf32>
        %add3A_1047 = arith.addf %add3A_1040, %get3A_1046 : vector<16xf32>
        %add3A_1048 = arith.constant 7 : i32
        %add3A_1049 = arith.addi %mul3A_499, %add3A_1048 : i32
        %get3A_1050 = arith.index_cast %add3A_1049 : i32 to index
        %get3A_1051 = arith.constant 112 : index
        %get3A_1052 = tpu.vector_load %arg13[%get3A_1050, %get3A_1051] {strides = array<i32>} : memref<400x128xf32, #tpu.memory_space<vmem>>, vector<1x16xf32>,
        %get3A_1053 = vector.shape_cast %get3A_1052 : vector<1x16xf32> to vector<16xf32>
        %add3A_1054 = arith.addf %add3A_1047, %get3A_1053 : vector<16xf32>
        %add3A_1055 = arith.constant 8 : i32
        %add3A_1056 = arith.addi %mul3A_499, %add3A_1055 : i32
        %get3A_1057 = arith.index_cast %add3A_1056 : i32 to index
        %get3A_1058 = arith.constant 112 : index
        %get3A_1059 = tpu.vector_load %arg13[%get3A_1057, %get3A_1058] {strides = array<i32>} : memref<400x128xf32, #tpu.memory_space<vmem>>, vector<1x16xf32>,
        %get3A_1060 = vector.shape_cast %get3A_1059 : vector<1x16xf32> to vector<16xf32>
        %add3A_1061 = arith.addf %add3A_1054, %get3A_1060 : vector<16xf32>
        %add3A_1062 = arith.constant 9 : i32
        %add3A_1063 = arith.addi %mul3A_499, %add3A_1062 : i32
        %get3A_1064 = arith.index_cast %add3A_1063 : i32 to index
        %get3A_1065 = arith.constant 112 : index
        %get3A_1066 = tpu.vector_load %arg13[%get3A_1064, %get3A_1065] {strides = array<i32>} : memref<400x128xf32, #tpu.memory_space<vmem>>, vector<1x16xf32>,
        %get3A_1067 = vector.shape_cast %get3A_1066 : vector<1x16xf32> to vector<16xf32>
        %add3A_1068 = arith.addf %add3A_1061, %get3A_1067 : vector<16xf32>
        %swap3A_1069 = arith.index_cast %scan3A_496 : i32 to index
        %swap3A_1070 = arith.constant 112 : index
        %swap3A_1071 = tpu.vector_load %arg15[%swap3A_1069, %swap3A_1070] {strides = array<i32>} : memref<40x128xf32, #tpu.memory_space<vmem>>, vector<1x16xf32>,
        %swap3A_1072 = vector.shape_cast %swap3A_1071 : vector<1x16xf32> to vector<16xf32>
        %swap3A_1073 = vector.shape_cast %add3A_1068 : vector<16xf32> to vector<1x16xf32>
        tpu.vector_store %arg15[%swap3A_1069, %swap3A_1070], %swap3A_1073 {strides = array<i32>} : memref<40x128xf32, #tpu.memory_space<vmem>>, vector<1x16xf32>,
        %scan3A_1074 = arith.constant 0 : i32
        scf.yield %scan3A_1074 : i32
      }
      %scan3A_317 = arith.constant 40 : i32
      "tpu.region"() ({
        %run_scoped3A_496 = tpu.sem_alloc : memref<!tpu.dma_semaphore, #tpu.memory_space<semaphore_mem>>
        %dma_start3A_497 = arith.constant 0 : i32
        %dma_start3A_498 = tpu.memref_slice %arg7[%mul3A_253, %dma_start3A_497] : memref<160000x128xf32, #tpu.memory_space<hbm>> -> memref<40x128xf32, #tpu.memory_space<hbm>>
        %dma_start3A_499 = arith.constant 0 : i32
        %dma_start3A_500 = tpu.memref_slice %arg7[%mul3A_253, %dma_start3A_499] : memref<160000x128xf32, #tpu.memory_space<hbm>> -> memref<40x128xf32, #tpu.memory_space<hbm>>
        tpu.enqueue_dma source(%arg15 : memref<40x128xf32, #tpu.memory_space<vmem>>) target(%dma_start3A_500 : memref<40x128xf32, #tpu.memory_space<hbm>>) target_semaphore(%run_scoped3A_496 : memref<!tpu.dma_semaphore, #tpu.memory_space<semaphore_mem>>)
        %dma_wait3A_501 = arith.constant 0 : i32
        %dma_wait3A_502 = tpu.memref_slice %arg7[%mul3A_253, %dma_wait3A_501] : memref<160000x128xf32, #tpu.memory_space<hbm>> -> memref<40x128xf32, #tpu.memory_space<hbm>>
        %dma_wait3A_503 = arith.constant 0 : i32
        %dma_wait3A_504 = tpu.memref_slice %arg7[%mul3A_253, %dma_wait3A_503] : memref<160000x128xf32, #tpu.memory_space<hbm>> -> memref<40x128xf32, #tpu.memory_space<hbm>>
        tpu.wait_dma2 semaphore(%run_scoped3A_496 : memref<!tpu.dma_semaphore, #tpu.memory_space<semaphore_mem>>) src(%arg15 : memref<40x128xf32, #tpu.memory_space<vmem>>) dst(%dma_wait3A_504 : memref<40x128xf32, #tpu.memory_space<hbm>>)
        tpu.yield
      }) : () -> ()
      %dma_start3A_318 = arith.constant 0 : i32
      %dma_start3A_319 = arith.constant 0 : i32
      %dma_start3A_320 = arith.constant 0 : i32
      %dma_start3A_321 = tpu.memref_slice %arg13[%dma_start3A_319, %dma_start3A_320] : memref<400x128xf32, #tpu.memory_space<vmem>> -> memref<80x128xf32, #tpu.memory_space<vmem>>
      %dma_start3A_322 = arith.constant 0 : i32
      %dma_start3A_323 = tpu.memref_slice %arg10[%sub3A_248, %dma_start3A_318, %dma_start3A_322] : memref<2x5x80xi32, #tpu.memory_space<vmem>> -> memref<1x1x80xi32, #tpu.memory_space<vmem>>
      %dma_start3A_324 = tpu.memref_squeeze %dma_start3A_323 : memref<1x1x80xi32, #tpu.memory_space<vmem>> -> memref<80xi32, #tpu.memory_space<vmem>>
      %dma_start3A_325 = arith.constant 0 : i32
      %dma_start3A_326 = arith.constant 0 : i32
      %dma_start3A_327 = tpu.memref_slice %arg2[%dma_start3A_325, %dma_start3A_326] : memref<160000x128xf32, #tpu.memory_space<hbm>> -> memref<160000x128xf32, #tpu.memory_space<hbm>>
      tpu.enqueue_indirect_dma source(%dma_start3A_327 : memref<160000x128xf32, #tpu.memory_space<hbm>>) target(%dma_start3A_321 : memref<80x128xf32, #tpu.memory_space<vmem>>) offsets(%dma_start3A_324 : memref<80xi32, #tpu.memory_space<vmem>>) semaphore(%arg17 : memref<!tpu.dma_semaphore, #tpu.memory_space<semaphore_mem>>)
      %dma_start3A_328 = arith.constant 1 : i32
      %dma_start3A_329 = arith.constant 80 : i32
      %dma_start3A_330 = arith.constant 0 : i32
      %dma_start3A_331 = tpu.memref_slice %arg13[%dma_start3A_329, %dma_start3A_330] : memref<400x128xf32, #tpu.memory_space<vmem>> -> memref<80x128xf32, #tpu.memory_space<vmem>>
      %dma_start3A_332 = arith.constant 0 : i32
      %dma_start3A_333 = tpu.memref_slice %arg10[%sub3A_248, %dma_start3A_328, %dma_start3A_332] : memref<2x5x80xi32, #tpu.memory_space<vmem>> -> memref<1x1x80xi32, #tpu.memory_space<vmem>>
      %dma_start3A_334 = tpu.memref_squeeze %dma_start3A_333 : memref<1x1x80xi32, #tpu.memory_space<vmem>> -> memref<80xi32, #tpu.memory_space<vmem>>
      %dma_start3A_335 = arith.constant 0 : i32
      %dma_start3A_336 = arith.constant 0 : i32
      %dma_start3A_337 = tpu.memref_slice %arg2[%dma_start3A_335, %dma_start3A_336] : memref<160000x128xf32, #tpu.memory_space<hbm>> -> memref<160000x128xf32, #tpu.memory_space<hbm>>
      tpu.enqueue_indirect_dma source(%dma_start3A_337 : memref<160000x128xf32, #tpu.memory_space<hbm>>) target(%dma_start3A_331 : memref<80x128xf32, #tpu.memory_space<vmem>>) offsets(%dma_start3A_334 : memref<80xi32, #tpu.memory_space<vmem>>) semaphore(%arg17 : memref<!tpu.dma_semaphore, #tpu.memory_space<semaphore_mem>>)
      %dma_start3A_338 = arith.constant 2 : i32
      %dma_start3A_339 = arith.constant 160 : i32
      %dma_start3A_340 = arith.constant 0 : i32
      %dma_start3A_341 = tpu.memref_slice %arg13[%dma_start3A_339, %dma_start3A_340] : memref<400x128xf32, #tpu.memory_space<vmem>> -> memref<80x128xf32, #tpu.memory_space<vmem>>
      %dma_start3A_342 = arith.constant 0 : i32
      %dma_start3A_343 = tpu.memref_slice %arg10[%sub3A_248, %dma_start3A_338, %dma_start3A_342] : memref<2x5x80xi32, #tpu.memory_space<vmem>> -> memref<1x1x80xi32, #tpu.memory_space<vmem>>
      %dma_start3A_344 = tpu.memref_squeeze %dma_start3A_343 : memref<1x1x80xi32, #tpu.memory_space<vmem>> -> memref<80xi32, #tpu.memory_space<vmem>>
      %dma_start3A_345 = arith.constant 0 : i32
      %dma_start3A_346 = arith.constant 0 : i32
      %dma_start3A_347 = tpu.memref_slice %arg2[%dma_start3A_345, %dma_start3A_346] : memref<160000x128xf32, #tpu.memory_space<hbm>> -> memref<160000x128xf32, #tpu.memory_space<hbm>>
      tpu.enqueue_indirect_dma source(%dma_start3A_347 : memref<160000x128xf32, #tpu.memory_space<hbm>>) target(%dma_start3A_341 : memref<80x128xf32, #tpu.memory_space<vmem>>) offsets(%dma_start3A_344 : memref<80xi32, #tpu.memory_space<vmem>>) semaphore(%arg17 : memref<!tpu.dma_semaphore, #tpu.memory_space<semaphore_mem>>)
      %dma_start3A_348 = arith.constant 3 : i32
      %dma_start3A_349 = arith.constant 240 : i32
      %dma_start3A_350 = arith.constant 0 : i32
      %dma_start3A_351 = tpu.memref_slice %arg13[%dma_start3A_349, %dma_start3A_350] : memref<400x128xf32, #tpu.memory_space<vmem>> -> memref<80x128xf32, #tpu.memory_space<vmem>>
      %dma_start3A_352 = arith.constant 0 : i32
      %dma_start3A_353 = tpu.memref_slice %arg10[%sub3A_248, %dma_start3A_348, %dma_start3A_352] : memref<2x5x80xi32, #tpu.memory_space<vmem>> -> memref<1x1x80xi32, #tpu.memory_space<vmem>>
      %dma_start3A_354 = tpu.memref_squeeze %dma_start3A_353 : memref<1x1x80xi32, #tpu.memory_space<vmem>> -> memref<80xi32, #tpu.memory_space<vmem>>
      %dma_start3A_355 = arith.constant 0 : i32
      %dma_start3A_356 = arith.constant 0 : i32
      %dma_start3A_357 = tpu.memref_slice %arg2[%dma_start3A_355, %dma_start3A_356] : memref<160000x128xf32, #tpu.memory_space<hbm>> -> memref<160000x128xf32, #tpu.memory_space<hbm>>
      tpu.enqueue_indirect_dma source(%dma_start3A_357 : memref<160000x128xf32, #tpu.memory_space<hbm>>) target(%dma_start3A_351 : memref<80x128xf32, #tpu.memory_space<vmem>>) offsets(%dma_start3A_354 : memref<80xi32, #tpu.memory_space<vmem>>) semaphore(%arg17 : memref<!tpu.dma_semaphore, #tpu.memory_space<semaphore_mem>>)
      %dma_start3A_358 = arith.constant 4 : i32
      %dma_start3A_359 = arith.constant 320 : i32
      %dma_start3A_360 = arith.constant 0 : i32
      %dma_start3A_361 = tpu.memref_slice %arg13[%dma_start3A_359, %dma_start3A_360] : memref<400x128xf32, #tpu.memory_space<vmem>> -> memref<80x128xf32, #tpu.memory_space<vmem>>
      %dma_start3A_362 = arith.constant 0 : i32
      %dma_start3A_363 = tpu.memref_slice %arg10[%sub3A_248, %dma_start3A_358, %dma_start3A_362] : memref<2x5x80xi32, #tpu.memory_space<vmem>> -> memref<1x1x80xi32, #tpu.memory_space<vmem>>
      %dma_start3A_364 = tpu.memref_squeeze %dma_start3A_363 : memref<1x1x80xi32, #tpu.memory_space<vmem>> -> memref<80xi32, #tpu.memory_space<vmem>>
      %dma_start3A_365 = arith.constant 0 : i32
      %dma_start3A_366 = arith.constant 0 : i32
      %dma_start3A_367 = tpu.memref_slice %arg2[%dma_start3A_365, %dma_start3A_366] : memref<160000x128xf32, #tpu.memory_space<hbm>> -> memref<160000x128xf32, #tpu.memory_space<hbm>>
      tpu.enqueue_indirect_dma source(%dma_start3A_367 : memref<160000x128xf32, #tpu.memory_space<hbm>>) target(%dma_start3A_361 : memref<80x128xf32, #tpu.memory_space<vmem>>) offsets(%dma_start3A_364 : memref<80xi32, #tpu.memory_space<vmem>>) semaphore(%arg17 : memref<!tpu.dma_semaphore, #tpu.memory_space<semaphore_mem>>)
      %dma_wait3A_368 = arith.constant 0 : i32
      %dma_wait3A_369 = arith.constant 0 : i32
      %dma_wait3A_370 = arith.constant 0 : i32
      %dma_wait3A_371 = arith.constant 0 : i32
      %dma_wait3A_372 = tpu.memref_slice %arg14[%dma_wait3A_370, %dma_wait3A_371] : memref<400x128xf32, #tpu.memory_space<vmem>> -> memref<80x128xf32, #tpu.memory_space<vmem>>
      %dma_wait3A_373 = arith.constant 0 : i32
      %dma_wait3A_374 = tpu.memref_slice %arg10[%dma_wait3A_368, %dma_wait3A_369, %dma_wait3A_373] : memref<2x5x80xi32, #tpu.memory_space<vmem>> -> memref<1x1x80xi32, #tpu.memory_space<vmem>>
      %dma_wait3A_375 = tpu.memref_squeeze %dma_wait3A_374 : memref<1x1x80xi32, #tpu.memory_space<vmem>> -> memref<80xi32, #tpu.memory_space<vmem>>
      %dma_wait3A_376 = arith.constant 0 : i32
      %dma_wait3A_377 = arith.constant 0 : i32
      %dma_wait3A_378 = tpu.memref_slice %arg2[%dma_wait3A_376, %dma_wait3A_377] : memref<160000x128xf32, #tpu.memory_space<hbm>> -> memref<160000x128xf32, #tpu.memory_space<hbm>>
      tpu.wait_indirect_dma semaphore(%arg18 : memref<!tpu.dma_semaphore, #tpu.memory_space<semaphore_mem>>) src(%dma_wait3A_378 : memref<160000x128xf32, #tpu.memory_space<hbm>>) dst(%dma_wait3A_372 : memref<80x128xf32, #tpu.memory_space<vmem>>)
      %dma_wait3A_379 = arith.constant 0 : i32
      %dma_wait3A_380 = arith.constant 1 : i32
      %dma_wait3A_381 = arith.constant 80 : i32
      %dma_wait3A_382 = arith.constant 0 : i32
      %dma_wait3A_383 = tpu.memref_slice %arg14[%dma_wait3A_381, %dma_wait3A_382] : memref<400x128xf32, #tpu.memory_space<vmem>> -> memref<80x128xf32, #tpu.memory_space<vmem>>
      %dma_wait3A_384 = arith.constant 0 : i32
      %dma_wait3A_385 = tpu.memref_slice %arg10[%dma_wait3A_379, %dma_wait3A_380, %dma_wait3A_384] : memref<2x5x80xi32, #tpu.memory_space<vmem>> -> memref<1x1x80xi32, #tpu.memory_space<vmem>>
      %dma_wait3A_386 = tpu.memref_squeeze %dma_wait3A_385 : memref<1x1x80xi32, #tpu.memory_space<vmem>> -> memref<80xi32, #tpu.memory_space<vmem>>
      %dma_wait3A_387 = arith.constant 0 : i32
      %dma_wait3A_388 = arith.constant 0 : i32
      %dma_wait3A_389 = tpu.memref_slice %arg2[%dma_wait3A_387, %dma_wait3A_388] : memref<160000x128xf32, #tpu.memory_space<hbm>> -> memref<160000x128xf32, #tpu.memory_space<hbm>>
      tpu.wait_indirect_dma semaphore(%arg18 : memref<!tpu.dma_semaphore, #tpu.memory_space<semaphore_mem>>) src(%dma_wait3A_389 : memref<160000x128xf32, #tpu.memory_space<hbm>>) dst(%dma_wait3A_383 : memref<80x128xf32, #tpu.memory_space<vmem>>)
      %dma_wait3A_390 = arith.constant 0 : i32
      %dma_wait3A_391 = arith.constant 2 : i32
      %dma_wait3A_392 = arith.constant 160 : i32
      %dma_wait3A_393 = arith.constant 0 : i32
      %dma_wait3A_394 = tpu.memref_slice %arg14[%dma_wait3A_392, %dma_wait3A_393] : memref<400x128xf32, #tpu.memory_space<vmem>> -> memref<80x128xf32, #tpu.memory_space<vmem>>
      %dma_wait3A_395 = arith.constant 0 : i32
      %dma_wait3A_396 = tpu.memref_slice %arg10[%dma_wait3A_390, %dma_wait3A_391, %dma_wait3A_395] : memref<2x5x80xi32, #tpu.memory_space<vmem>> -> memref<1x1x80xi32, #tpu.memory_space<vmem>>
      %dma_wait3A_397 = tpu.memref_squeeze %dma_wait3A_396 : memref<1x1x80xi32, #tpu.memory_space<vmem>> -> memref<80xi32, #tpu.memory_space<vmem>>
      %dma_wait3A_398 = arith.constant 0 : i32
      %dma_wait3A_399 = arith.constant 0 : i32
      %dma_wait3A_400 = tpu.memref_slice %arg2[%dma_wait3A_398, %dma_wait3A_399] : memref<160000x128xf32, #tpu.memory_space<hbm>> -> memref<160000x128xf32, #tpu.memory_space<hbm>>
      tpu.wait_indirect_dma semaphore(%arg18 : memref<!tpu.dma_semaphore, #tpu.memory_space<semaphore_mem>>) src(%dma_wait3A_400 : memref<160000x128xf32, #tpu.memory_space<hbm>>) dst(%dma_wait3A_394 : memref<80x128xf32, #tpu.memory_space<vmem>>)
      %dma_wait3A_401 = arith.constant 0 : i32
      %dma_wait3A_402 = arith.constant 3 : i32
      %dma_wait3A_403 = arith.constant 240 : i32
      %dma_wait3A_404 = arith.constant 0 : i32
      %dma_wait3A_405 = tpu.memref_slice %arg14[%dma_wait3A_403, %dma_wait3A_404] : memref<400x128xf32, #tpu.memory_space<vmem>> -> memref<80x128xf32, #tpu.memory_space<vmem>>
      %dma_wait3A_406 = arith.constant 0 : i32
      %dma_wait3A_407 = tpu.memref_slice %arg10[%dma_wait3A_401, %dma_wait3A_402, %dma_wait3A_406] : memref<2x5x80xi32, #tpu.memory_space<vmem>> -> memref<1x1x80xi32, #tpu.memory_space<vmem>>
      %dma_wait3A_408 = tpu.memref_squeeze %dma_wait3A_407 : memref<1x1x80xi32, #tpu.memory_space<vmem>> -> memref<80xi32, #tpu.memory_space<vmem>>
      %dma_wait3A_409 = arith.constant 0 : i32
      %dma_wait3A_410 = arith.constant 0 : i32
      %dma_wait3A_411 = tpu.memref_slice %arg2[%dma_wait3A_409, %dma_wait3A_410] : memref<160000x128xf32, #tpu.memory_space<hbm>> -> memref<160000x128xf32, #tpu.memory_space<hbm>>
      tpu.wait_indirect_dma semaphore(%arg18 : memref<!tpu.dma_semaphore, #tpu.memory_space<semaphore_mem>>) src(%dma_wait3A_411 : memref<160000x128xf32, #tpu.memory_space<hbm>>) dst(%dma_wait3A_405 : memref<80x128xf32, #tpu.memory_space<vmem>>)
      %dma_wait3A_412 = arith.constant 0 : i32
      %dma_wait3A_413 = arith.constant 4 : i32
      %dma_wait3A_414 = arith.constant 320 : i32
      %dma_wait3A_415 = arith.constant 0 : i32
      %dma_wait3A_416 = tpu.memref_slice %arg14[%dma_wait3A_414, %dma_wait3A_415] : memref<400x128xf32, #tpu.memory_space<vmem>> -> memref<80x128xf32, #tpu.memory_space<vmem>>
      %dma_wait3A_417 = arith.constant 0 : i32
      %dma_wait3A_418 = tpu.memref_slice %arg10[%dma_wait3A_412, %dma_wait3A_413, %dma_wait3A_417] : memref<2x5x80xi32, #tpu.memory_space<vmem>> -> memref<1x1x80xi32, #tpu.memory_space<vmem>>
      %dma_wait3A_419 = tpu.memref_squeeze %dma_wait3A_418 : memref<1x1x80xi32, #tpu.memory_space<vmem>> -> memref<80xi32, #tpu.memory_space<vmem>>
      %dma_wait3A_420 = arith.constant 0 : i32
      %dma_wait3A_421 = arith.constant 0 : i32
      %dma_wait3A_422 = tpu.memref_slice %arg2[%dma_wait3A_420, %dma_wait3A_421] : memref<160000x128xf32, #tpu.memory_space<hbm>> -> memref<160000x128xf32, #tpu.memory_space<hbm>>
      tpu.wait_indirect_dma semaphore(%arg18 : memref<!tpu.dma_semaphore, #tpu.memory_space<semaphore_mem>>) src(%dma_wait3A_422 : memref<160000x128xf32, #tpu.memory_space<hbm>>) dst(%dma_wait3A_416 : memref<80x128xf32, #tpu.memory_space<vmem>>)
      %scan3A_423 = arith.constant 0 : i32
      %scan3A_424 = arith.constant 0 : i32
      %scan3A_425 = arith.constant 40 : i32
      %scan3A_426 = arith.addi %scan3A_424, %scan3A_425 : i32
      %scan3A_427 = arith.constant 1 : i32
      %scan3A_428 = scf.for %scan3A_496 = %scan3A_424 to %scan3A_426 step %scan3A_427 iter_args(%scan3A_497 = %scan3A_423) -> (i32)  : i32 {
        %mul3A_498 = arith.constant 10 : i32
        %mul3A_499 = arith.muli %scan3A_496, %mul3A_498 : i32
        %get3A = arith.index_cast %mul3A_499 : i32 to index
        %get3A_500 = arith.constant 0 : index
        %get3A_501 = tpu.vector_load %arg14[%get3A, %get3A_500] {strides = array<i32>} : memref<400x128xf32, #tpu.memory_space<vmem>>, vector<1x16xf32>,
        %get3A_502 = vector.shape_cast %get3A_501 : vector<1x16xf32> to vector<16xf32>
        %add3A_503 = arith.constant 1 : i32
        %add3A_504 = arith.addi %mul3A_499, %add3A_503 : i32
        %get3A_505 = arith.index_cast %add3A_504 : i32 to index
        %get3A_506 = arith.constant 0 : index
        %get3A_507 = tpu.vector_load %arg14[%get3A_505, %get3A_506] {strides = array<i32>} : memref<400x128xf32, #tpu.memory_space<vmem>>, vector<1x16xf32>,
        %get3A_508 = vector.shape_cast %get3A_507 : vector<1x16xf32> to vector<16xf32>
        %add3A_509 = arith.addf %get3A_502, %get3A_508 : vector<16xf32>
        %add3A_510 = arith.constant 2 : i32
        %add3A_511 = arith.addi %mul3A_499, %add3A_510 : i32
        %get3A_512 = arith.index_cast %add3A_511 : i32 to index
        %get3A_513 = arith.constant 0 : index
        %get3A_514 = tpu.vector_load %arg14[%get3A_512, %get3A_513] {strides = array<i32>} : memref<400x128xf32, #tpu.memory_space<vmem>>, vector<1x16xf32>,
        %get3A_515 = vector.shape_cast %get3A_514 : vector<1x16xf32> to vector<16xf32>
        %add3A_516 = arith.addf %add3A_509, %get3A_515 : vector<16xf32>
        %add3A_517 = arith.constant 3 : i32
        %add3A_518 = arith.addi %mul3A_499, %add3A_517 : i32
        %get3A_519 = arith.index_cast %add3A_518 : i32 to index
        %get3A_520 = arith.constant 0 : index
        %get3A_521 = tpu.vector_load %arg14[%get3A_519, %get3A_520] {strides = array<i32>} : memref<400x128xf32, #tpu.memory_space<vmem>>, vector<1x16xf32>,
        %get3A_522 = vector.shape_cast %get3A_521 : vector<1x16xf32> to vector<16xf32>
        %add3A_523 = arith.addf %add3A_516, %get3A_522 : vector<16xf32>
        %add3A_524 = arith.constant 4 : i32
        %add3A_525 = arith.addi %mul3A_499, %add3A_524 : i32
        %get3A_526 = arith.index_cast %add3A_525 : i32 to index
        %get3A_527 = arith.constant 0 : index
        %get3A_528 = tpu.vector_load %arg14[%get3A_526, %get3A_527] {strides = array<i32>} : memref<400x128xf32, #tpu.memory_space<vmem>>, vector<1x16xf32>,
        %get3A_529 = vector.shape_cast %get3A_528 : vector<1x16xf32> to vector<16xf32>
        %add3A_530 = arith.addf %add3A_523, %get3A_529 : vector<16xf32>
        %add3A_531 = arith.constant 5 : i32
        %add3A_532 = arith.addi %mul3A_499, %add3A_531 : i32
        %get3A_533 = arith.index_cast %add3A_532 : i32 to index
        %get3A_534 = arith.constant 0 : index
        %get3A_535 = tpu.vector_load %arg14[%get3A_533, %get3A_534] {strides = array<i32>} : memref<400x128xf32, #tpu.memory_space<vmem>>, vector<1x16xf32>,
        %get3A_536 = vector.shape_cast %get3A_535 : vector<1x16xf32> to vector<16xf32>
        %add3A_537 = arith.addf %add3A_530, %get3A_536 : vector<16xf32>
        %add3A_538 = arith.constant 6 : i32
        %add3A_539 = arith.addi %mul3A_499, %add3A_538 : i32
        %get3A_540 = arith.index_cast %add3A_539 : i32 to index
        %get3A_541 = arith.constant 0 : index
        %get3A_542 = tpu.vector_load %arg14[%get3A_540, %get3A_541] {strides = array<i32>} : memref<400x128xf32, #tpu.memory_space<vmem>>, vector<1x16xf32>,
        %get3A_543 = vector.shape_cast %get3A_542 : vector<1x16xf32> to vector<16xf32>
        %add3A_544 = arith.addf %add3A_537, %get3A_543 : vector<16xf32>
        %add3A_545 = arith.constant 7 : i32
        %add3A_546 = arith.addi %mul3A_499, %add3A_545 : i32
        %get3A_547 = arith.index_cast %add3A_546 : i32 to index
        %get3A_548 = arith.constant 0 : index
        %get3A_549 = tpu.vector_load %arg14[%get3A_547, %get3A_548] {strides = array<i32>} : memref<400x128xf32, #tpu.memory_space<vmem>>, vector<1x16xf32>,
        %get3A_550 = vector.shape_cast %get3A_549 : vector<1x16xf32> to vector<16xf32>
        %add3A_551 = arith.addf %add3A_544, %get3A_550 : vector<16xf32>
        %add3A_552 = arith.constant 8 : i32
        %add3A_553 = arith.addi %mul3A_499, %add3A_552 : i32
        %get3A_554 = arith.index_cast %add3A_553 : i32 to index
        %get3A_555 = arith.constant 0 : index
        %get3A_556 = tpu.vector_load %arg14[%get3A_554, %get3A_555] {strides = array<i32>} : memref<400x128xf32, #tpu.memory_space<vmem>>, vector<1x16xf32>,
        %get3A_557 = vector.shape_cast %get3A_556 : vector<1x16xf32> to vector<16xf32>
        %add3A_558 = arith.addf %add3A_551, %get3A_557 : vector<16xf32>
        %add3A_559 = arith.constant 9 : i32
        %add3A_560 = arith.addi %mul3A_499, %add3A_559 : i32
        %get3A_561 = arith.index_cast %add3A_560 : i32 to index
        %get3A_562 = arith.constant 0 : index
        %get3A_563 = tpu.vector_load %arg14[%get3A_561, %get3A_562] {strides = array<i32>} : memref<400x128xf32, #tpu.memory_space<vmem>>, vector<1x16xf32>,
        %get3A_564 = vector.shape_cast %get3A_563 : vector<1x16xf32> to vector<16xf32>
        %add3A_565 = arith.addf %add3A_558, %get3A_564 : vector<16xf32>
        %swap3A = arith.index_cast %scan3A_496 : i32 to index
        %swap3A_566 = arith.constant 0 : index
        %swap3A_567 = tpu.vector_load %arg15[%swap3A, %swap3A_566] {strides = array<i32>} : memref<40x128xf32, #tpu.memory_space<vmem>>, vector<1x16xf32>,
        %swap3A_568 = vector.shape_cast %swap3A_567 : vector<1x16xf32> to vector<16xf32>
        %swap3A_569 = vector.shape_cast %add3A_565 : vector<16xf32> to vector<1x16xf32>
        tpu.vector_store %arg15[%swap3A, %swap3A_566], %swap3A_569 {strides = array<i32>} : memref<40x128xf32, #tpu.memory_space<vmem>>, vector<1x16xf32>,
        %get3A_570 = arith.index_cast %mul3A_499 : i32 to index
        %get3A_571 = arith.constant 16 : index
        %get3A_572 = tpu.vector_load %arg14[%get3A_570, %get3A_571] {strides = array<i32>} : memref<400x128xf32, #tpu.memory_space<vmem>>, vector<1x16xf32>,
        %get3A_573 = vector.shape_cast %get3A_572 : vector<1x16xf32> to vector<16xf32>
        %add3A_574 = arith.constant 1 : i32
        %add3A_575 = arith.addi %mul3A_499, %add3A_574 : i32
        %get3A_576 = arith.index_cast %add3A_575 : i32 to index
        %get3A_577 = arith.constant 16 : index
        %get3A_578 = tpu.vector_load %arg14[%get3A_576, %get3A_577] {strides = array<i32>} : memref<400x128xf32, #tpu.memory_space<vmem>>, vector<1x16xf32>,
        %get3A_579 = vector.shape_cast %get3A_578 : vector<1x16xf32> to vector<16xf32>
        %add3A_580 = arith.addf %get3A_573, %get3A_579 : vector<16xf32>
        %add3A_581 = arith.constant 2 : i32
        %add3A_582 = arith.addi %mul3A_499, %add3A_581 : i32
        %get3A_583 = arith.index_cast %add3A_582 : i32 to index
        %get3A_584 = arith.constant 16 : index
        %get3A_585 = tpu.vector_load %arg14[%get3A_583, %get3A_584] {strides = array<i32>} : memref<400x128xf32, #tpu.memory_space<vmem>>, vector<1x16xf32>,
        %get3A_586 = vector.shape_cast %get3A_585 : vector<1x16xf32> to vector<16xf32>
        %add3A_587 = arith.addf %add3A_580, %get3A_586 : vector<16xf32>
        %add3A_588 = arith.constant 3 : i32
        %add3A_589 = arith.addi %mul3A_499, %add3A_588 : i32
        %get3A_590 = arith.index_cast %add3A_589 : i32 to index
        %get3A_591 = arith.constant 16 : index
        %get3A_592 = tpu.vector_load %arg14[%get3A_590, %get3A_591] {strides = array<i32>} : memref<400x128xf32, #tpu.memory_space<vmem>>, vector<1x16xf32>,
        %get3A_593 = vector.shape_cast %get3A_592 : vector<1x16xf32> to vector<16xf32>
        %add3A_594 = arith.addf %add3A_587, %get3A_593 : vector<16xf32>
        %add3A_595 = arith.constant 4 : i32
        %add3A_596 = arith.addi %mul3A_499, %add3A_595 : i32
        %get3A_597 = arith.index_cast %add3A_596 : i32 to index
        %get3A_598 = arith.constant 16 : index
        %get3A_599 = tpu.vector_load %arg14[%get3A_597, %get3A_598] {strides = array<i32>} : memref<400x128xf32, #tpu.memory_space<vmem>>, vector<1x16xf32>,
        %get3A_600 = vector.shape_cast %get3A_599 : vector<1x16xf32> to vector<16xf32>
        %add3A_601 = arith.addf %add3A_594, %get3A_600 : vector<16xf32>
        %add3A_602 = arith.constant 5 : i32
        %add3A_603 = arith.addi %mul3A_499, %add3A_602 : i32
        %get3A_604 = arith.index_cast %add3A_603 : i32 to index
        %get3A_605 = arith.constant 16 : index
        %get3A_606 = tpu.vector_load %arg14[%get3A_604, %get3A_605] {strides = array<i32>} : memref<400x128xf32, #tpu.memory_space<vmem>>, vector<1x16xf32>,
        %get3A_607 = vector.shape_cast %get3A_606 : vector<1x16xf32> to vector<16xf32>
        %add3A_608 = arith.addf %add3A_601, %get3A_607 : vector<16xf32>
        %add3A_609 = arith.constant 6 : i32
        %add3A_610 = arith.addi %mul3A_499, %add3A_609 : i32
        %get3A_611 = arith.index_cast %add3A_610 : i32 to index
        %get3A_612 = arith.constant 16 : index
        %get3A_613 = tpu.vector_load %arg14[%get3A_611, %get3A_612] {strides = array<i32>} : memref<400x128xf32, #tpu.memory_space<vmem>>, vector<1x16xf32>,
        %get3A_614 = vector.shape_cast %get3A_613 : vector<1x16xf32> to vector<16xf32>
        %add3A_615 = arith.addf %add3A_608, %get3A_614 : vector<16xf32>
        %add3A_616 = arith.constant 7 : i32
        %add3A_617 = arith.addi %mul3A_499, %add3A_616 : i32
        %get3A_618 = arith.index_cast %add3A_617 : i32 to index
        %get3A_619 = arith.constant 16 : index
        %get3A_620 = tpu.vector_load %arg14[%get3A_618, %get3A_619] {strides = array<i32>} : memref<400x128xf32, #tpu.memory_space<vmem>>, vector<1x16xf32>,
        %get3A_621 = vector.shape_cast %get3A_620 : vector<1x16xf32> to vector<16xf32>
        %add3A_622 = arith.addf %add3A_615, %get3A_621 : vector<16xf32>
        %add3A_623 = arith.constant 8 : i32
        %add3A_624 = arith.addi %mul3A_499, %add3A_623 : i32
        %get3A_625 = arith.index_cast %add3A_624 : i32 to index
        %get3A_626 = arith.constant 16 : index
        %get3A_627 = tpu.vector_load %arg14[%get3A_625, %get3A_626] {strides = array<i32>} : memref<400x128xf32, #tpu.memory_space<vmem>>, vector<1x16xf32>,
        %get3A_628 = vector.shape_cast %get3A_627 : vector<1x16xf32> to vector<16xf32>
        %add3A_629 = arith.addf %add3A_622, %get3A_628 : vector<16xf32>
        %add3A_630 = arith.constant 9 : i32
        %add3A_631 = arith.addi %mul3A_499, %add3A_630 : i32
        %get3A_632 = arith.index_cast %add3A_631 : i32 to index
        %get3A_633 = arith.constant 16 : index
        %get3A_634 = tpu.vector_load %arg14[%get3A_632, %get3A_633] {strides = array<i32>} : memref<400x128xf32, #tpu.memory_space<vmem>>, vector<1x16xf32>,
        %get3A_635 = vector.shape_cast %get3A_634 : vector<1x16xf32> to vector<16xf32>
        %add3A_636 = arith.addf %add3A_629, %get3A_635 : vector<16xf32>
        %swap3A_637 = arith.index_cast %scan3A_496 : i32 to index
        %swap3A_638 = arith.constant 16 : index
        %swap3A_639 = tpu.vector_load %arg15[%swap3A_637, %swap3A_638] {strides = array<i32>} : memref<40x128xf32, #tpu.memory_space<vmem>>, vector<1x16xf32>,
        %swap3A_640 = vector.shape_cast %swap3A_639 : vector<1x16xf32> to vector<16xf32>
        %swap3A_641 = vector.shape_cast %add3A_636 : vector<16xf32> to vector<1x16xf32>
        tpu.vector_store %arg15[%swap3A_637, %swap3A_638], %swap3A_641 {strides = array<i32>} : memref<40x128xf32, #tpu.memory_space<vmem>>, vector<1x16xf32>,
        %get3A_642 = arith.index_cast %mul3A_499 : i32 to index
        %get3A_643 = arith.constant 32 : index
        %get3A_644 = tpu.vector_load %arg14[%get3A_642, %get3A_643] {strides = array<i32>} : memref<400x128xf32, #tpu.memory_space<vmem>>, vector<1x16xf32>,
        %get3A_645 = vector.shape_cast %get3A_644 : vector<1x16xf32> to vector<16xf32>
        %add3A_646 = arith.constant 1 : i32
        %add3A_647 = arith.addi %mul3A_499, %add3A_646 : i32
        %get3A_648 = arith.index_cast %add3A_647 : i32 to index
        %get3A_649 = arith.constant 32 : index
        %get3A_650 = tpu.vector_load %arg14[%get3A_648, %get3A_649] {strides = array<i32>} : memref<400x128xf32, #tpu.memory_space<vmem>>, vector<1x16xf32>,
        %get3A_651 = vector.shape_cast %get3A_650 : vector<1x16xf32> to vector<16xf32>
        %add3A_652 = arith.addf %get3A_645, %get3A_651 : vector<16xf32>
        %add3A_653 = arith.constant 2 : i32
        %add3A_654 = arith.addi %mul3A_499, %add3A_653 : i32
        %get3A_655 = arith.index_cast %add3A_654 : i32 to index
        %get3A_656 = arith.constant 32 : index
        %get3A_657 = tpu.vector_load %arg14[%get3A_655, %get3A_656] {strides = array<i32>} : memref<400x128xf32, #tpu.memory_space<vmem>>, vector<1x16xf32>,
        %get3A_658 = vector.shape_cast %get3A_657 : vector<1x16xf32> to vector<16xf32>
        %add3A_659 = arith.addf %add3A_652, %get3A_658 : vector<16xf32>
        %add3A_660 = arith.constant 3 : i32
        %add3A_661 = arith.addi %mul3A_499, %add3A_660 : i32
        %get3A_662 = arith.index_cast %add3A_661 : i32 to index
        %get3A_663 = arith.constant 32 : index
        %get3A_664 = tpu.vector_load %arg14[%get3A_662, %get3A_663] {strides = array<i32>} : memref<400x128xf32, #tpu.memory_space<vmem>>, vector<1x16xf32>,
        %get3A_665 = vector.shape_cast %get3A_664 : vector<1x16xf32> to vector<16xf32>
        %add3A_666 = arith.addf %add3A_659, %get3A_665 : vector<16xf32>
        %add3A_667 = arith.constant 4 : i32
        %add3A_668 = arith.addi %mul3A_499, %add3A_667 : i32
        %get3A_669 = arith.index_cast %add3A_668 : i32 to index
        %get3A_670 = arith.constant 32 : index
        %get3A_671 = tpu.vector_load %arg14[%get3A_669, %get3A_670] {strides = array<i32>} : memref<400x128xf32, #tpu.memory_space<vmem>>, vector<1x16xf32>,
        %get3A_672 = vector.shape_cast %get3A_671 : vector<1x16xf32> to vector<16xf32>
        %add3A_673 = arith.addf %add3A_666, %get3A_672 : vector<16xf32>
        %add3A_674 = arith.constant 5 : i32
        %add3A_675 = arith.addi %mul3A_499, %add3A_674 : i32
        %get3A_676 = arith.index_cast %add3A_675 : i32 to index
        %get3A_677 = arith.constant 32 : index
        %get3A_678 = tpu.vector_load %arg14[%get3A_676, %get3A_677] {strides = array<i32>} : memref<400x128xf32, #tpu.memory_space<vmem>>, vector<1x16xf32>,
        %get3A_679 = vector.shape_cast %get3A_678 : vector<1x16xf32> to vector<16xf32>
        %add3A_680 = arith.addf %add3A_673, %get3A_679 : vector<16xf32>
        %add3A_681 = arith.constant 6 : i32
        %add3A_682 = arith.addi %mul3A_499, %add3A_681 : i32
        %get3A_683 = arith.index_cast %add3A_682 : i32 to index
        %get3A_684 = arith.constant 32 : index
        %get3A_685 = tpu.vector_load %arg14[%get3A_683, %get3A_684] {strides = array<i32>} : memref<400x128xf32, #tpu.memory_space<vmem>>, vector<1x16xf32>,
        %get3A_686 = vector.shape_cast %get3A_685 : vector<1x16xf32> to vector<16xf32>
        %add3A_687 = arith.addf %add3A_680, %get3A_686 : vector<16xf32>
        %add3A_688 = arith.constant 7 : i32
        %add3A_689 = arith.addi %mul3A_499, %add3A_688 : i32
        %get3A_690 = arith.index_cast %add3A_689 : i32 to index
        %get3A_691 = arith.constant 32 : index
        %get3A_692 = tpu.vector_load %arg14[%get3A_690, %get3A_691] {strides = array<i32>} : memref<400x128xf32, #tpu.memory_space<vmem>>, vector<1x16xf32>,
        %get3A_693 = vector.shape_cast %get3A_692 : vector<1x16xf32> to vector<16xf32>
        %add3A_694 = arith.addf %add3A_687, %get3A_693 : vector<16xf32>
        %add3A_695 = arith.constant 8 : i32
        %add3A_696 = arith.addi %mul3A_499, %add3A_695 : i32
        %get3A_697 = arith.index_cast %add3A_696 : i32 to index
        %get3A_698 = arith.constant 32 : index
        %get3A_699 = tpu.vector_load %arg14[%get3A_697, %get3A_698] {strides = array<i32>} : memref<400x128xf32, #tpu.memory_space<vmem>>, vector<1x16xf32>,
        %get3A_700 = vector.shape_cast %get3A_699 : vector<1x16xf32> to vector<16xf32>
        %add3A_701 = arith.addf %add3A_694, %get3A_700 : vector<16xf32>
        %add3A_702 = arith.constant 9 : i32
        %add3A_703 = arith.addi %mul3A_499, %add3A_702 : i32
        %get3A_704 = arith.index_cast %add3A_703 : i32 to index
        %get3A_705 = arith.constant 32 : index
        %get3A_706 = tpu.vector_load %arg14[%get3A_704, %get3A_705] {strides = array<i32>} : memref<400x128xf32, #tpu.memory_space<vmem>>, vector<1x16xf32>,
        %get3A_707 = vector.shape_cast %get3A_706 : vector<1x16xf32> to vector<16xf32>
        %add3A_708 = arith.addf %add3A_701, %get3A_707 : vector<16xf32>
        %swap3A_709 = arith.index_cast %scan3A_496 : i32 to index
        %swap3A_710 = arith.constant 32 : index
        %swap3A_711 = tpu.vector_load %arg15[%swap3A_709, %swap3A_710] {strides = array<i32>} : memref<40x128xf32, #tpu.memory_space<vmem>>, vector<1x16xf32>,
        %swap3A_712 = vector.shape_cast %swap3A_711 : vector<1x16xf32> to vector<16xf32>
        %swap3A_713 = vector.shape_cast %add3A_708 : vector<16xf32> to vector<1x16xf32>
        tpu.vector_store %arg15[%swap3A_709, %swap3A_710], %swap3A_713 {strides = array<i32>} : memref<40x128xf32, #tpu.memory_space<vmem>>, vector<1x16xf32>,
        %get3A_714 = arith.index_cast %mul3A_499 : i32 to index
        %get3A_715 = arith.constant 48 : index
        %get3A_716 = tpu.vector_load %arg14[%get3A_714, %get3A_715] {strides = array<i32>} : memref<400x128xf32, #tpu.memory_space<vmem>>, vector<1x16xf32>,
        %get3A_717 = vector.shape_cast %get3A_716 : vector<1x16xf32> to vector<16xf32>
        %add3A_718 = arith.constant 1 : i32
        %add3A_719 = arith.addi %mul3A_499, %add3A_718 : i32
        %get3A_720 = arith.index_cast %add3A_719 : i32 to index
        %get3A_721 = arith.constant 48 : index
        %get3A_722 = tpu.vector_load %arg14[%get3A_720, %get3A_721] {strides = array<i32>} : memref<400x128xf32, #tpu.memory_space<vmem>>, vector<1x16xf32>,
        %get3A_723 = vector.shape_cast %get3A_722 : vector<1x16xf32> to vector<16xf32>
        %add3A_724 = arith.addf %get3A_717, %get3A_723 : vector<16xf32>
        %add3A_725 = arith.constant 2 : i32
        %add3A_726 = arith.addi %mul3A_499, %add3A_725 : i32
        %get3A_727 = arith.index_cast %add3A_726 : i32 to index
        %get3A_728 = arith.constant 48 : index
        %get3A_729 = tpu.vector_load %arg14[%get3A_727, %get3A_728] {strides = array<i32>} : memref<400x128xf32, #tpu.memory_space<vmem>>, vector<1x16xf32>,
        %get3A_730 = vector.shape_cast %get3A_729 : vector<1x16xf32> to vector<16xf32>
        %add3A_731 = arith.addf %add3A_724, %get3A_730 : vector<16xf32>
        %add3A_732 = arith.constant 3 : i32
        %add3A_733 = arith.addi %mul3A_499, %add3A_732 : i32
        %get3A_734 = arith.index_cast %add3A_733 : i32 to index
        %get3A_735 = arith.constant 48 : index
        %get3A_736 = tpu.vector_load %arg14[%get3A_734, %get3A_735] {strides = array<i32>} : memref<400x128xf32, #tpu.memory_space<vmem>>, vector<1x16xf32>,
        %get3A_737 = vector.shape_cast %get3A_736 : vector<1x16xf32> to vector<16xf32>
        %add3A_738 = arith.addf %add3A_731, %get3A_737 : vector<16xf32>
        %add3A_739 = arith.constant 4 : i32
        %add3A_740 = arith.addi %mul3A_499, %add3A_739 : i32
        %get3A_741 = arith.index_cast %add3A_740 : i32 to index
        %get3A_742 = arith.constant 48 : index
        %get3A_743 = tpu.vector_load %arg14[%get3A_741, %get3A_742] {strides = array<i32>} : memref<400x128xf32, #tpu.memory_space<vmem>>, vector<1x16xf32>,
        %get3A_744 = vector.shape_cast %get3A_743 : vector<1x16xf32> to vector<16xf32>
        %add3A_745 = arith.addf %add3A_738, %get3A_744 : vector<16xf32>
        %add3A_746 = arith.constant 5 : i32
        %add3A_747 = arith.addi %mul3A_499, %add3A_746 : i32
        %get3A_748 = arith.index_cast %add3A_747 : i32 to index
        %get3A_749 = arith.constant 48 : index
        %get3A_750 = tpu.vector_load %arg14[%get3A_748, %get3A_749] {strides = array<i32>} : memref<400x128xf32, #tpu.memory_space<vmem>>, vector<1x16xf32>,
        %get3A_751 = vector.shape_cast %get3A_750 : vector<1x16xf32> to vector<16xf32>
        %add3A_752 = arith.addf %add3A_745, %get3A_751 : vector<16xf32>
        %add3A_753 = arith.constant 6 : i32
        %add3A_754 = arith.addi %mul3A_499, %add3A_753 : i32
        %get3A_755 = arith.index_cast %add3A_754 : i32 to index
        %get3A_756 = arith.constant 48 : index
        %get3A_757 = tpu.vector_load %arg14[%get3A_755, %get3A_756] {strides = array<i32>} : memref<400x128xf32, #tpu.memory_space<vmem>>, vector<1x16xf32>,
        %get3A_758 = vector.shape_cast %get3A_757 : vector<1x16xf32> to vector<16xf32>
        %add3A_759 = arith.addf %add3A_752, %get3A_758 : vector<16xf32>
        %add3A_760 = arith.constant 7 : i32
        %add3A_761 = arith.addi %mul3A_499, %add3A_760 : i32
        %get3A_762 = arith.index_cast %add3A_761 : i32 to index
        %get3A_763 = arith.constant 48 : index
        %get3A_764 = tpu.vector_load %arg14[%get3A_762, %get3A_763] {strides = array<i32>} : memref<400x128xf32, #tpu.memory_space<vmem>>, vector<1x16xf32>,
        %get3A_765 = vector.shape_cast %get3A_764 : vector<1x16xf32> to vector<16xf32>
        %add3A_766 = arith.addf %add3A_759, %get3A_765 : vector<16xf32>
        %add3A_767 = arith.constant 8 : i32
        %add3A_768 = arith.addi %mul3A_499, %add3A_767 : i32
        %get3A_769 = arith.index_cast %add3A_768 : i32 to index
        %get3A_770 = arith.constant 48 : index
        %get3A_771 = tpu.vector_load %arg14[%get3A_769, %get3A_770] {strides = array<i32>} : memref<400x128xf32, #tpu.memory_space<vmem>>, vector<1x16xf32>,
        %get3A_772 = vector.shape_cast %get3A_771 : vector<1x16xf32> to vector<16xf32>
        %add3A_773 = arith.addf %add3A_766, %get3A_772 : vector<16xf32>
        %add3A_774 = arith.constant 9 : i32
        %add3A_775 = arith.addi %mul3A_499, %add3A_774 : i32
        %get3A_776 = arith.index_cast %add3A_775 : i32 to index
        %get3A_777 = arith.constant 48 : index
        %get3A_778 = tpu.vector_load %arg14[%get3A_776, %get3A_777] {strides = array<i32>} : memref<400x128xf32, #tpu.memory_space<vmem>>, vector<1x16xf32>,
        %get3A_779 = vector.shape_cast %get3A_778 : vector<1x16xf32> to vector<16xf32>
        %add3A_780 = arith.addf %add3A_773, %get3A_779 : vector<16xf32>
        %swap3A_781 = arith.index_cast %scan3A_496 : i32 to index
        %swap3A_782 = arith.constant 48 : index
        %swap3A_783 = tpu.vector_load %arg15[%swap3A_781, %swap3A_782] {strides = array<i32>} : memref<40x128xf32, #tpu.memory_space<vmem>>, vector<1x16xf32>,
        %swap3A_784 = vector.shape_cast %swap3A_783 : vector<1x16xf32> to vector<16xf32>
        %swap3A_785 = vector.shape_cast %add3A_780 : vector<16xf32> to vector<1x16xf32>
        tpu.vector_store %arg15[%swap3A_781, %swap3A_782], %swap3A_785 {strides = array<i32>} : memref<40x128xf32, #tpu.memory_space<vmem>>, vector<1x16xf32>,
        %get3A_786 = arith.index_cast %mul3A_499 : i32 to index
        %get3A_787 = arith.constant 64 : index
        %get3A_788 = tpu.vector_load %arg14[%get3A_786, %get3A_787] {strides = array<i32>} : memref<400x128xf32, #tpu.memory_space<vmem>>, vector<1x16xf32>,
        %get3A_789 = vector.shape_cast %get3A_788 : vector<1x16xf32> to vector<16xf32>
        %add3A_790 = arith.constant 1 : i32
        %add3A_791 = arith.addi %mul3A_499, %add3A_790 : i32
        %get3A_792 = arith.index_cast %add3A_791 : i32 to index
        %get3A_793 = arith.constant 64 : index
        %get3A_794 = tpu.vector_load %arg14[%get3A_792, %get3A_793] {strides = array<i32>} : memref<400x128xf32, #tpu.memory_space<vmem>>, vector<1x16xf32>,
        %get3A_795 = vector.shape_cast %get3A_794 : vector<1x16xf32> to vector<16xf32>
        %add3A_796 = arith.addf %get3A_789, %get3A_795 : vector<16xf32>
        %add3A_797 = arith.constant 2 : i32
        %add3A_798 = arith.addi %mul3A_499, %add3A_797 : i32
        %get3A_799 = arith.index_cast %add3A_798 : i32 to index
        %get3A_800 = arith.constant 64 : index
        %get3A_801 = tpu.vector_load %arg14[%get3A_799, %get3A_800] {strides = array<i32>} : memref<400x128xf32, #tpu.memory_space<vmem>>, vector<1x16xf32>,
        %get3A_802 = vector.shape_cast %get3A_801 : vector<1x16xf32> to vector<16xf32>
        %add3A_803 = arith.addf %add3A_796, %get3A_802 : vector<16xf32>
        %add3A_804 = arith.constant 3 : i32
        %add3A_805 = arith.addi %mul3A_499, %add3A_804 : i32
        %get3A_806 = arith.index_cast %add3A_805 : i32 to index
        %get3A_807 = arith.constant 64 : index
        %get3A_808 = tpu.vector_load %arg14[%get3A_806, %get3A_807] {strides = array<i32>} : memref<400x128xf32, #tpu.memory_space<vmem>>, vector<1x16xf32>,
        %get3A_809 = vector.shape_cast %get3A_808 : vector<1x16xf32> to vector<16xf32>
        %add3A_810 = arith.addf %add3A_803, %get3A_809 : vector<16xf32>
        %add3A_811 = arith.constant 4 : i32
        %add3A_812 = arith.addi %mul3A_499, %add3A_811 : i32
        %get3A_813 = arith.index_cast %add3A_812 : i32 to index
        %get3A_814 = arith.constant 64 : index
        %get3A_815 = tpu.vector_load %arg14[%get3A_813, %get3A_814] {strides = array<i32>} : memref<400x128xf32, #tpu.memory_space<vmem>>, vector<1x16xf32>,
        %get3A_816 = vector.shape_cast %get3A_815 : vector<1x16xf32> to vector<16xf32>
        %add3A_817 = arith.addf %add3A_810, %get3A_816 : vector<16xf32>
        %add3A_818 = arith.constant 5 : i32
        %add3A_819 = arith.addi %mul3A_499, %add3A_818 : i32
        %get3A_820 = arith.index_cast %add3A_819 : i32 to index
        %get3A_821 = arith.constant 64 : index
        %get3A_822 = tpu.vector_load %arg14[%get3A_820, %get3A_821] {strides = array<i32>} : memref<400x128xf32, #tpu.memory_space<vmem>>, vector<1x16xf32>,
        %get3A_823 = vector.shape_cast %get3A_822 : vector<1x16xf32> to vector<16xf32>
        %add3A_824 = arith.addf %add3A_817, %get3A_823 : vector<16xf32>
        %add3A_825 = arith.constant 6 : i32
        %add3A_826 = arith.addi %mul3A_499, %add3A_825 : i32
        %get3A_827 = arith.index_cast %add3A_826 : i32 to index
        %get3A_828 = arith.constant 64 : index
        %get3A_829 = tpu.vector_load %arg14[%get3A_827, %get3A_828] {strides = array<i32>} : memref<400x128xf32, #tpu.memory_space<vmem>>, vector<1x16xf32>,
        %get3A_830 = vector.shape_cast %get3A_829 : vector<1x16xf32> to vector<16xf32>
        %add3A_831 = arith.addf %add3A_824, %get3A_830 : vector<16xf32>
        %add3A_832 = arith.constant 7 : i32
        %add3A_833 = arith.addi %mul3A_499, %add3A_832 : i32
        %get3A_834 = arith.index_cast %add3A_833 : i32 to index
        %get3A_835 = arith.constant 64 : index
        %get3A_836 = tpu.vector_load %arg14[%get3A_834, %get3A_835] {strides = array<i32>} : memref<400x128xf32, #tpu.memory_space<vmem>>, vector<1x16xf32>,
        %get3A_837 = vector.shape_cast %get3A_836 : vector<1x16xf32> to vector<16xf32>
        %add3A_838 = arith.addf %add3A_831, %get3A_837 : vector<16xf32>
        %add3A_839 = arith.constant 8 : i32
        %add3A_840 = arith.addi %mul3A_499, %add3A_839 : i32
        %get3A_841 = arith.index_cast %add3A_840 : i32 to index
        %get3A_842 = arith.constant 64 : index
        %get3A_843 = tpu.vector_load %arg14[%get3A_841, %get3A_842] {strides = array<i32>} : memref<400x128xf32, #tpu.memory_space<vmem>>, vector<1x16xf32>,
        %get3A_844 = vector.shape_cast %get3A_843 : vector<1x16xf32> to vector<16xf32>
        %add3A_845 = arith.addf %add3A_838, %get3A_844 : vector<16xf32>
        %add3A_846 = arith.constant 9 : i32
        %add3A_847 = arith.addi %mul3A_499, %add3A_846 : i32
        %get3A_848 = arith.index_cast %add3A_847 : i32 to index
        %get3A_849 = arith.constant 64 : index
        %get3A_850 = tpu.vector_load %arg14[%get3A_848, %get3A_849] {strides = array<i32>} : memref<400x128xf32, #tpu.memory_space<vmem>>, vector<1x16xf32>,
        %get3A_851 = vector.shape_cast %get3A_850 : vector<1x16xf32> to vector<16xf32>
        %add3A_852 = arith.addf %add3A_845, %get3A_851 : vector<16xf32>
        %swap3A_853 = arith.index_cast %scan3A_496 : i32 to index
        %swap3A_854 = arith.constant 64 : index
        %swap3A_855 = tpu.vector_load %arg15[%swap3A_853, %swap3A_854] {strides = array<i32>} : memref<40x128xf32, #tpu.memory_space<vmem>>, vector<1x16xf32>,
        %swap3A_856 = vector.shape_cast %swap3A_855 : vector<1x16xf32> to vector<16xf32>
        %swap3A_857 = vector.shape_cast %add3A_852 : vector<16xf32> to vector<1x16xf32>
        tpu.vector_store %arg15[%swap3A_853, %swap3A_854], %swap3A_857 {strides = array<i32>} : memref<40x128xf32, #tpu.memory_space<vmem>>, vector<1x16xf32>,
        %get3A_858 = arith.index_cast %mul3A_499 : i32 to index
        %get3A_859 = arith.constant 80 : index
        %get3A_860 = tpu.vector_load %arg14[%get3A_858, %get3A_859] {strides = array<i32>} : memref<400x128xf32, #tpu.memory_space<vmem>>, vector<1x16xf32>,
        %get3A_861 = vector.shape_cast %get3A_860 : vector<1x16xf32> to vector<16xf32>
        %add3A_862 = arith.constant 1 : i32
        %add3A_863 = arith.addi %mul3A_499, %add3A_862 : i32
        %get3A_864 = arith.index_cast %add3A_863 : i32 to index
        %get3A_865 = arith.constant 80 : index
        %get3A_866 = tpu.vector_load %arg14[%get3A_864, %get3A_865] {strides = array<i32>} : memref<400x128xf32, #tpu.memory_space<vmem>>, vector<1x16xf32>,
        %get3A_867 = vector.shape_cast %get3A_866 : vector<1x16xf32> to vector<16xf32>
        %add3A_868 = arith.addf %get3A_861, %get3A_867 : vector<16xf32>
        %add3A_869 = arith.constant 2 : i32
        %add3A_870 = arith.addi %mul3A_499, %add3A_869 : i32
        %get3A_871 = arith.index_cast %add3A_870 : i32 to index
        %get3A_872 = arith.constant 80 : index
        %get3A_873 = tpu.vector_load %arg14[%get3A_871, %get3A_872] {strides = array<i32>} : memref<400x128xf32, #tpu.memory_space<vmem>>, vector<1x16xf32>,
        %get3A_874 = vector.shape_cast %get3A_873 : vector<1x16xf32> to vector<16xf32>
        %add3A_875 = arith.addf %add3A_868, %get3A_874 : vector<16xf32>
        %add3A_876 = arith.constant 3 : i32
        %add3A_877 = arith.addi %mul3A_499, %add3A_876 : i32
        %get3A_878 = arith.index_cast %add3A_877 : i32 to index
        %get3A_879 = arith.constant 80 : index
        %get3A_880 = tpu.vector_load %arg14[%get3A_878, %get3A_879] {strides = array<i32>} : memref<400x128xf32, #tpu.memory_space<vmem>>, vector<1x16xf32>,
        %get3A_881 = vector.shape_cast %get3A_880 : vector<1x16xf32> to vector<16xf32>
        %add3A_882 = arith.addf %add3A_875, %get3A_881 : vector<16xf32>
        %add3A_883 = arith.constant 4 : i32
        %add3A_884 = arith.addi %mul3A_499, %add3A_883 : i32
        %get3A_885 = arith.index_cast %add3A_884 : i32 to index
        %get3A_886 = arith.constant 80 : index
        %get3A_887 = tpu.vector_load %arg14[%get3A_885, %get3A_886] {strides = array<i32>} : memref<400x128xf32, #tpu.memory_space<vmem>>, vector<1x16xf32>,
        %get3A_888 = vector.shape_cast %get3A_887 : vector<1x16xf32> to vector<16xf32>
        %add3A_889 = arith.addf %add3A_882, %get3A_888 : vector<16xf32>
        %add3A_890 = arith.constant 5 : i32
        %add3A_891 = arith.addi %mul3A_499, %add3A_890 : i32
        %get3A_892 = arith.index_cast %add3A_891 : i32 to index
        %get3A_893 = arith.constant 80 : index
        %get3A_894 = tpu.vector_load %arg14[%get3A_892, %get3A_893] {strides = array<i32>} : memref<400x128xf32, #tpu.memory_space<vmem>>, vector<1x16xf32>,
        %get3A_895 = vector.shape_cast %get3A_894 : vector<1x16xf32> to vector<16xf32>
        %add3A_896 = arith.addf %add3A_889, %get3A_895 : vector<16xf32>
        %add3A_897 = arith.constant 6 : i32
        %add3A_898 = arith.addi %mul3A_499, %add3A_897 : i32
        %get3A_899 = arith.index_cast %add3A_898 : i32 to index
        %get3A_900 = arith.constant 80 : index
        %get3A_901 = tpu.vector_load %arg14[%get3A_899, %get3A_900] {strides = array<i32>} : memref<400x128xf32, #tpu.memory_space<vmem>>, vector<1x16xf32>,
        %get3A_902 = vector.shape_cast %get3A_901 : vector<1x16xf32> to vector<16xf32>
        %add3A_903 = arith.addf %add3A_896, %get3A_902 : vector<16xf32>
        %add3A_904 = arith.constant 7 : i32
        %add3A_905 = arith.addi %mul3A_499, %add3A_904 : i32
        %get3A_906 = arith.index_cast %add3A_905 : i32 to index
        %get3A_907 = arith.constant 80 : index
        %get3A_908 = tpu.vector_load %arg14[%get3A_906, %get3A_907] {strides = array<i32>} : memref<400x128xf32, #tpu.memory_space<vmem>>, vector<1x16xf32>,
        %get3A_909 = vector.shape_cast %get3A_908 : vector<1x16xf32> to vector<16xf32>
        %add3A_910 = arith.addf %add3A_903, %get3A_909 : vector<16xf32>
        %add3A_911 = arith.constant 8 : i32
        %add3A_912 = arith.addi %mul3A_499, %add3A_911 : i32
        %get3A_913 = arith.index_cast %add3A_912 : i32 to index
        %get3A_914 = arith.constant 80 : index
        %get3A_915 = tpu.vector_load %arg14[%get3A_913, %get3A_914] {strides = array<i32>} : memref<400x128xf32, #tpu.memory_space<vmem>>, vector<1x16xf32>,
        %get3A_916 = vector.shape_cast %get3A_915 : vector<1x16xf32> to vector<16xf32>
        %add3A_917 = arith.addf %add3A_910, %get3A_916 : vector<16xf32>
        %add3A_918 = arith.constant 9 : i32
        %add3A_919 = arith.addi %mul3A_499, %add3A_918 : i32
        %get3A_920 = arith.index_cast %add3A_919 : i32 to index
        %get3A_921 = arith.constant 80 : index
        %get3A_922 = tpu.vector_load %arg14[%get3A_920, %get3A_921] {strides = array<i32>} : memref<400x128xf32, #tpu.memory_space<vmem>>, vector<1x16xf32>,
        %get3A_923 = vector.shape_cast %get3A_922 : vector<1x16xf32> to vector<16xf32>
        %add3A_924 = arith.addf %add3A_917, %get3A_923 : vector<16xf32>
        %swap3A_925 = arith.index_cast %scan3A_496 : i32 to index
        %swap3A_926 = arith.constant 80 : index
        %swap3A_927 = tpu.vector_load %arg15[%swap3A_925, %swap3A_926] {strides = array<i32>} : memref<40x128xf32, #tpu.memory_space<vmem>>, vector<1x16xf32>,
        %swap3A_928 = vector.shape_cast %swap3A_927 : vector<1x16xf32> to vector<16xf32>
        %swap3A_929 = vector.shape_cast %add3A_924 : vector<16xf32> to vector<1x16xf32>
        tpu.vector_store %arg15[%swap3A_925, %swap3A_926], %swap3A_929 {strides = array<i32>} : memref<40x128xf32, #tpu.memory_space<vmem>>, vector<1x16xf32>,
        %get3A_930 = arith.index_cast %mul3A_499 : i32 to index
        %get3A_931 = arith.constant 96 : index
        %get3A_932 = tpu.vector_load %arg14[%get3A_930, %get3A_931] {strides = array<i32>} : memref<400x128xf32, #tpu.memory_space<vmem>>, vector<1x16xf32>,
        %get3A_933 = vector.shape_cast %get3A_932 : vector<1x16xf32> to vector<16xf32>
        %add3A_934 = arith.constant 1 : i32
        %add3A_935 = arith.addi %mul3A_499, %add3A_934 : i32
        %get3A_936 = arith.index_cast %add3A_935 : i32 to index
        %get3A_937 = arith.constant 96 : index
        %get3A_938 = tpu.vector_load %arg14[%get3A_936, %get3A_937] {strides = array<i32>} : memref<400x128xf32, #tpu.memory_space<vmem>>, vector<1x16xf32>,
        %get3A_939 = vector.shape_cast %get3A_938 : vector<1x16xf32> to vector<16xf32>
        %add3A_940 = arith.addf %get3A_933, %get3A_939 : vector<16xf32>
        %add3A_941 = arith.constant 2 : i32
        %add3A_942 = arith.addi %mul3A_499, %add3A_941 : i32
        %get3A_943 = arith.index_cast %add3A_942 : i32 to index
        %get3A_944 = arith.constant 96 : index
        %get3A_945 = tpu.vector_load %arg14[%get3A_943, %get3A_944] {strides = array<i32>} : memref<400x128xf32, #tpu.memory_space<vmem>>, vector<1x16xf32>,
        %get3A_946 = vector.shape_cast %get3A_945 : vector<1x16xf32> to vector<16xf32>
        %add3A_947 = arith.addf %add3A_940, %get3A_946 : vector<16xf32>
        %add3A_948 = arith.constant 3 : i32
        %add3A_949 = arith.addi %mul3A_499, %add3A_948 : i32
        %get3A_950 = arith.index_cast %add3A_949 : i32 to index
        %get3A_951 = arith.constant 96 : index
        %get3A_952 = tpu.vector_load %arg14[%get3A_950, %get3A_951] {strides = array<i32>} : memref<400x128xf32, #tpu.memory_space<vmem>>, vector<1x16xf32>,
        %get3A_953 = vector.shape_cast %get3A_952 : vector<1x16xf32> to vector<16xf32>
        %add3A_954 = arith.addf %add3A_947, %get3A_953 : vector<16xf32>
        %add3A_955 = arith.constant 4 : i32
        %add3A_956 = arith.addi %mul3A_499, %add3A_955 : i32
        %get3A_957 = arith.index_cast %add3A_956 : i32 to index
        %get3A_958 = arith.constant 96 : index
        %get3A_959 = tpu.vector_load %arg14[%get3A_957, %get3A_958] {strides = array<i32>} : memref<400x128xf32, #tpu.memory_space<vmem>>, vector<1x16xf32>,
        %get3A_960 = vector.shape_cast %get3A_959 : vector<1x16xf32> to vector<16xf32>
        %add3A_961 = arith.addf %add3A_954, %get3A_960 : vector<16xf32>
        %add3A_962 = arith.constant 5 : i32
        %add3A_963 = arith.addi %mul3A_499, %add3A_962 : i32
        %get3A_964 = arith.index_cast %add3A_963 : i32 to index
        %get3A_965 = arith.constant 96 : index
        %get3A_966 = tpu.vector_load %arg14[%get3A_964, %get3A_965] {strides = array<i32>} : memref<400x128xf32, #tpu.memory_space<vmem>>, vector<1x16xf32>,
        %get3A_967 = vector.shape_cast %get3A_966 : vector<1x16xf32> to vector<16xf32>
        %add3A_968 = arith.addf %add3A_961, %get3A_967 : vector<16xf32>
        %add3A_969 = arith.constant 6 : i32
        %add3A_970 = arith.addi %mul3A_499, %add3A_969 : i32
        %get3A_971 = arith.index_cast %add3A_970 : i32 to index
        %get3A_972 = arith.constant 96 : index
        %get3A_973 = tpu.vector_load %arg14[%get3A_971, %get3A_972] {strides = array<i32>} : memref<400x128xf32, #tpu.memory_space<vmem>>, vector<1x16xf32>,
        %get3A_974 = vector.shape_cast %get3A_973 : vector<1x16xf32> to vector<16xf32>
        %add3A_975 = arith.addf %add3A_968, %get3A_974 : vector<16xf32>
        %add3A_976 = arith.constant 7 : i32
        %add3A_977 = arith.addi %mul3A_499, %add3A_976 : i32
        %get3A_978 = arith.index_cast %add3A_977 : i32 to index
        %get3A_979 = arith.constant 96 : index
        %get3A_980 = tpu.vector_load %arg14[%get3A_978, %get3A_979] {strides = array<i32>} : memref<400x128xf32, #tpu.memory_space<vmem>>, vector<1x16xf32>,
        %get3A_981 = vector.shape_cast %get3A_980 : vector<1x16xf32> to vector<16xf32>
        %add3A_982 = arith.addf %add3A_975, %get3A_981 : vector<16xf32>
        %add3A_983 = arith.constant 8 : i32
        %add3A_984 = arith.addi %mul3A_499, %add3A_983 : i32
        %get3A_985 = arith.index_cast %add3A_984 : i32 to index
        %get3A_986 = arith.constant 96 : index
        %get3A_987 = tpu.vector_load %arg14[%get3A_985, %get3A_986] {strides = array<i32>} : memref<400x128xf32, #tpu.memory_space<vmem>>, vector<1x16xf32>,
        %get3A_988 = vector.shape_cast %get3A_987 : vector<1x16xf32> to vector<16xf32>
        %add3A_989 = arith.addf %add3A_982, %get3A_988 : vector<16xf32>
        %add3A_990 = arith.constant 9 : i32
        %add3A_991 = arith.addi %mul3A_499, %add3A_990 : i32
        %get3A_992 = arith.index_cast %add3A_991 : i32 to index
        %get3A_993 = arith.constant 96 : index
        %get3A_994 = tpu.vector_load %arg14[%get3A_992, %get3A_993] {strides = array<i32>} : memref<400x128xf32, #tpu.memory_space<vmem>>, vector<1x16xf32>,
        %get3A_995 = vector.shape_cast %get3A_994 : vector<1x16xf32> to vector<16xf32>
        %add3A_996 = arith.addf %add3A_989, %get3A_995 : vector<16xf32>
        %swap3A_997 = arith.index_cast %scan3A_496 : i32 to index
        %swap3A_998 = arith.constant 96 : index
        %swap3A_999 = tpu.vector_load %arg15[%swap3A_997, %swap3A_998] {strides = array<i32>} : memref<40x128xf32, #tpu.memory_space<vmem>>, vector<1x16xf32>,
        %swap3A_1000 = vector.shape_cast %swap3A_999 : vector<1x16xf32> to vector<16xf32>
        %swap3A_1001 = vector.shape_cast %add3A_996 : vector<16xf32> to vector<1x16xf32>
        tpu.vector_store %arg15[%swap3A_997, %swap3A_998], %swap3A_1001 {strides = array<i32>} : memref<40x128xf32, #tpu.memory_space<vmem>>, vector<1x16xf32>,
        %get3A_1002 = arith.index_cast %mul3A_499 : i32 to index
        %get3A_1003 = arith.constant 112 : index
        %get3A_1004 = tpu.vector_load %arg14[%get3A_1002, %get3A_1003] {strides = array<i32>} : memref<400x128xf32, #tpu.memory_space<vmem>>, vector<1x16xf32>,
        %get3A_1005 = vector.shape_cast %get3A_1004 : vector<1x16xf32> to vector<16xf32>
        %add3A_1006 = arith.constant 1 : i32
        %add3A_1007 = arith.addi %mul3A_499, %add3A_1006 : i32
        %get3A_1008 = arith.index_cast %add3A_1007 : i32 to index
        %get3A_1009 = arith.constant 112 : index
        %get3A_1010 = tpu.vector_load %arg14[%get3A_1008, %get3A_1009] {strides = array<i32>} : memref<400x128xf32, #tpu.memory_space<vmem>>, vector<1x16xf32>,
        %get3A_1011 = vector.shape_cast %get3A_1010 : vector<1x16xf32> to vector<16xf32>
        %add3A_1012 = arith.addf %get3A_1005, %get3A_1011 : vector<16xf32>
        %add3A_1013 = arith.constant 2 : i32
        %add3A_1014 = arith.addi %mul3A_499, %add3A_1013 : i32
        %get3A_1015 = arith.index_cast %add3A_1014 : i32 to index
        %get3A_1016 = arith.constant 112 : index
        %get3A_1017 = tpu.vector_load %arg14[%get3A_1015, %get3A_1016] {strides = array<i32>} : memref<400x128xf32, #tpu.memory_space<vmem>>, vector<1x16xf32>,
        %get3A_1018 = vector.shape_cast %get3A_1017 : vector<1x16xf32> to vector<16xf32>
        %add3A_1019 = arith.addf %add3A_1012, %get3A_1018 : vector<16xf32>
        %add3A_1020 = arith.constant 3 : i32
        %add3A_1021 = arith.addi %mul3A_499, %add3A_1020 : i32
        %get3A_1022 = arith.index_cast %add3A_1021 : i32 to index
        %get3A_1023 = arith.constant 112 : index
        %get3A_1024 = tpu.vector_load %arg14[%get3A_1022, %get3A_1023] {strides = array<i32>} : memref<400x128xf32, #tpu.memory_space<vmem>>, vector<1x16xf32>,
        %get3A_1025 = vector.shape_cast %get3A_1024 : vector<1x16xf32> to vector<16xf32>
        %add3A_1026 = arith.addf %add3A_1019, %get3A_1025 : vector<16xf32>
        %add3A_1027 = arith.constant 4 : i32
        %add3A_1028 = arith.addi %mul3A_499, %add3A_1027 : i32
        %get3A_1029 = arith.index_cast %add3A_1028 : i32 to index
        %get3A_1030 = arith.constant 112 : index
        %get3A_1031 = tpu.vector_load %arg14[%get3A_1029, %get3A_1030] {strides = array<i32>} : memref<400x128xf32, #tpu.memory_space<vmem>>, vector<1x16xf32>,
        %get3A_1032 = vector.shape_cast %get3A_1031 : vector<1x16xf32> to vector<16xf32>
        %add3A_1033 = arith.addf %add3A_1026, %get3A_1032 : vector<16xf32>
        %add3A_1034 = arith.constant 5 : i32
        %add3A_1035 = arith.addi %mul3A_499, %add3A_1034 : i32
        %get3A_1036 = arith.index_cast %add3A_1035 : i32 to index
        %get3A_1037 = arith.constant 112 : index
        %get3A_1038 = tpu.vector_load %arg14[%get3A_1036, %get3A_1037] {strides = array<i32>} : memref<400x128xf32, #tpu.memory_space<vmem>>, vector<1x16xf32>,
        %get3A_1039 = vector.shape_cast %get3A_1038 : vector<1x16xf32> to vector<16xf32>
        %add3A_1040 = arith.addf %add3A_1033, %get3A_1039 : vector<16xf32>
        %add3A_1041 = arith.constant 6 : i32
        %add3A_1042 = arith.addi %mul3A_499, %add3A_1041 : i32
        %get3A_1043 = arith.index_cast %add3A_1042 : i32 to index
        %get3A_1044 = arith.constant 112 : index
        %get3A_1045 = tpu.vector_load %arg14[%get3A_1043, %get3A_1044] {strides = array<i32>} : memref<400x128xf32, #tpu.memory_space<vmem>>, vector<1x16xf32>,
        %get3A_1046 = vector.shape_cast %get3A_1045 : vector<1x16xf32> to vector<16xf32>
        %add3A_1047 = arith.addf %add3A_1040, %get3A_1046 : vector<16xf32>
        %add3A_1048 = arith.constant 7 : i32
        %add3A_1049 = arith.addi %mul3A_499, %add3A_1048 : i32
        %get3A_1050 = arith.index_cast %add3A_1049 : i32 to index
        %get3A_1051 = arith.constant 112 : index
        %get3A_1052 = tpu.vector_load %arg14[%get3A_1050, %get3A_1051] {strides = array<i32>} : memref<400x128xf32, #tpu.memory_space<vmem>>, vector<1x16xf32>,
        %get3A_1053 = vector.shape_cast %get3A_1052 : vector<1x16xf32> to vector<16xf32>
        %add3A_1054 = arith.addf %add3A_1047, %get3A_1053 : vector<16xf32>
        %add3A_1055 = arith.constant 8 : i32
        %add3A_1056 = arith.addi %mul3A_499, %add3A_1055 : i32
        %get3A_1057 = arith.index_cast %add3A_1056 : i32 to index
        %get3A_1058 = arith.constant 112 : index
        %get3A_1059 = tpu.vector_load %arg14[%get3A_1057, %get3A_1058] {strides = array<i32>} : memref<400x128xf32, #tpu.memory_space<vmem>>, vector<1x16xf32>,
        %get3A_1060 = vector.shape_cast %get3A_1059 : vector<1x16xf32> to vector<16xf32>
        %add3A_1061 = arith.addf %add3A_1054, %get3A_1060 : vector<16xf32>
        %add3A_1062 = arith.constant 9 : i32
        %add3A_1063 = arith.addi %mul3A_499, %add3A_1062 : i32
        %get3A_1064 = arith.index_cast %add3A_1063 : i32 to index
        %get3A_1065 = arith.constant 112 : index
        %get3A_1066 = tpu.vector_load %arg14[%get3A_1064, %get3A_1065] {strides = array<i32>} : memref<400x128xf32, #tpu.memory_space<vmem>>, vector<1x16xf32>,
        %get3A_1067 = vector.shape_cast %get3A_1066 : vector<1x16xf32> to vector<16xf32>
        %add3A_1068 = arith.addf %add3A_1061, %get3A_1067 : vector<16xf32>
        %swap3A_1069 = arith.index_cast %scan3A_496 : i32 to index
        %swap3A_1070 = arith.constant 112 : index
        %swap3A_1071 = tpu.vector_load %arg15[%swap3A_1069, %swap3A_1070] {strides = array<i32>} : memref<40x128xf32, #tpu.memory_space<vmem>>, vector<1x16xf32>,
        %swap3A_1072 = vector.shape_cast %swap3A_1071 : vector<1x16xf32> to vector<16xf32>
        %swap3A_1073 = vector.shape_cast %add3A_1068 : vector<16xf32> to vector<1x16xf32>
        tpu.vector_store %arg15[%swap3A_1069, %swap3A_1070], %swap3A_1073 {strides = array<i32>} : memref<40x128xf32, #tpu.memory_space<vmem>>, vector<1x16xf32>,
        %scan3A_1074 = arith.constant 0 : i32
        scf.yield %scan3A_1074 : i32
      }
      %scan3A_429 = arith.constant 40 : i32
      "tpu.region"() ({
        %run_scoped3A_496 = tpu.sem_alloc : memref<!tpu.dma_semaphore, #tpu.memory_space<semaphore_mem>>
        %dma_start3A_497 = arith.constant 0 : i32
        %dma_start3A_498 = tpu.memref_slice %arg8[%mul3A_253, %dma_start3A_497] : memref<160000x128xf32, #tpu.memory_space<hbm>> -> memref<40x128xf32, #tpu.memory_space<hbm>>
        %dma_start3A_499 = arith.constant 0 : i32
        %dma_start3A_500 = tpu.memref_slice %arg8[%mul3A_253, %dma_start3A_499] : memref<160000x128xf32, #tpu.memory_space<hbm>> -> memref<40x128xf32, #tpu.memory_space<hbm>>
        tpu.enqueue_dma source(%arg15 : memref<40x128xf32, #tpu.memory_space<vmem>>) target(%dma_start3A_500 : memref<40x128xf32, #tpu.memory_space<hbm>>) target_semaphore(%run_scoped3A_496 : memref<!tpu.dma_semaphore, #tpu.memory_space<semaphore_mem>>)
        %dma_wait3A_501 = arith.constant 0 : i32
        %dma_wait3A_502 = tpu.memref_slice %arg8[%mul3A_253, %dma_wait3A_501] : memref<160000x128xf32, #tpu.memory_space<hbm>> -> memref<40x128xf32, #tpu.memory_space<hbm>>
        %dma_wait3A_503 = arith.constant 0 : i32
        %dma_wait3A_504 = tpu.memref_slice %arg8[%mul3A_253, %dma_wait3A_503] : memref<160000x128xf32, #tpu.memory_space<hbm>> -> memref<40x128xf32, #tpu.memory_space<hbm>>
        tpu.wait_dma2 semaphore(%run_scoped3A_496 : memref<!tpu.dma_semaphore, #tpu.memory_space<semaphore_mem>>) src(%arg15 : memref<40x128xf32, #tpu.memory_space<vmem>>) dst(%dma_wait3A_504 : memref<40x128xf32, #tpu.memory_space<hbm>>)
        tpu.yield
      }) : () -> ()
      %dma_wait3A_430 = arith.constant 0 : i32
      %dma_wait3A_431 = arith.constant 0 : i32
      %dma_wait3A_432 = arith.constant 0 : i32
      %dma_wait3A_433 = tpu.memref_slice %arg12[%dma_wait3A_430, %dma_wait3A_431, %dma_wait3A_432] : memref<2x1x40xi32, #tpu.memory_space<vmem>> -> memref<1x1x40xi32, #tpu.memory_space<vmem>>
      %dma_wait3A_434 = tpu.memref_squeeze %dma_wait3A_433 : memref<1x1x40xi32, #tpu.memory_space<vmem>> -> memref<40xi32, #tpu.memory_space<vmem>>
      %dma_wait3A_435 = arith.constant 0 : i32
      %dma_wait3A_436 = arith.constant 0 : i32
      %dma_wait3A_437 = tpu.memref_slice %arg6[%dma_wait3A_435, %dma_wait3A_436] : memref<1024x128xf32, #tpu.memory_space<hbm>> -> memref<1024x128xf32, #tpu.memory_space<hbm>>
      tpu.wait_indirect_dma semaphore(%arg19 : memref<!tpu.dma_semaphore, #tpu.memory_space<semaphore_mem>>) src(%dma_wait3A_437 : memref<1024x128xf32, #tpu.memory_space<hbm>>) dst(%arg16 : memref<40x128xf32, #tpu.memory_space<vmem>>)
      "tpu.region"() ({
        %run_scoped3A_496 = tpu.sem_alloc : memref<!tpu.dma_semaphore, #tpu.memory_space<semaphore_mem>>
        %dma_start3A_497 = arith.constant 0 : i32
        %dma_start3A_498 = tpu.memref_slice %arg9[%mul3A_253, %dma_start3A_497] : memref<160000x128xf32, #tpu.memory_space<hbm>> -> memref<40x128xf32, #tpu.memory_space<hbm>>
        %dma_start3A_499 = arith.constant 0 : i32
        %dma_start3A_500 = tpu.memref_slice %arg9[%mul3A_253, %dma_start3A_499] : memref<160000x128xf32, #tpu.memory_space<hbm>> -> memref<40x128xf32, #tpu.memory_space<hbm>>
        tpu.enqueue_dma source(%arg16 : memref<40x128xf32, #tpu.memory_space<vmem>>) target(%dma_start3A_500 : memref<40x128xf32, #tpu.memory_space<hbm>>) target_semaphore(%run_scoped3A_496 : memref<!tpu.dma_semaphore, #tpu.memory_space<semaphore_mem>>)
        %dma_wait3A_501 = arith.constant 0 : i32
        %dma_wait3A_502 = tpu.memref_slice %arg9[%mul3A_253, %dma_wait3A_501] : memref<160000x128xf32, #tpu.memory_space<hbm>> -> memref<40x128xf32, #tpu.memory_space<hbm>>
        %dma_wait3A_503 = arith.constant 0 : i32
        %dma_wait3A_504 = tpu.memref_slice %arg9[%mul3A_253, %dma_wait3A_503] : memref<160000x128xf32, #tpu.memory_space<hbm>> -> memref<40x128xf32, #tpu.memory_space<hbm>>
        tpu.wait_dma2 semaphore(%run_scoped3A_496 : memref<!tpu.dma_semaphore, #tpu.memory_space<semaphore_mem>>) src(%arg16 : memref<40x128xf32, #tpu.memory_space<vmem>>) dst(%dma_wait3A_504 : memref<40x128xf32, #tpu.memory_space<hbm>>)
        tpu.yield
      }) : () -> ()
      %dma_start3A_438 = arith.constant 0 : i32
      %dma_start3A_439 = arith.constant 0 : i32
      %dma_start3A_440 = arith.constant 0 : i32
      %dma_start3A_441 = tpu.memref_slice %arg14[%dma_start3A_439, %dma_start3A_440] : memref<400x128xf32, #tpu.memory_space<vmem>> -> memref<80x128xf32, #tpu.memory_space<vmem>>
      %dma_start3A_442 = arith.constant 0 : i32
      %dma_start3A_443 = tpu.memref_slice %arg11[%sub3A_248, %dma_start3A_438, %dma_start3A_442] : memref<2x5x80xi32, #tpu.memory_space<vmem>> -> memref<1x1x80xi32, #tpu.memory_space<vmem>>
      %dma_start3A_444 = tpu.memref_squeeze %dma_start3A_443 : memref<1x1x80xi32, #tpu.memory_space<vmem>> -> memref<80xi32, #tpu.memory_space<vmem>>
      %dma_start3A_445 = arith.constant 0 : i32
      %dma_start3A_446 = arith.constant 0 : i32
      %dma_start3A_447 = tpu.memref_slice %arg2[%dma_start3A_445, %dma_start3A_446] : memref<160000x128xf32, #tpu.memory_space<hbm>> -> memref<160000x128xf32, #tpu.memory_space<hbm>>
      tpu.enqueue_indirect_dma source(%dma_start3A_447 : memref<160000x128xf32, #tpu.memory_space<hbm>>) target(%dma_start3A_441 : memref<80x128xf32, #tpu.memory_space<vmem>>) offsets(%dma_start3A_444 : memref<80xi32, #tpu.memory_space<vmem>>) semaphore(%arg18 : memref<!tpu.dma_semaphore, #tpu.memory_space<semaphore_mem>>)
      %dma_start3A_448 = arith.constant 1 : i32
      %dma_start3A_449 = arith.constant 80 : i32
      %dma_start3A_450 = arith.constant 0 : i32
      %dma_start3A_451 = tpu.memref_slice %arg14[%dma_start3A_449, %dma_start3A_450] : memref<400x128xf32, #tpu.memory_space<vmem>> -> memref<80x128xf32, #tpu.memory_space<vmem>>
      %dma_start3A_452 = arith.constant 0 : i32
      %dma_start3A_453 = tpu.memref_slice %arg11[%sub3A_248, %dma_start3A_448, %dma_start3A_452] : memref<2x5x80xi32, #tpu.memory_space<vmem>> -> memref<1x1x80xi32, #tpu.memory_space<vmem>>
      %dma_start3A_454 = tpu.memref_squeeze %dma_start3A_453 : memref<1x1x80xi32, #tpu.memory_space<vmem>> -> memref<80xi32, #tpu.memory_space<vmem>>
      %dma_start3A_455 = arith.constant 0 : i32
      %dma_start3A_456 = arith.constant 0 : i32
      %dma_start3A_457 = tpu.memref_slice %arg2[%dma_start3A_455, %dma_start3A_456] : memref<160000x128xf32, #tpu.memory_space<hbm>> -> memref<160000x128xf32, #tpu.memory_space<hbm>>
      tpu.enqueue_indirect_dma source(%dma_start3A_457 : memref<160000x128xf32, #tpu.memory_space<hbm>>) target(%dma_start3A_451 : memref<80x128xf32, #tpu.memory_space<vmem>>) offsets(%dma_start3A_454 : memref<80xi32, #tpu.memory_space<vmem>>) semaphore(%arg18 : memref<!tpu.dma_semaphore, #tpu.memory_space<semaphore_mem>>)
      %dma_start3A_458 = arith.constant 2 : i32
      %dma_start3A_459 = arith.constant 160 : i32
      %dma_start3A_460 = arith.constant 0 : i32
      %dma_start3A_461 = tpu.memref_slice %arg14[%dma_start3A_459, %dma_start3A_460] : memref<400x128xf32, #tpu.memory_space<vmem>> -> memref<80x128xf32, #tpu.memory_space<vmem>>
      %dma_start3A_462 = arith.constant 0 : i32
      %dma_start3A_463 = tpu.memref_slice %arg11[%sub3A_248, %dma_start3A_458, %dma_start3A_462] : memref<2x5x80xi32, #tpu.memory_space<vmem>> -> memref<1x1x80xi32, #tpu.memory_space<vmem>>
      %dma_start3A_464 = tpu.memref_squeeze %dma_start3A_463 : memref<1x1x80xi32, #tpu.memory_space<vmem>> -> memref<80xi32, #tpu.memory_space<vmem>>
      %dma_start3A_465 = arith.constant 0 : i32
      %dma_start3A_466 = arith.constant 0 : i32
      %dma_start3A_467 = tpu.memref_slice %arg2[%dma_start3A_465, %dma_start3A_466] : memref<160000x128xf32, #tpu.memory_space<hbm>> -> memref<160000x128xf32, #tpu.memory_space<hbm>>
      tpu.enqueue_indirect_dma source(%dma_start3A_467 : memref<160000x128xf32, #tpu.memory_space<hbm>>) target(%dma_start3A_461 : memref<80x128xf32, #tpu.memory_space<vmem>>) offsets(%dma_start3A_464 : memref<80xi32, #tpu.memory_space<vmem>>) semaphore(%arg18 : memref<!tpu.dma_semaphore, #tpu.memory_space<semaphore_mem>>)
      %dma_start3A_468 = arith.constant 3 : i32
      %dma_start3A_469 = arith.constant 240 : i32
      %dma_start3A_470 = arith.constant 0 : i32
      %dma_start3A_471 = tpu.memref_slice %arg14[%dma_start3A_469, %dma_start3A_470] : memref<400x128xf32, #tpu.memory_space<vmem>> -> memref<80x128xf32, #tpu.memory_space<vmem>>
      %dma_start3A_472 = arith.constant 0 : i32
      %dma_start3A_473 = tpu.memref_slice %arg11[%sub3A_248, %dma_start3A_468, %dma_start3A_472] : memref<2x5x80xi32, #tpu.memory_space<vmem>> -> memref<1x1x80xi32, #tpu.memory_space<vmem>>
      %dma_start3A_474 = tpu.memref_squeeze %dma_start3A_473 : memref<1x1x80xi32, #tpu.memory_space<vmem>> -> memref<80xi32, #tpu.memory_space<vmem>>
      %dma_start3A_475 = arith.constant 0 : i32
      %dma_start3A_476 = arith.constant 0 : i32
      %dma_start3A_477 = tpu.memref_slice %arg2[%dma_start3A_475, %dma_start3A_476] : memref<160000x128xf32, #tpu.memory_space<hbm>> -> memref<160000x128xf32, #tpu.memory_space<hbm>>
      tpu.enqueue_indirect_dma source(%dma_start3A_477 : memref<160000x128xf32, #tpu.memory_space<hbm>>) target(%dma_start3A_471 : memref<80x128xf32, #tpu.memory_space<vmem>>) offsets(%dma_start3A_474 : memref<80xi32, #tpu.memory_space<vmem>>) semaphore(%arg18 : memref<!tpu.dma_semaphore, #tpu.memory_space<semaphore_mem>>)
      %dma_start3A_478 = arith.constant 4 : i32
      %dma_start3A_479 = arith.constant 320 : i32
      %dma_start3A_480 = arith.constant 0 : i32
      %dma_start3A_481 = tpu.memref_slice %arg14[%dma_start3A_479, %dma_start3A_480] : memref<400x128xf32, #tpu.memory_space<vmem>> -> memref<80x128xf32, #tpu.memory_space<vmem>>
      %dma_start3A_482 = arith.constant 0 : i32
      %dma_start3A_483 = tpu.memref_slice %arg11[%sub3A_248, %dma_start3A_478, %dma_start3A_482] : memref<2x5x80xi32, #tpu.memory_space<vmem>> -> memref<1x1x80xi32, #tpu.memory_space<vmem>>
      %dma_start3A_484 = tpu.memref_squeeze %dma_start3A_483 : memref<1x1x80xi32, #tpu.memory_space<vmem>> -> memref<80xi32, #tpu.memory_space<vmem>>
      %dma_start3A_485 = arith.constant 0 : i32
      %dma_start3A_486 = arith.constant 0 : i32
      %dma_start3A_487 = tpu.memref_slice %arg2[%dma_start3A_485, %dma_start3A_486] : memref<160000x128xf32, #tpu.memory_space<hbm>> -> memref<160000x128xf32, #tpu.memory_space<hbm>>
      tpu.enqueue_indirect_dma source(%dma_start3A_487 : memref<160000x128xf32, #tpu.memory_space<hbm>>) target(%dma_start3A_481 : memref<80x128xf32, #tpu.memory_space<vmem>>) offsets(%dma_start3A_484 : memref<80xi32, #tpu.memory_space<vmem>>) semaphore(%arg18 : memref<!tpu.dma_semaphore, #tpu.memory_space<semaphore_mem>>)
      %dma_start3A_488 = arith.constant 0 : i32
      %dma_start3A_489 = arith.constant 0 : i32
      %dma_start3A_490 = tpu.memref_slice %arg12[%sub3A_248, %dma_start3A_488, %dma_start3A_489] : memref<2x1x40xi32, #tpu.memory_space<vmem>> -> memref<1x1x40xi32, #tpu.memory_space<vmem>>
      %dma_start3A_491 = tpu.memref_squeeze %dma_start3A_490 : memref<1x1x40xi32, #tpu.memory_space<vmem>> -> memref<40xi32, #tpu.memory_space<vmem>>
      %dma_start3A_492 = arith.constant 0 : i32
      %dma_start3A_493 = arith.constant 0 : i32
      %dma_start3A_494 = tpu.memref_slice %arg6[%dma_start3A_492, %dma_start3A_493] : memref<1024x128xf32, #tpu.memory_space<hbm>> -> memref<1024x128xf32, #tpu.memory_space<hbm>>
      tpu.enqueue_indirect_dma source(%dma_start3A_494 : memref<1024x128xf32, #tpu.memory_space<hbm>>) target(%arg16 : memref<40x128xf32, #tpu.memory_space<vmem>>) offsets(%dma_start3A_491 : memref<40xi32, #tpu.memory_space<vmem>>) semaphore(%arg19 : memref<!tpu.dma_semaphore, #tpu.memory_space<semaphore_mem>>)
      %scan3A_495 = arith.constant 0 : i32
      scf.yield %scan3A_495 : i32
    }
    %scan3A_127 = arith.constant 125 : i32
    %dma_wait3A = arith.constant 0 : i32
    %dma_wait3A_128 = arith.constant 0 : i32
    %dma_wait3A_129 = arith.constant 0 : i32
    %dma_wait3A_130 = arith.constant 0 : i32
    %dma_wait3A_131 = tpu.memref_slice %arg13[%dma_wait3A_129, %dma_wait3A_130] : memref<400x128xf32, #tpu.memory_space<vmem>> -> memref<80x128xf32, #tpu.memory_space<vmem>>
    %dma_wait3A_132 = arith.constant 0 : i32
    %dma_wait3A_133 = tpu.memref_slice %arg10[%dma_wait3A, %dma_wait3A_128, %dma_wait3A_132] : memref<2x5x80xi32, #tpu.memory_space<vmem>> -> memref<1x1x80xi32, #tpu.memory_space<vmem>>
    %dma_wait3A_134 = tpu.memref_squeeze %dma_wait3A_133 : memref<1x1x80xi32, #tpu.memory_space<vmem>> -> memref<80xi32, #tpu.memory_space<vmem>>
    %dma_wait3A_135 = arith.constant 0 : i32
    %dma_wait3A_136 = arith.constant 0 : i32
    %dma_wait3A_137 = tpu.memref_slice %arg2[%dma_wait3A_135, %dma_wait3A_136] : memref<160000x128xf32, #tpu.memory_space<hbm>> -> memref<160000x128xf32, #tpu.memory_space<hbm>>
    tpu.wait_indirect_dma semaphore(%arg17 : memref<!tpu.dma_semaphore, #tpu.memory_space<semaphore_mem>>) src(%dma_wait3A_137 : memref<160000x128xf32, #tpu.memory_space<hbm>>) dst(%dma_wait3A_131 : memref<80x128xf32, #tpu.memory_space<vmem>>)
    %dma_wait3A_138 = arith.constant 0 : i32
    %dma_wait3A_139 = arith.constant 1 : i32
    %dma_wait3A_140 = arith.constant 80 : i32
    %dma_wait3A_141 = arith.constant 0 : i32
    %dma_wait3A_142 = tpu.memref_slice %arg13[%dma_wait3A_140, %dma_wait3A_141] : memref<400x128xf32, #tpu.memory_space<vmem>> -> memref<80x128xf32, #tpu.memory_space<vmem>>
    %dma_wait3A_143 = arith.constant 0 : i32
    %dma_wait3A_144 = tpu.memref_slice %arg10[%dma_wait3A_138, %dma_wait3A_139, %dma_wait3A_143] : memref<2x5x80xi32, #tpu.memory_space<vmem>> -> memref<1x1x80xi32, #tpu.memory_space<vmem>>
    %dma_wait3A_145 = tpu.memref_squeeze %dma_wait3A_144 : memref<1x1x80xi32, #tpu.memory_space<vmem>> -> memref<80xi32, #tpu.memory_space<vmem>>
    %dma_wait3A_146 = arith.constant 0 : i32
    %dma_wait3A_147 = arith.constant 0 : i32
    %dma_wait3A_148 = tpu.memref_slice %arg2[%dma_wait3A_146, %dma_wait3A_147] : memref<160000x128xf32, #tpu.memory_space<hbm>> -> memref<160000x128xf32, #tpu.memory_space<hbm>>
    tpu.wait_indirect_dma semaphore(%arg17 : memref<!tpu.dma_semaphore, #tpu.memory_space<semaphore_mem>>) src(%dma_wait3A_148 : memref<160000x128xf32, #tpu.memory_space<hbm>>) dst(%dma_wait3A_142 : memref<80x128xf32, #tpu.memory_space<vmem>>)
    %dma_wait3A_149 = arith.constant 0 : i32
    %dma_wait3A_150 = arith.constant 2 : i32
    %dma_wait3A_151 = arith.constant 160 : i32
    %dma_wait3A_152 = arith.constant 0 : i32
    %dma_wait3A_153 = tpu.memref_slice %arg13[%dma_wait3A_151, %dma_wait3A_152] : memref<400x128xf32, #tpu.memory_space<vmem>> -> memref<80x128xf32, #tpu.memory_space<vmem>>
    %dma_wait3A_154 = arith.constant 0 : i32
    %dma_wait3A_155 = tpu.memref_slice %arg10[%dma_wait3A_149, %dma_wait3A_150, %dma_wait3A_154] : memref<2x5x80xi32, #tpu.memory_space<vmem>> -> memref<1x1x80xi32, #tpu.memory_space<vmem>>
    %dma_wait3A_156 = tpu.memref_squeeze %dma_wait3A_155 : memref<1x1x80xi32, #tpu.memory_space<vmem>> -> memref<80xi32, #tpu.memory_space<vmem>>
    %dma_wait3A_157 = arith.constant 0 : i32
    %dma_wait3A_158 = arith.constant 0 : i32
    %dma_wait3A_159 = tpu.memref_slice %arg2[%dma_wait3A_157, %dma_wait3A_158] : memref<160000x128xf32, #tpu.memory_space<hbm>> -> memref<160000x128xf32, #tpu.memory_space<hbm>>
    tpu.wait_indirect_dma semaphore(%arg17 : memref<!tpu.dma_semaphore, #tpu.memory_space<semaphore_mem>>) src(%dma_wait3A_159 : memref<160000x128xf32, #tpu.memory_space<hbm>>) dst(%dma_wait3A_153 : memref<80x128xf32, #tpu.memory_space<vmem>>)
    %dma_wait3A_160 = arith.constant 0 : i32
    %dma_wait3A_161 = arith.constant 3 : i32
    %dma_wait3A_162 = arith.constant 240 : i32
    %dma_wait3A_163 = arith.constant 0 : i32
    %dma_wait3A_164 = tpu.memref_slice %arg13[%dma_wait3A_162, %dma_wait3A_163] : memref<400x128xf32, #tpu.memory_space<vmem>> -> memref<80x128xf32, #tpu.memory_space<vmem>>
    %dma_wait3A_165 = arith.constant 0 : i32
    %dma_wait3A_166 = tpu.memref_slice %arg10[%dma_wait3A_160, %dma_wait3A_161, %dma_wait3A_165] : memref<2x5x80xi32, #tpu.memory_space<vmem>> -> memref<1x1x80xi32, #tpu.memory_space<vmem>>
    %dma_wait3A_167 = tpu.memref_squeeze %dma_wait3A_166 : memref<1x1x80xi32, #tpu.memory_space<vmem>> -> memref<80xi32, #tpu.memory_space<vmem>>
    %dma_wait3A_168 = arith.constant 0 : i32
    %dma_wait3A_169 = arith.constant 0 : i32
    %dma_wait3A_170 = tpu.memref_slice %arg2[%dma_wait3A_168, %dma_wait3A_169] : memref<160000x128xf32, #tpu.memory_space<hbm>> -> memref<160000x128xf32, #tpu.memory_space<hbm>>
    tpu.wait_indirect_dma semaphore(%arg17 : memref<!tpu.dma_semaphore, #tpu.memory_space<semaphore_mem>>) src(%dma_wait3A_170 : memref<160000x128xf32, #tpu.memory_space<hbm>>) dst(%dma_wait3A_164 : memref<80x128xf32, #tpu.memory_space<vmem>>)
    %dma_wait3A_171 = arith.constant 0 : i32
    %dma_wait3A_172 = arith.constant 4 : i32
    %dma_wait3A_173 = arith.constant 320 : i32
    %dma_wait3A_174 = arith.constant 0 : i32
    %dma_wait3A_175 = tpu.memref_slice %arg13[%dma_wait3A_173, %dma_wait3A_174] : memref<400x128xf32, #tpu.memory_space<vmem>> -> memref<80x128xf32, #tpu.memory_space<vmem>>
    %dma_wait3A_176 = arith.constant 0 : i32
    %dma_wait3A_177 = tpu.memref_slice %arg10[%dma_wait3A_171, %dma_wait3A_172, %dma_wait3A_176] : memref<2x5x80xi32, #tpu.memory_space<vmem>> -> memref<1x1x80xi32, #tpu.memory_space<vmem>>
    %dma_wait3A_178 = tpu.memref_squeeze %dma_wait3A_177 : memref<1x1x80xi32, #tpu.memory_space<vmem>> -> memref<80xi32, #tpu.memory_space<vmem>>
    %dma_wait3A_179 = arith.constant 0 : i32
    %dma_wait3A_180 = arith.constant 0 : i32
    %dma_wait3A_181 = tpu.memref_slice %arg2[%dma_wait3A_179, %dma_wait3A_180] : memref<160000x128xf32, #tpu.memory_space<hbm>> -> memref<160000x128xf32, #tpu.memory_space<hbm>>
    tpu.wait_indirect_dma semaphore(%arg17 : memref<!tpu.dma_semaphore, #tpu.memory_space<semaphore_mem>>) src(%dma_wait3A_181 : memref<160000x128xf32, #tpu.memory_space<hbm>>) dst(%dma_wait3A_175 : memref<80x128xf32, #tpu.memory_space<vmem>>)
    %dma_wait3A_182 = arith.constant 0 : i32
    %dma_wait3A_183 = arith.constant 0 : i32
    %dma_wait3A_184 = arith.constant 0 : i32
    %dma_wait3A_185 = arith.constant 0 : i32
    %dma_wait3A_186 = tpu.memref_slice %arg14[%dma_wait3A_184, %dma_wait3A_185] : memref<400x128xf32, #tpu.memory_space<vmem>> -> memref<80x128xf32, #tpu.memory_space<vmem>>
    %dma_wait3A_187 = arith.constant 0 : i32
    %dma_wait3A_188 = tpu.memref_slice %arg10[%dma_wait3A_182, %dma_wait3A_183, %dma_wait3A_187] : memref<2x5x80xi32, #tpu.memory_space<vmem>> -> memref<1x1x80xi32, #tpu.memory_space<vmem>>
    %dma_wait3A_189 = tpu.memref_squeeze %dma_wait3A_188 : memref<1x1x80xi32, #tpu.memory_space<vmem>> -> memref<80xi32, #tpu.memory_space<vmem>>
    %dma_wait3A_190 = arith.constant 0 : i32
    %dma_wait3A_191 = arith.constant 0 : i32
    %dma_wait3A_192 = tpu.memref_slice %arg2[%dma_wait3A_190, %dma_wait3A_191] : memref<160000x128xf32, #tpu.memory_space<hbm>> -> memref<160000x128xf32, #tpu.memory_space<hbm>>
    tpu.wait_indirect_dma semaphore(%arg18 : memref<!tpu.dma_semaphore, #tpu.memory_space<semaphore_mem>>) src(%dma_wait3A_192 : memref<160000x128xf32, #tpu.memory_space<hbm>>) dst(%dma_wait3A_186 : memref<80x128xf32, #tpu.memory_space<vmem>>)
    %dma_wait3A_193 = arith.constant 0 : i32
    %dma_wait3A_194 = arith.constant 1 : i32
    %dma_wait3A_195 = arith.constant 80 : i32
    %dma_wait3A_196 = arith.constant 0 : i32
    %dma_wait3A_197 = tpu.memref_slice %arg14[%dma_wait3A_195, %dma_wait3A_196] : memref<400x128xf32, #tpu.memory_space<vmem>> -> memref<80x128xf32, #tpu.memory_space<vmem>>
    %dma_wait3A_198 = arith.constant 0 : i32
    %dma_wait3A_199 = tpu.memref_slice %arg10[%dma_wait3A_193, %dma_wait3A_194, %dma_wait3A_198] : memref<2x5x80xi32, #tpu.memory_space<vmem>> -> memref<1x1x80xi32, #tpu.memory_space<vmem>>
    %dma_wait3A_200 = tpu.memref_squeeze %dma_wait3A_199 : memref<1x1x80xi32, #tpu.memory_space<vmem>> -> memref<80xi32, #tpu.memory_space<vmem>>
    %dma_wait3A_201 = arith.constant 0 : i32
    %dma_wait3A_202 = arith.constant 0 : i32
    %dma_wait3A_203 = tpu.memref_slice %arg2[%dma_wait3A_201, %dma_wait3A_202] : memref<160000x128xf32, #tpu.memory_space<hbm>> -> memref<160000x128xf32, #tpu.memory_space<hbm>>
    tpu.wait_indirect_dma semaphore(%arg18 : memref<!tpu.dma_semaphore, #tpu.memory_space<semaphore_mem>>) src(%dma_wait3A_203 : memref<160000x128xf32, #tpu.memory_space<hbm>>) dst(%dma_wait3A_197 : memref<80x128xf32, #tpu.memory_space<vmem>>)
    %dma_wait3A_204 = arith.constant 0 : i32
    %dma_wait3A_205 = arith.constant 2 : i32
    %dma_wait3A_206 = arith.constant 160 : i32
    %dma_wait3A_207 = arith.constant 0 : i32
    %dma_wait3A_208 = tpu.memref_slice %arg14[%dma_wait3A_206, %dma_wait3A_207] : memref<400x128xf32, #tpu.memory_space<vmem>> -> memref<80x128xf32, #tpu.memory_space<vmem>>
    %dma_wait3A_209 = arith.constant 0 : i32
    %dma_wait3A_210 = tpu.memref_slice %arg10[%dma_wait3A_204, %dma_wait3A_205, %dma_wait3A_209] : memref<2x5x80xi32, #tpu.memory_space<vmem>> -> memref<1x1x80xi32, #tpu.memory_space<vmem>>
    %dma_wait3A_211 = tpu.memref_squeeze %dma_wait3A_210 : memref<1x1x80xi32, #tpu.memory_space<vmem>> -> memref<80xi32, #tpu.memory_space<vmem>>
    %dma_wait3A_212 = arith.constant 0 : i32
    %dma_wait3A_213 = arith.constant 0 : i32
    %dma_wait3A_214 = tpu.memref_slice %arg2[%dma_wait3A_212, %dma_wait3A_213] : memref<160000x128xf32, #tpu.memory_space<hbm>> -> memref<160000x128xf32, #tpu.memory_space<hbm>>
    tpu.wait_indirect_dma semaphore(%arg18 : memref<!tpu.dma_semaphore, #tpu.memory_space<semaphore_mem>>) src(%dma_wait3A_214 : memref<160000x128xf32, #tpu.memory_space<hbm>>) dst(%dma_wait3A_208 : memref<80x128xf32, #tpu.memory_space<vmem>>)
    %dma_wait3A_215 = arith.constant 0 : i32
    %dma_wait3A_216 = arith.constant 3 : i32
    %dma_wait3A_217 = arith.constant 240 : i32
    %dma_wait3A_218 = arith.constant 0 : i32
    %dma_wait3A_219 = tpu.memref_slice %arg14[%dma_wait3A_217, %dma_wait3A_218] : memref<400x128xf32, #tpu.memory_space<vmem>> -> memref<80x128xf32, #tpu.memory_space<vmem>>
    %dma_wait3A_220 = arith.constant 0 : i32
    %dma_wait3A_221 = tpu.memref_slice %arg10[%dma_wait3A_215, %dma_wait3A_216, %dma_wait3A_220] : memref<2x5x80xi32, #tpu.memory_space<vmem>> -> memref<1x1x80xi32, #tpu.memory_space<vmem>>
    %dma_wait3A_222 = tpu.memref_squeeze %dma_wait3A_221 : memref<1x1x80xi32, #tpu.memory_space<vmem>> -> memref<80xi32, #tpu.memory_space<vmem>>
    %dma_wait3A_223 = arith.constant 0 : i32
    %dma_wait3A_224 = arith.constant 0 : i32
    %dma_wait3A_225 = tpu.memref_slice %arg2[%dma_wait3A_223, %dma_wait3A_224] : memref<160000x128xf32, #tpu.memory_space<hbm>> -> memref<160000x128xf32, #tpu.memory_space<hbm>>
    tpu.wait_indirect_dma semaphore(%arg18 : memref<!tpu.dma_semaphore, #tpu.memory_space<semaphore_mem>>) src(%dma_wait3A_225 : memref<160000x128xf32, #tpu.memory_space<hbm>>) dst(%dma_wait3A_219 : memref<80x128xf32, #tpu.memory_space<vmem>>)
    %dma_wait3A_226 = arith.constant 0 : i32
    %dma_wait3A_227 = arith.constant 4 : i32
    %dma_wait3A_228 = arith.constant 320 : i32
    %dma_wait3A_229 = arith.constant 0 : i32
    %dma_wait3A_230 = tpu.memref_slice %arg14[%dma_wait3A_228, %dma_wait3A_229] : memref<400x128xf32, #tpu.memory_space<vmem>> -> memref<80x128xf32, #tpu.memory_space<vmem>>
    %dma_wait3A_231 = arith.constant 0 : i32
    %dma_wait3A_232 = tpu.memref_slice %arg10[%dma_wait3A_226, %dma_wait3A_227, %dma_wait3A_231] : memref<2x5x80xi32, #tpu.memory_space<vmem>> -> memref<1x1x80xi32, #tpu.memory_space<vmem>>
    %dma_wait3A_233 = tpu.memref_squeeze %dma_wait3A_232 : memref<1x1x80xi32, #tpu.memory_space<vmem>> -> memref<80xi32, #tpu.memory_space<vmem>>
    %dma_wait3A_234 = arith.constant 0 : i32
    %dma_wait3A_235 = arith.constant 0 : i32
    %dma_wait3A_236 = tpu.memref_slice %arg2[%dma_wait3A_234, %dma_wait3A_235] : memref<160000x128xf32, #tpu.memory_space<hbm>> -> memref<160000x128xf32, #tpu.memory_space<hbm>>
    tpu.wait_indirect_dma semaphore(%arg18 : memref<!tpu.dma_semaphore, #tpu.memory_space<semaphore_mem>>) src(%dma_wait3A_236 : memref<160000x128xf32, #tpu.memory_space<hbm>>) dst(%dma_wait3A_230 : memref<80x128xf32, #tpu.memory_space<vmem>>)
    %dma_wait3A_237 = arith.constant 0 : i32
    %dma_wait3A_238 = arith.constant 0 : i32
    %dma_wait3A_239 = arith.constant 0 : i32
    %dma_wait3A_240 = tpu.memref_slice %arg12[%dma_wait3A_237, %dma_wait3A_238, %dma_wait3A_239] : memref<2x1x40xi32, #tpu.memory_space<vmem>> -> memref<1x1x40xi32, #tpu.memory_space<vmem>>
    %dma_wait3A_241 = tpu.memref_squeeze %dma_wait3A_240 : memref<1x1x40xi32, #tpu.memory_space<vmem>> -> memref<40xi32, #tpu.memory_space<vmem>>
    %dma_wait3A_242 = arith.constant 0 : i32
    %dma_wait3A_243 = arith.constant 0 : i32
    %dma_wait3A_244 = tpu.memref_slice %arg6[%dma_wait3A_242, %dma_wait3A_243] : memref<1024x128xf32, #tpu.memory_space<hbm>> -> memref<1024x128xf32, #tpu.memory_space<hbm>>
    tpu.wait_indirect_dma semaphore(%arg19 : memref<!tpu.dma_semaphore, #tpu.memory_space<semaphore_mem>>) src(%dma_wait3A_244 : memref<1024x128xf32, #tpu.memory_space<hbm>>) dst(%arg16 : memref<40x128xf32, #tpu.memory_space<vmem>>)
    return
  }
}

</mosaic_0001>

<sc_bundles>
// kernel: _sc_gather.3.cloned.1.call-start
scs
__scs_entry_jumppad:
0x0: {  	(pc) =	sbr.rel $0x88, $3  }
0x1: {  	(tag) =	ssettag $0x0;
	lr =	simm.s32 $0x1  }
0x2: {  	[smem:$0x3F9C] =	sst lr;
	_ =	strace $0xD0000000  }
0x3: {  	_ = 	snop  }
0x4: {  	_ = 	snop  }
0x5: {  	_ = 	snop  }
0x6: {  	_ = 	snop  }
0x7: {  	_ = 	snop  }
__scs_overlays_trampoline_lowered:
0x8: {  	[smem:$0x3FAB] =	sst s0  }
0x9: {  	[smem:$0x3FAC] =	sst s1  }
0xa: {  	[smem:$0x3FAD] =	sst s2  }
0xb: {  	[smem:$0x3FAE] =	sst s3  }
0xc: {  	[smem:$0x3FAF] =	sst s4  }
0xd: {  	[smem:$0x3FB0] =	sst s5  }
0xe: {  	[smem:$0x3FB1] =	sst s6  }
0xf: {  	[smem:$0x3FB2] =	sst s7  }
0x10: {  	[smem:$0x3FB3] =	sst s8  }
0x11: {  	[smem:$0x3FB4] =	sst s9;
	s0 =	simm.s32 @!p0 $0x0  }
0x12: {  	s1 =	sld [smem:$0x3F9A];
	s0 =	simm.s32 @p0 $0x1  }
0x13: {  	[smem:$0x3FB5] =	sst s0;
	s0 =	simm.s32 @!p1 $0x0  }
0x14: {  	s2 =	sld [smem:$0x3F99];
	s0 =	simm.s32 @p1 $0x1  }
0x15: {  	[smem:$0x3FB6] =	sst s0;
	s0 =	simm.s32 @!p2 $0x0  }
0x16: {  	s3 =	sld [smem:$0x3FDB];
	s0 =	simm.s32 @p2 $0x1  }
0x17: {  	s4 =	simm.s32 $0x1BF5;
	[smem:$0x3FB8] =	sst s0  }
0x18: {  	s0 =	sld [smem:$0x3F9B];
	_ =	swait.ge [sflag:s4], $0x0  }
0x19: {  	s7 =	sld [smem:$0x3F9C]  }
0x1a: {  	s8 =	sadd.s32 $0xFFFFE003, lr  }
0x1b: {  	s9 =	sadd.s32 $0xFFFFFEF7, lr;
	s5 =	simm.s32 $0xFFFFFFFF;
	p2 =	slt.u32 s8, $0xFFFFF086  }
0x1c: {  	p1 =	slt.u32 s9, $0xF7A;
	s5 =	simm.s32 @!p2 $0x0  }
0x1d: {  	s5 =	simm.s32 @p1 $0x1;
	p0 =	seq.s32 s7, s2  }
0x1e: {  	s7 =	smul.u32 @!p0 $0xF7A, s2;
	p2 =	seq.s32 @!p0 s5, $0x0  }
0x1f: {  	s9 =	smul.u32 $0xF7A, s1;
	s8 =	simm.s32 @!p0 $0x1BF5;
	p2 =	por !p2, p0  }
0x20: {  	[sflag:s8] =	ssyncset.s32 @!p0 $0xFFFFF086;
	s6 =	sadd.s32 @!p0 s3, s7;
	s7 =	simm.s32 @!p0 $0x108  }
0x21: {  	s3 =	sadd.s32 s3, s9;
	s6 =	sadd.s32 @!p0 $0x88, s6;
	s7 =	simm.s32 @p2 $0x1082  }
0x22: {  	[simem:s7], [sflag:s8] =	dma.local @!p0 [hbm:s6], $0xF7A  }
0x23: {  	s9 =	sor.u32 $0xD0000000, s2;
	s6 =	simm.s32 $0x108;
	_ =	swait.ge @!p0 [sflag:s8], $0x0  }
0x24: {  	s3 =	sadd.s32 $0x88, s3;
	s6 =	simm.s32 @!p1 $0x1082;
	[sflag:s4] =	ssyncset.s32 $0xFFFFF086  }
0x25: {  	[simem:s6], [sflag:s4] =	dma.local [hbm:s3], $0xF7A  }
0x26: {  	[smem:$0x3F9C] =	sst s1;
	(tag) =	ssettag s2;
	_ =	strace s9  }
0x27: {  	s1 =	sld [smem:$0x3FAC]  }
0x28: {  	s2 =	sld [smem:$0x3FAD]  }
0x29: {  	s4 =	sld [smem:$0x3FAF]  }
0x2a: {  	p0 =	seq.s32 s5, $0x0;
	s5 =	sld [smem:$0x3FB0]  }
0x2b: {  	s6 =	sld [smem:$0x3FB1]  }
0x2c: {  	s7 =	sld [smem:$0x3FB2]  }
0x2d: {  	s3 =	simm.s32 $0x108;
	s8 =	sld [smem:$0x3FB3]  }
0x2e: {  	s3 =	simm.s32 @!p0 $0x1082;
	s9 =	sld [smem:$0x3FB4]  }
0x2f: {  	lr =	sadd.s32 s0, s3;
	s0 =	sld [smem:$0x3FAB]  }
0x30: {  	s3 =	sld [smem:$0x3FAE]  }
0x31: {  	[smem:$0x3FB7] =	sst s10  }
0x32: {  	s10 =	sld [smem:$0x3FB5];
	_ =	sdelay $0x3  }
0x33: {  	p0 =	seq.s32 s10, $0x1;
	s10 =	sld [smem:$0x3FB7];
	_ =	sdelay $0x3  }
0x34: {  	[smem:$0x3FB7] =	sst s10  }
0x35: {  	s10 =	sld [smem:$0x3FB6];
	_ =	sdelay $0x3  }
0x36: {  	p1 =	seq.s32 s10, $0x1;
	s10 =	sld [smem:$0x3FB7];
	_ =	sdelay $0x3  }
0x37: {  	[smem:$0x3FB7] =	sst s10  }
0x38: {  	s10 =	sld [smem:$0x3FB8]  }
0x39: {  	_ = 	snop;
	(pc) =	sbr.ind lr, $3  }
0x3a: {  	_ = 	snop  }
0x3b: {  	_ = 	snop  }
0x3c: {  	p2 =	seq.s32 s10, $0x1;
	s10 =	sld [smem:$0x3FB7]  }
0x3d: {  	_ =	shalt  }
0x3e: {  	_ =	shalt  }
0x3f: {  	_ =	shalt  }
0x40: {  	_ =	shalt  }
0x41: {  	_ =	shalt  }
0x42: {  	_ =	shalt  }
0x43: {  	_ =	shalt  }
0x44: {  	_ =	shalt  }
0x45: {  	_ =	shalt  }
0x46: {  	_ =	shalt  }
0x47: {  	_ =	shalt  }
0x48: {  	_ =	shalt  }
0x49: {  	_ =	shalt  }
0x4a: {  	_ =	shalt  }
0x4b: {  	_ =	shalt  }
0x4c: {  	_ =	shalt  }
0x4d: {  	_ =	shalt  }
0x4e: {  	_ =	shalt  }
0x4f: {  	_ =	shalt  }
0x50: {  	_ =	shalt  }
0x51: {  	_ =	shalt  }
0x52: {  	_ =	shalt  }
0x53: {  	_ =	shalt  }
0x54: {  	_ =	shalt  }
0x55: {  	_ =	shalt  }
0x56: {  	_ =	shalt  }
0x57: {  	_ =	shalt  }
0x58: {  	_ =	shalt  }
0x59: {  	_ =	shalt  }
0x5a: {  	_ =	shalt  }
0x5b: {  	_ =	shalt  }
0x5c: {  	_ =	shalt  }
0x5d: {  	_ =	shalt  }
0x5e: {  	_ =	shalt  }
0x5f: {  	_ =	shalt  }
0x60: {  	_ =	shalt  }
0x61: {  	_ =	shalt  }
0x62: {  	_ =	shalt  }
0x63: {  	_ =	shalt  }
0x64: {  	_ =	shalt  }
0x65: {  	_ =	shalt  }
0x66: {  	_ =	shalt  }
0x67: {  	_ =	shalt  }
0x68: {  	_ =	shalt  }
0x69: {  	_ =	shalt  }
0x6a: {  	_ =	shalt  }
0x6b: {  	_ =	shalt  }
0x6c: {  	_ =	shalt  }
0x6d: {  	_ =	shalt  }
0x6e: {  	_ =	shalt  }
0x6f: {  	_ =	shalt  }
0x70: {  	_ =	shalt  }
0x71: {  	_ =	shalt  }
0x72: {  	_ =	shalt  }
0x73: {  	_ =	shalt  }
0x74: {  	_ =	shalt  }
0x75: {  	_ =	shalt  }
0x76: {  	_ =	shalt  }
0x77: {  	_ =	shalt  }
0x78: {  	_ =	shalt  }
0x79: {  	_ =	shalt  }
0x7a: {  	_ =	shalt  }
0x7b: {  	_ =	shalt  }
0x7c: {  	_ =	shalt  }
0x7d: {  	_ =	shalt  }
0x7e: {  	_ =	shalt  }
0x7f: {  	_ =	shalt  }
0x80: {  	_ =	shalt  }
0x81: {  	_ =	shalt  }
0x82: {  	_ =	shalt  }
0x83: {  	_ =	shalt  }
0x84: {  	_ =	shalt  }
0x85: {  	_ =	shalt  }
0x86: {  	_ =	shalt  }
0x87: {  	_ =	shalt  }
.Lfunc_end0:
.L_simem_size_0:
called_computation_lowered:
.L_overlay_start_0:
0x88: {  	s2 =	sld [smem:$0x3FD9]  }
0x89: {  	s3 =	sld [smem:$0x3FFE];
	_ =	sdelay $0x1  }
0x8a: {  	s1 =	srdreg.scid  }
0x8b: {  	s0 =	sand.u32 $0x1, s1  }
0x8c: {  	s14 =	sshll.u32 s0, $0xA;
	s2 =	sadd.s32 s3, s2  }
0x8d: {  	s2 =	sadd.s32 s2, s14  }
0x8e: {  	[smem:$0x3FC3] =	sst s2  }
0x8f: {  	_ = 	snop  }
0x90: {  	s2 =	sld [smem:$0x3FD0];
	_ =	sdelay $0x1  }
0x91: {  	s15 =	sld [smem:$0x3FC9]  }
0x92: {  	s5 =	simm.s32 $0xA;
	s6 =	simm.s32 $0x10;
	s4 =	sld [smem:$0x3FC5]  }
0x93: {  	[smem:s6], [sflag:s5] =	dma.local [hbm:s2], $0x1  }
0x94: {  	_ =	swait.eq [sflag:s5], $0x1  }
0x95: {  	s16 =	sld [smem:$0x10];
	[sflag:s5] =	ssyncset.done $0x0  }
0x96: {  	s17 =	sld [smem:$0x11];
	[sflag:s5] =	ssyncadd.s32 $0xFFFFFFFF  }
0x97: {  	s18 =	sld [smem:$0x12];
	(tm) =	ssettm $0x1  }
0x98: {  	s7 =	sld [smem:$0x3FFB];
	_ =	sdelay $0x3  }
0x99: {  	_ =	strace s7  }
0x9a: {  	s7 =	sld [smem:$0x3FFC];
	_ =	sdelay $0x3  }
0x9b: {  	_ =	strace s7  }
0x9c: {  	s7 =	sld [smem:$0x3FFD];
	_ =	sdelay $0x3  }
0x9d: {  	_ =	strace s7  }
0x9e: {  	_ =	strace $0x8FFFFFFF  }
0x9f: {  	s19 =	sld [smem:$0x3FDB];
	_ =	sdelay $0x1  }
0xa0: {  	s8 =	simm.s32 $_scs_section_size  }
0xa1: {  	s9 =	simm.s32 $_size__tile_overlayer_lowered;
	s10 =	simm.s32 $_tile_overlayer_lowered  }
0xa2: {  	s22 =	simm.s32 $0x1BFF;
	s21 =	sshll.u32 s10, $0x1;
	s7 =	sadd.s32 s8, s19  }
0xa3: {  	s11 =	simm.s32 $0x0;
	s20 =	sshll.u32 s9, $0x1;
	s9 =	sadd.s32 s21, s7  }
0xa4: {  	[timem:s11], [sflag:s22] =	dma.local [hbm:s9], s20  }
0xa5: {  	_ =	swait.ge [sflag:s22], s20  }
0xa6: {  	s8 =	ssub.s32 $0x0, s20;
	[sflag:s22] =	ssyncset.done $0x0  }
0xa7: {  	[sflag:s22] =	ssyncadd.s32 s8;
	_ =	sdelay $0x1  }
0xa8: {  	s23 =	simm.s32 $0x1B8B  }
0xa9: {  	_ =	swait.ge [sflag:s23], $0x1  }
0xaa: {  	[sflag:s23] =	ssyncset.done $0x0  }
0xab: {  	s25 =	simm.s32 $0x1B8E;
	s24 =	sld [smem:$0x3FFE];
	[sflag:s23] =	ssyncadd.s32 $0xFFFFFFFF  }
0xac: {  	s26 =	simm.s32 $execute0_lowered;
	[smem:$0x3FD2] =	sst s25  }
0xad: {  	s9 =	sshll.u32 s26, $0x1;
	_ =	strace $0x80000046;
	[dreg:$0x1] =	wrdreg $0xFFFFFFFF  }
0xae: {  	s28 =	simm.s32 $_size_execute0_lowered;
	s7 =	sadd.s32 s7, s9;
	[dreg:$0x0] =	wrdreg $0x0  }
0xaf: {  	s9 =	sshll.u32 s28, $0x1;
	[dreg:$0x2] =	wrdreg s7  }
0xb0: {  	[dreg:$0x3] =	wrdreg s9  }
0xb1: {  	[dreg:$0x4] =	wrdreg $0xC0  }
0xb2: {  	_ =	task [dreg:s11], $0x5FFFF  }
0xb3: {  	[dreg:$0x1] =	wrdreg $0xFFFFFFFF  }
0xb4: {  	[dreg:$0x0] =	wrdreg $0x60  }
0xb5: {  	[dreg:$0x2] =	wrdreg s15  }
0xb6: {  	[dreg:$0x3] =	wrdreg s24  }
0xb7: {  	[dreg:$0x4] =	wrdreg s4  }
0xb8: {  	[dreg:$0x5] =	wrdreg s16  }
0xb9: {  	[dreg:$0x6] =	wrdreg s17  }
0xba: {  	[dreg:$0x7] =	wrdreg s18  }
0xbb: {  	[dreg:$0x8] =	wrdreg $0x9  }
0xbc: {  	_ =	task.clear_ibuf [dreg:s11], $0x9FFFF;
	_ =	strace $0x90000046  }
0xbd: {  	s29 =	simm.s32 $0x9;
	_ =	strace $0x80000048  }
0xbe: {  	_ =	swait.ge [sflag:s29], $0x1  }
0xbf: {  	[sflag:s29] =	ssyncadd.s32 $0xFFFFFFFF  }
0xc0: {  	_ =	strace $0x90000048  }
0xc1: {  	_ =	sfence  }
0xc2: {  	s30 =	sld [smem:$0x0];
	_ =	sdelay $0x2  }
0xc3: {  	s31 =	sshll.u32 s1, $0xD;
	s1 =	sshrl.u32 s1, $0x2  }
0xc4: {  	s3 =	sand.u32 $0x4000, s31;
	s1 =	sadd.s32 s1, s30  }
0xc5: {  	s0 =	sor.u32 s3, s0;
	s1 =	sshll.u32 s1, $0x11  }
0xc6: {  	s0 =	sor.u32 s1, s0  }
0xc7: {  	s0 =	sadd.s32 $0x8F2B, s0  }
0xc8: {  	[sflag:s0] =	ssyncadd.remote.s32 $0x1  }
0xc9: {  	_ =	sfence.sel $0xFFFF  }
0xca: {  	[dreg:$0x0] =	wrdreg $0xFFFFFFFF;
	(pc) =	sbr.abs _section_cstart, $3  }
0xcb: {  	[dreg:$0x1] =	wrdreg $0xFFFFFFFF  }
0xcc: {  	_ =	task.clear_ibuf [dreg:s11], $0x2FFFF;
	_ =	strace $0x9FFFFFFF  }
0xcd: {  	(tm) =	ssettm $0x7FFFFFFF  }
tec
execute0_lowered:
.L_overlay_start_1:
0x0: {  	(tag) =	ssettag $0x1  }
0x1: {  	s1 =	rddreg [dreg:$0x0]  }
0x2: {  	s0 =	rddreg [dreg:$0x1]  }
0x3: {  	s7 =	simm.s32 $0x0;
	s2 =	srdreg.scid;
	s3 =	stileid.u32  }
0x4: {  	s16 =	simm.s32 $0x4;
	s19 =	simm.s32 $0x50;
	s30 =	simm.s32 $0xD900  }
0x5: {  	s21 =	simm.s32 $0x12900;
	s31 =	simm.s32 $0x17900;
	s23 =	simm.s32 $0x1B500  }
0x6: {  	s28 =	simm.s32 $0x1;
	s17 =	simm.s32 $0x1A100;
	s18 =	simm.s32 $0x2  }
0x7: {  	s12 =	simm.s32 $0x3;
	s2 =	sand.u32 $0x1, s2;
	s3 =	sshll.u32 s3, $0x1  }
0x8: {  	[smem:$0x7FF] =	sst s7;
	s8 =	sadd.s32 $0x10A00, s0;
	s3 =	sor.u32 s2, s3  }
0x9: {  	s9 =	sadd.s32 $0x8DC00, s0;
	s10 =	sadd.s32 $0xE00, s0;
	s4 =	smul.u32 $0x3E80, s3  }
0xa: {  	_ =	strace $0x80000047;
	s2 =	ssub.s32 $0x2, s2;
	s6 =	smul.u32 $0x7D0, s3  }
0xb: {  	s5 =	sshrl.u32 s2, $0x1;
	s11 =	smul.u32 $0x7D, s3;
	s25 =	sadd.s32 s8, s4  }
0xc: {  	s3 =	simm.s32 $0x0;
	s26 =	sadd.s32 s9, s4;
	[dreg:$0x7] =	wrdreg s25  }
0xd: {  	s24 =	ssub.s32 s2, s5;
	s29 =	sadd.s32 s10, s6;
	[dreg:$0x8] =	wrdreg s26  }
0xe: {  	s5 =	simm.s32 $0x28;
	s0 =	smax.u32 s24, $0x1;
	[dreg:$0x9] =	wrdreg s29  }
0xf: {  	[dreg:$0xa] =	wrdreg s0;
	s0 =	simm.s32 $0x10100;
	s25 =	simm.s32 $0x15100  }
.LBB2_1:
0x10: {  	[dreg:$0xb] =	wrdreg s3  }
0x11: {  	s2 =	rddreg [dreg:$0x7]  }
0x12: {  	[tilespmem:s7], [sflag:$0x4] =	stream.linear.gather [hbm4b:s2+s7], $0x280, $0x38;
	[tilespmem:$0x1C900] =	vst v63  }
0x13: {  	_ =	swait.ge [sflag:s16], $0x280  }
0x14: {  	[sflag:s16] =	ssyncset.done $0x0  }
0x15: {  	s3 =	simm.s32 $0x800;
	s15 =	rddreg [dreg:$0x8];
	[sflag:s16] =	ssyncadd.s32 $0xFFFFFD80  }
0x16: {  	[tilespmem:s3], [sflag:$0x4] =	stream.linear.gather [hbm4b:s15+s7], $0x280, $0x38;
	[tilespmem:$0x1C900] =	vst v63  }
0x17: {  	_ =	swait.ge [sflag:s16], $0x280  }
0x18: {  	[sflag:s16] =	ssyncset.done $0x0  }
0x19: {  	s4 =	simm.s32 $0x1000;
	s20 =	rddreg [dreg:$0x9];
	[sflag:s16] =	ssyncadd.s32 $0xFFFFFD80  }
0x1a: {  	[tilespmem:s4], [sflag:$0x4] =	stream.linear.gather [hbm4b:s20+s7], $0x80, $0x38;
	[tilespmem:$0x1C900] =	vst v63  }
0x1b: {  	_ =	swait.ge [sflag:s16], $0x80  }
0x1c: {  	[sflag:s16] =	ssyncset.done $0x0  }
0x1d: {  	s22 =	simm.s32 $0x1100;
	[sflag:s16] =	ssyncadd.s32 $0xFFFFFF80  }
0x1e: {  	[tilespmem:s22], [sflag:$0x1] =	stream.indirect.gather [hbm4b:s1+s19], $0x80, s7, s19, $0xb8;
	[tilespmem:$0x1C900] =	vst v63  }
0x1f: {  	s24 =	simm.s32 $0x80;
	s6 =	simm.s32 $0x3900  }
0x20: {  	[tilespmem:s6], [sflag:$0x1] =	stream.indirect.gather [hbm4b:s1+s19], $0x80, s24, s19, $0xb8;
	[tilespmem:$0x1C900] =	vst v63  }
0x21: {  	s26 =	simm.s32 $0x100;
	s29 =	simm.s32 $0x6100  }
0x22: {  	[tilespmem:s29], [sflag:$0x1] =	stream.indirect.gather [hbm4b:s1+s19], $0x80, s26, s19, $0xb8;
	[tilespmem:$0x1C900] =	vst v63  }
0x23: {  	s13 =	simm.s32 $0x8900;
	s6 =	simm.s32 $0x180  }
0x24: {  	[tilespmem:s13], [sflag:$0x1] =	stream.indirect.gather [hbm4b:s1+s19], $0x80, s6, s19, $0xb8;
	[tilespmem:$0x1C900] =	vst v63  }
0x25: {  	s14 =	simm.s32 $0x200;
	s15 =	simm.s32 $0xB100  }
0x26: {  	[tilespmem:s15], [sflag:$0x1] =	stream.indirect.gather [hbm4b:s1+s19], $0x80, s14, s19, $0xb8;
	[tilespmem:$0x1C900] =	vst v63  }
0x27: {  	_ = 	snop  }
0x28: {  	[tilespmem:s30], [sflag:$0x2] =	stream.indirect.gather [hbm4b:s1+s19], $0x80, s3, s19, $0xb8;
	[tilespmem:$0x1C900] =	vst v63  }
0x29: {  	s20 =	simm.s32 $0x880  }
0x2a: {  	[tilespmem:s0], [sflag:$0x2] =	stream.indirect.gather [hbm4b:s1+s19], $0x80, s20, s19, $0xb8;
	[tilespmem:$0x1C900] =	vst v63  }
0x2b: {  	s22 =	simm.s32 $0x900  }
0x2c: {  	[tilespmem:s21], [sflag:$0x2] =	stream.indirect.gather [hbm4b:s1+s19], $0x80, s22, s19, $0xb8;
	[tilespmem:$0x1C900] =	vst v63  }
0x2d: {  	s24 =	simm.s32 $0x980  }
0x2e: {  	[tilespmem:s25], [sflag:$0x2] =	stream.indirect.gather [hbm4b:s1+s19], $0x80, s24, s19, $0xb8;
	[tilespmem:$0x1C900] =	vst v63  }
0x2f: {  	s26 =	simm.s32 $0xA00  }
0x30: {  	[tilespmem:s31], [sflag:$0x2] =	stream.indirect.gather [hbm4b:s1+s19], $0x80, s26, s19, $0xb8;
	[tilespmem:$0x1C900] =	vst v63  }
0x31: {  	s29 =	rddreg [dreg:$0x2];
	s14 =	simm.s32 $0x0  }
0x32: {  	[tilespmem:s23], [sflag:$0x3] =	stream.indirect.gather [hbm4b:s29+s5], $0x80, s4, s5, $0xb8;
	[tilespmem:$0x1C900] =	vst v63  }
.LBB2_2:
0x33: {  	s4 =	sadd.s32 s11, s14  }
0x34: {  	s2 =	sadd.s32 $0x1, s4  }
0x35: {  	s3 =	sxor.u32 $0xFFFFFFFF, s14;
	s6 =	sshll.u32 s2, $0x7  }
0x36: {  	s13 =	sand.u32 $0x1, s3;
	s6 =	sand.u32 $0x1FFFFF80, s6  }
0x37: {  	s20 =	simm.s32 $0x0;
	s3 =	sshll.u32 s13, $0xA;
	s15 =	sadd.s32 s8, s6  }
0x38: {  	[tilespmem:s3], [sflag:$0x4] =	stream.linear.gather [hbm4b:s15+s20], $0x280, $0x38;
	[tilespmem:$0x1C900] =	vst v63  }
0x39: {  	_ =	swait.ge [sflag:s16], $0x280  }
0x3a: {  	[sflag:s16] =	ssyncset.done $0x0  }
0x3b: {  	s6 =	sadd.s32 s9, s6;
	s15 =	sor.u32 $0x800, s3;
	[sflag:s16] =	ssyncadd.s32 $0xFFFFFD80  }
0x3c: {  	[tilespmem:s15], [sflag:$0x4] =	stream.linear.gather [hbm4b:s6+s20], $0x280, $0x38;
	[tilespmem:$0x1C900] =	vst v63  }
0x3d: {  	s2 =	sshll.u32 s2, $0x4;
	_ =	swait.ge [sflag:s16], $0x280  }
0x3e: {  	s29 =	sshll.u32 s13, $0x7;
	s2 =	sand.u32 $0x1FFFFFF0, s2;
	[sflag:s16] =	ssyncset.done $0x0  }
0x3f: {  	s13 =	sor.u32 $0x1000, s29;
	s2 =	sadd.s32 s10, s2;
	[sflag:s16] =	ssyncadd.s32 $0xFFFFFD80  }
0x40: {  	[tilespmem:s13], [sflag:$0x4] =	stream.linear.gather [hbm4b:s2+s20], $0x80, $0x38;
	[tilespmem:$0x1C900] =	vst v63  }
0x41: {  	_ =	swait.ge [sflag:s16], $0x80  }
0x42: {  	[sflag:s16] =	ssyncset.done $0x0  }
0x43: {  	[sflag:s16] =	ssyncadd.s32 $0xFFFFFF80  }
0x44: {  	_ =	swait.ge [sflag:s28], $0x2800  }
0x45: {  	[sflag:s28] =	ssyncset.done $0x0  }
0x46: {  	[sflag:s28] =	ssyncadd.s32 $0xFFFFD800  }
0x47: {  	_ =	swait.ge [sflag:s28], $0x2800  }
0x48: {  	[sflag:s28] =	ssyncset.done $0x0  }
0x49: {  	[sflag:s28] =	ssyncadd.s32 $0xFFFFD800  }
0x4a: {  	_ =	swait.ge [sflag:s28], $0x2800  }
0x4b: {  	[sflag:s28] =	ssyncset.done $0x0  }
0x4c: {  	[sflag:s28] =	ssyncadd.s32 $0xFFFFD800  }
0x4d: {  	_ =	swait.ge [sflag:s28], $0x2800  }
0x4e: {  	[sflag:s28] =	ssyncset.done $0x0  }
0x4f: {  	[sflag:s28] =	ssyncadd.s32 $0xFFFFD800  }
0x50: {  	_ =	swait.ge [sflag:s28], $0x2800  }
0x51: {  	[sflag:s28] =	ssyncset.done $0x0  }
0x52: {  	s2 =	simm.s32 $0x1380;
	[sflag:s28] =	ssyncadd.s32 $0xFFFFD800  }
0x53: {  	v0 =	vld [tilespmem:s2+$0xFFFFFE00]  }
0x54: {  	v1 =	vld [tilespmem:s2+$0xFFFFFD80];
	_ =	sdelay $0x1  }
0x55: {  	v2 =	vld [tilespmem:s2+$0xFFFFFE80];
	_ =	sdelay $0x1  }
0x56: {  	v3 =	vld [tilespmem:s2+$0xFFFFFF00]  }
0x57: {  	v0 =	vadd.f32 v0, v1  }
0x58: {  	v1 =	vld [tilespmem:s2+$0xFFFFFF80]  }
0x59: {  	v0 =	vadd.f32 v2, v0  }
0x5a: {  	v2 =	vld [tilespmem:s2+$0x0]  }
0x5b: {  	v0 =	vadd.f32 v3, v0  }
0x5c: {  	v3 =	vld [tilespmem:s2+$0x80]  }
0x5d: {  	v0 =	vadd.f32 v1, v0  }
0x5e: {  	v1 =	vld [tilespmem:s2+$0x100]  }
0x5f: {  	v0 =	vadd.f32 v2, v0  }
0x60: {  	v2 =	vld [tilespmem:s2+$0x180]  }
0x61: {  	v0 =	vadd.f32 v3, v0  }
0x62: {  	v3 =	vld [tilespmem:s2+$0x200]  }
0x63: {  	v0 =	vadd.f32 v1, v0;
	_ =	sdelay $0x1  }
0x64: {  	v0 =	vadd.f32 v2, v0;
	_ =	sdelay $0x1  }
0x65: {  	v0 =	vadd.f32 v3, v0  }
0x66: {  	s6 =	simm.s32 $0x0  }
0x67: {  	[tilespmem:s6+$0x1A100] =	vst v0  }
0x68: {  	v0 =	vld [tilespmem:s2+$0xFFFFFD90]  }
0x69: {  	v1 =	vld [tilespmem:s2+$0xFFFFFE10];
	_ =	sdelay $0x1  }
0x6a: {  	v2 =	vld [tilespmem:s2+$0xFFFFFE90];
	_ =	sdelay $0x1  }
0x6b: {  	v3 =	vld [tilespmem:s2+$0xFFFFFF10]  }
0x6c: {  	v0 =	vadd.f32 v1, v0  }
0x6d: {  	v1 =	vld [tilespmem:s2+$0xFFFFFF90]  }
0x6e: {  	v0 =	vadd.f32 v2, v0  }
0x6f: {  	v2 =	vld [tilespmem:s2+$0x10]  }
0x70: {  	v0 =	vadd.f32 v3, v0  }
0x71: {  	v3 =	vld [tilespmem:s2+$0x90]  }
0x72: {  	v0 =	vadd.f32 v1, v0  }
0x73: {  	v1 =	vld [tilespmem:s2+$0x110]  }
0x74: {  	v0 =	vadd.f32 v2, v0  }
0x75: {  	v2 =	vld [tilespmem:s2+$0x190]  }
0x76: {  	v0 =	vadd.f32 v3, v0  }
0x77: {  	v3 =	vld [tilespmem:s2+$0x210]  }
0x78: {  	v0 =	vadd.f32 v1, v0;
	_ =	sdelay $0x1  }
0x79: {  	v0 =	vadd.f32 v2, v0;
	_ =	sdelay $0x1  }
0x7a: {  	v0 =	vadd.f32 v3, v0;
	_ =	sdelay $0x1  }
0x7b: {  	[tilespmem:s6+$0x1A110] =	vst v0  }
0x7c: {  	v0 =	vld [tilespmem:s2+$0xFFFFFDA0]  }
0x7d: {  	v1 =	vld [tilespmem:s2+$0xFFFFFE20];
	_ =	sdelay $0x1  }
0x7e: {  	v2 =	vld [tilespmem:s2+$0xFFFFFEA0];
	_ =	sdelay $0x1  }
0x7f: {  	v3 =	vld [tilespmem:s2+$0xFFFFFF20]  }
0x80: {  	v0 =	vadd.f32 v1, v0  }
0x81: {  	v1 =	vld [tilespmem:s2+$0xFFFFFFA0]  }
0x82: {  	v0 =	vadd.f32 v2, v0  }
0x83: {  	v2 =	vld [tilespmem:s2+$0x20]  }
0x84: {  	v0 =	vadd.f32 v3, v0  }
0x85: {  	v3 =	vld [tilespmem:s2+$0xA0]  }
0x86: {  	v0 =	vadd.f32 v1, v0  }
0x87: {  	v1 =	vld [tilespmem:s2+$0x120]  }
0x88: {  	v0 =	vadd.f32 v2, v0  }
0x89: {  	v2 =	vld [tilespmem:s2+$0x1A0]  }
0x8a: {  	v0 =	vadd.f32 v3, v0  }
0x8b: {  	v3 =	vld [tilespmem:s2+$0x220]  }
0x8c: {  	v0 =	vadd.f32 v1, v0;
	_ =	sdelay $0x1  }
0x8d: {  	v0 =	vadd.f32 v2, v0;
	_ =	sdelay $0x1  }
0x8e: {  	v0 =	vadd.f32 v3, v0;
	_ =	sdelay $0x1  }
0x8f: {  	[tilespmem:s6+$0x1A120] =	vst v0  }
0x90: {  	v0 =	vld [tilespmem:s2+$0xFFFFFDB0]  }
0x91: {  	v1 =	vld [tilespmem:s2+$0xFFFFFE30];
	_ =	sdelay $0x1  }
0x92: {  	v2 =	vld [tilespmem:s2+$0xFFFFFEB0];
	_ =	sdelay $0x1  }
0x93: {  	v3 =	vld [tilespmem:s2+$0xFFFFFF30]  }
0x94: {  	v0 =	vadd.f32 v1, v0  }
0x95: {  	v1 =	vld [tilespmem:s2+$0xFFFFFFB0]  }
0x96: {  	v0 =	vadd.f32 v2, v0  }
0x97: {  	v2 =	vld [tilespmem:s2+$0x30]  }
0x98: {  	v0 =	vadd.f32 v3, v0  }
0x99: {  	v3 =	vld [tilespmem:s2+$0xB0]  }
0x9a: {  	v0 =	vadd.f32 v1, v0  }
0x9b: {  	v1 =	vld [tilespmem:s2+$0x130]  }
0x9c: {  	v0 =	vadd.f32 v2, v0  }
0x9d: {  	v2 =	vld [tilespmem:s2+$0x1B0]  }
0x9e: {  	v0 =	vadd.f32 v3, v0  }
0x9f: {  	v3 =	vld [tilespmem:s2+$0x230]  }
0xa0: {  	v0 =	vadd.f32 v1, v0;
	_ =	sdelay $0x1  }
0xa1: {  	v0 =	vadd.f32 v2, v0;
	_ =	sdelay $0x1  }
0xa2: {  	v0 =	vadd.f32 v3, v0;
	_ =	sdelay $0x1  }
0xa3: {  	[tilespmem:s6+$0x1A130] =	vst v0  }
0xa4: {  	v0 =	vld [tilespmem:s2+$0xFFFFFDC0]  }
0xa5: {  	v1 =	vld [tilespmem:s2+$0xFFFFFE40];
	_ =	sdelay $0x1  }
0xa6: {  	v2 =	vld [tilespmem:s2+$0xFFFFFEC0];
	_ =	sdelay $0x1  }
0xa7: {  	v3 =	vld [tilespmem:s2+$0xFFFFFF40]  }
0xa8: {  	v0 =	vadd.f32 v1, v0  }
0xa9: {  	v1 =	vld [tilespmem:s2+$0xFFFFFFC0]  }
0xaa: {  	v0 =	vadd.f32 v2, v0  }
0xab: {  	v2 =	vld [tilespmem:s2+$0x40]  }
0xac: {  	v0 =	vadd.f32 v3, v0  }
0xad: {  	v3 =	vld [tilespmem:s2+$0xC0]  }
0xae: {  	v0 =	vadd.f32 v1, v0  }
0xaf: {  	v1 =	vld [tilespmem:s2+$0x140]  }
0xb0: {  	v0 =	vadd.f32 v2, v0  }
0xb1: {  	v2 =	vld [tilespmem:s2+$0x1C0]  }
0xb2: {  	v0 =	vadd.f32 v3, v0  }
0xb3: {  	v3 =	vld [tilespmem:s2+$0x240]  }
0xb4: {  	v0 =	vadd.f32 v1, v0;
	_ =	sdelay $0x1  }
0xb5: {  	v0 =	vadd.f32 v2, v0;
	_ =	sdelay $0x1  }
0xb6: {  	v0 =	vadd.f32 v3, v0;
	_ =	sdelay $0x1  }
0xb7: {  	[tilespmem:s6+$0x1A140] =	vst v0  }
0xb8: {  	v0 =	vld [tilespmem:s2+$0xFFFFFDD0]  }
0xb9: {  	v1 =	vld [tilespmem:s2+$0xFFFFFE50];
	_ =	sdelay $0x1  }
0xba: {  	v2 =	vld [tilespmem:s2+$0xFFFFFED0];
	_ =	sdelay $0x1  }
0xbb: {  	v3 =	vld [tilespmem:s2+$0xFFFFFF50]  }
0xbc: {  	v0 =	vadd.f32 v1, v0  }
0xbd: {  	v1 =	vld [tilespmem:s2+$0xFFFFFFD0]  }
0xbe: {  	v0 =	vadd.f32 v2, v0  }
0xbf: {  	v2 =	vld [tilespmem:s2+$0x50]  }
0xc0: {  	v0 =	vadd.f32 v3, v0  }
0xc1: {  	v3 =	vld [tilespmem:s2+$0xD0]  }
0xc2: {  	v0 =	vadd.f32 v1, v0  }
0xc3: {  	v1 =	vld [tilespmem:s2+$0x150]  }
0xc4: {  	v0 =	vadd.f32 v2, v0  }
0xc5: {  	v2 =	vld [tilespmem:s2+$0x1D0]  }
0xc6: {  	v0 =	vadd.f32 v3, v0  }
0xc7: {  	v3 =	vld [tilespmem:s2+$0x250]  }
0xc8: {  	v0 =	vadd.f32 v1, v0;
	_ =	sdelay $0x1  }
0xc9: {  	v0 =	vadd.f32 v2, v0;
	_ =	sdelay $0x1  }
0xca: {  	v0 =	vadd.f32 v3, v0;
	_ =	sdelay $0x1  }
0xcb: {  	[tilespmem:s6+$0x1A150] =	vst v0  }
0xcc: {  	v0 =	vld [tilespmem:s2+$0xFFFFFDE0]  }
0xcd: {  	v1 =	vld [tilespmem:s2+$0xFFFFFE60];
	_ =	sdelay $0x1  }
0xce: {  	v2 =	vld [tilespmem:s2+$0xFFFFFEE0];
	_ =	sdelay $0x1  }
0xcf: {  	v3 =	vld [tilespmem:s2+$0xFFFFFF60]  }
0xd0: {  	v0 =	vadd.f32 v1, v0  }
0xd1: {  	v1 =	vld [tilespmem:s2+$0xFFFFFFE0]  }
0xd2: {  	v0 =	vadd.f32 v2, v0  }
0xd3: {  	v2 =	vld [tilespmem:s2+$0x60]  }
0xd4: {  	v0 =	vadd.f32 v3, v0  }
0xd5: {  	v3 =	vld [tilespmem:s2+$0xE0]  }
0xd6: {  	v0 =	vadd.f32 v1, v0  }
0xd7: {  	v1 =	vld [tilespmem:s2+$0x160]  }
0xd8: {  	v0 =	vadd.f32 v2, v0  }
0xd9: {  	v2 =	vld [tilespmem:s2+$0x1E0]  }
0xda: {  	v0 =	vadd.f32 v3, v0  }
0xdb: {  	v3 =	vld [tilespmem:s2+$0x260]  }
0xdc: {  	v0 =	vadd.f32 v1, v0;
	_ =	sdelay $0x1  }
0xdd: {  	v0 =	vadd.f32 v2, v0;
	_ =	sdelay $0x1  }
0xde: {  	v0 =	vadd.f32 v3, v0;
	_ =	sdelay $0x1  }
0xdf: {  	[tilespmem:s6+$0x1A160] =	vst v0  }
0xe0: {  	v0 =	vld [tilespmem:s2+$0xFFFFFDF0]  }
0xe1: {  	v1 =	vld [tilespmem:s2+$0xFFFFFE70];
	_ =	sdelay $0x1  }
0xe2: {  	v2 =	vld [tilespmem:s2+$0xFFFFFEF0];
	_ =	sdelay $0x1  }
0xe3: {  	v3 =	vld [tilespmem:s2+$0xFFFFFF70]  }
0xe4: {  	v0 =	vadd.f32 v1, v0  }
0xe5: {  	v1 =	vld [tilespmem:s2+$0xFFFFFFF0]  }
0xe6: {  	v0 =	vadd.f32 v2, v0  }
0xe7: {  	v4 =	vld [tilespmem:s2+$0x70]  }
0xe8: {  	v2 =	vadd.f32 v3, v0  }
0xe9: {  	v3 =	vld [tilespmem:s2+$0xF0]  }
0xea: {  	v0 =	vld [tilespmem:s2+$0x170];
	v5 =	vadd.f32 v1, v2  }
0xeb: {  	v1 =	vld [tilespmem:s2+$0x1F0]  }
0xec: {  	s20 =	simm.s32 $0x200;
	v2 =	vld [tilespmem:s2+$0x270];
	v4 =	vadd.f32 v4, v5  }
.LBB2_3:
0xed: {  	p0 =	sne.s32 s20, $0x4E00  }
0xee: {  	s2 =	sadd.s32 $0x500, s2;
	s22 =	smov.u32 s20;
	s20 =	sadd.s32 $0x200, s20;
	v3 =	vadd.f32 v3, v4  }
0xef: {  	_ = 	snop  }
0xf0: {  	v0 =	vadd.f32 v0, v3;
	_ =	sdelay $0x1  }
0xf1: {  	v0 =	vadd.f32 v1, v0;
	_ =	sdelay $0x1  }
0xf2: {  	v0 =	vadd.f32 v2, v0;
	_ =	sdelay $0x1  }
0xf3: {  	[tilespmem:s6+$0x1A170] =	vst v0  }
0xf4: {  	v0 =	vld [tilespmem:s2+$0xFFFFFE00]  }
0xf5: {  	v1 =	vld [tilespmem:s2+$0xFFFFFD80]  }
0xf6: {  	v2 =	vld [tilespmem:s2+$0xFFFFFE80];
	_ =	sdelay $0x2  }
0xf7: {  	v3 =	vld [tilespmem:s2+$0xFFFFFF00]  }
0xf8: {  	v0 =	vadd.f32 v0, v1  }
0xf9: {  	v1 =	vld [tilespmem:s2+$0xFFFFFF80]  }
0xfa: {  	v0 =	vadd.f32 v2, v0  }
0xfb: {  	v2 =	vld [tilespmem:s2+$0x0]  }
0xfc: {  	v0 =	vadd.f32 v3, v0  }
0xfd: {  	v3 =	vld [tilespmem:s2+$0x80]  }
0xfe: {  	v0 =	vadd.f32 v1, v0  }
0xff: {  	v1 =	vld [tilespmem:s2+$0x100]  }
0x100: {  	v0 =	vadd.f32 v2, v0  }
0x101: {  	v2 =	vld [tilespmem:s2+$0x180]  }
0x102: {  	v0 =	vadd.f32 v3, v0  }
0x103: {  	v3 =	vld [tilespmem:s2+$0x200]  }
0x104: {  	v0 =	vadd.f32 v1, v0;
	_ =	sdelay $0x1  }
0x105: {  	v0 =	vadd.f32 v2, v0;
	_ =	sdelay $0x1  }
0x106: {  	v0 =	vadd.f32 v3, v0  }
0x107: {  	s6 =	sshra.s32 s22, $0x2  }
0x108: {  	[tilespmem:s6+$0x1A100] =	vst v0  }
0x109: {  	v0 =	vld [tilespmem:s2+$0xFFFFFD90]  }
0x10a: {  	v1 =	vld [tilespmem:s2+$0xFFFFFE10];
	_ =	sdelay $0x1  }
0x10b: {  	v2 =	vld [tilespmem:s2+$0xFFFFFE90];
	_ =	sdelay $0x1  }
0x10c: {  	v3 =	vld [tilespmem:s2+$0xFFFFFF10]  }
0x10d: {  	v0 =	vadd.f32 v1, v0  }
0x10e: {  	v1 =	vld [tilespmem:s2+$0xFFFFFF90]  }
0x10f: {  	v0 =	vadd.f32 v2, v0  }
0x110: {  	v2 =	vld [tilespmem:s2+$0x10]  }
0x111: {  	v0 =	vadd.f32 v3, v0  }
0x112: {  	v3 =	vld [tilespmem:s2+$0x90]  }
0x113: {  	v0 =	vadd.f32 v1, v0  }
0x114: {  	v1 =	vld [tilespmem:s2+$0x110]  }
0x115: {  	v0 =	vadd.f32 v2, v0  }
0x116: {  	v2 =	vld [tilespmem:s2+$0x190]  }
0x117: {  	v0 =	vadd.f32 v3, v0  }
0x118: {  	v3 =	vld [tilespmem:s2+$0x210]  }
0x119: {  	v0 =	vadd.f32 v1, v0;
	_ =	sdelay $0x1  }
0x11a: {  	v0 =	vadd.f32 v2, v0;
	_ =	sdelay $0x1  }
0x11b: {  	v0 =	vadd.f32 v3, v0;
	_ =	sdelay $0x1  }
0x11c: {  	[tilespmem:s6+$0x1A110] =	vst v0  }
0x11d: {  	v0 =	vld [tilespmem:s2+$0xFFFFFDA0]  }
0x11e: {  	v1 =	vld [tilespmem:s2+$0xFFFFFE20];
	_ =	sdelay $0x1  }
0x11f: {  	v2 =	vld [tilespmem:s2+$0xFFFFFEA0];
	_ =	sdelay $0x1  }
0x120: {  	v3 =	vld [tilespmem:s2+$0xFFFFFF20]  }
0x121: {  	v0 =	vadd.f32 v1, v0  }
0x122: {  	v1 =	vld [tilespmem:s2+$0xFFFFFFA0]  }
0x123: {  	v0 =	vadd.f32 v2, v0  }
0x124: {  	v2 =	vld [tilespmem:s2+$0x20]  }
0x125: {  	v0 =	vadd.f32 v3, v0  }
0x126: {  	v3 =	vld [tilespmem:s2+$0xA0]  }
0x127: {  	v0 =	vadd.f32 v1, v0  }
0x128: {  	v1 =	vld [tilespmem:s2+$0x120]  }
0x129: {  	v0 =	vadd.f32 v2, v0  }
0x12a: {  	v2 =	vld [tilespmem:s2+$0x1A0]  }
0x12b: {  	v0 =	vadd.f32 v3, v0  }
0x12c: {  	v3 =	vld [tilespmem:s2+$0x220]  }
0x12d: {  	v0 =	vadd.f32 v1, v0;
	_ =	sdelay $0x1  }
0x12e: {  	v0 =	vadd.f32 v2, v0;
	_ =	sdelay $0x1  }
0x12f: {  	v0 =	vadd.f32 v3, v0;
	_ =	sdelay $0x1  }
0x130: {  	[tilespmem:s6+$0x1A120] =	vst v0  }
0x131: {  	v0 =	vld [tilespmem:s2+$0xFFFFFDB0]  }
0x132: {  	v1 =	vld [tilespmem:s2+$0xFFFFFE30];
	_ =	sdelay $0x1  }
0x133: {  	v2 =	vld [tilespmem:s2+$0xFFFFFEB0];
	_ =	sdelay $0x1  }
0x134: {  	v3 =	vld [tilespmem:s2+$0xFFFFFF30]  }
0x135: {  	v0 =	vadd.f32 v1, v0  }
0x136: {  	v1 =	vld [tilespmem:s2+$0xFFFFFFB0]  }
0x137: {  	v0 =	vadd.f32 v2, v0  }
0x138: {  	v2 =	vld [tilespmem:s2+$0x30]  }
0x139: {  	v0 =	vadd.f32 v3, v0  }
0x13a: {  	v3 =	vld [tilespmem:s2+$0xB0]  }
0x13b: {  	v0 =	vadd.f32 v1, v0  }
0x13c: {  	v1 =	vld [tilespmem:s2+$0x130]  }
0x13d: {  	v0 =	vadd.f32 v2, v0  }
0x13e: {  	v2 =	vld [tilespmem:s2+$0x1B0]  }
0x13f: {  	v0 =	vadd.f32 v3, v0  }
0x140: {  	v3 =	vld [tilespmem:s2+$0x230]  }
0x141: {  	v0 =	vadd.f32 v1, v0;
	_ =	sdelay $0x1  }
0x142: {  	v0 =	vadd.f32 v2, v0;
	_ =	sdelay $0x1  }
0x143: {  	v0 =	vadd.f32 v3, v0;
	_ =	sdelay $0x1  }
0x144: {  	[tilespmem:s6+$0x1A130] =	vst v0  }
0x145: {  	v0 =	vld [tilespmem:s2+$0xFFFFFDC0]  }
0x146: {  	v1 =	vld [tilespmem:s2+$0xFFFFFE40];
	_ =	sdelay $0x1  }
0x147: {  	v2 =	vld [tilespmem:s2+$0xFFFFFEC0];
	_ =	sdelay $0x1  }
0x148: {  	v3 =	vld [tilespmem:s2+$0xFFFFFF40]  }
0x149: {  	v0 =	vadd.f32 v1, v0  }
0x14a: {  	v1 =	vld [tilespmem:s2+$0xFFFFFFC0]  }
0x14b: {  	v0 =	vadd.f32 v2, v0  }
0x14c: {  	v2 =	vld [tilespmem:s2+$0x40]  }
0x14d: {  	v0 =	vadd.f32 v3, v0  }
0x14e: {  	v3 =	vld [tilespmem:s2+$0xC0]  }
0x14f: {  	v0 =	vadd.f32 v1, v0  }
0x150: {  	v1 =	vld [tilespmem:s2+$0x140]  }
0x151: {  	v0 =	vadd.f32 v2, v0  }
0x152: {  	v2 =	vld [tilespmem:s2+$0x1C0]  }
0x153: {  	v0 =	vadd.f32 v3, v0  }
0x154: {  	v3 =	vld [tilespmem:s2+$0x240]  }
0x155: {  	v0 =	vadd.f32 v1, v0;
	_ =	sdelay $0x1  }
0x156: {  	v0 =	vadd.f32 v2, v0;
	_ =	sdelay $0x1  }
0x157: {  	v0 =	vadd.f32 v3, v0;
	_ =	sdelay $0x1  }
0x158: {  	[tilespmem:s6+$0x1A140] =	vst v0  }
0x159: {  	v0 =	vld [tilespmem:s2+$0xFFFFFDD0]  }
0x15a: {  	v1 =	vld [tilespmem:s2+$0xFFFFFE50]  }
0x15b: {  	v2 =	vld [tilespmem:s2+$0xFFFFFED0]  }
0x15c: {  	v3 =	vld [tilespmem:s2+$0xFFFFFF50]  }
0x15d: {  	v4 =	vld [tilespmem:s2+$0xFFFFFFD0]  }
0x15e: {  	v5 =	vld [tilespmem:s2+$0x50]  }
0x15f: {  	v0 =	vadd.f32 v1, v0;
	v1 =	vld [tilespmem:s2+$0xD0]  }
0x160: {  	v6 =	vld [tilespmem:s2+$0x150]  }
0x161: {  	v0 =	vadd.f32 v2, v0;
	v2 =	vld [tilespmem:s2+$0x1D0]  }
0x162: {  	v7 =	vld [tilespmem:s2+$0x250]  }
0x163: {  	v0 =	vadd.f32 v3, v0;
	_ =	sdelay $0x1  }
0x164: {  	v0 =	vadd.f32 v4, v0;
	_ =	sdelay $0x1  }
0x165: {  	v0 =	vadd.f32 v5, v0;
	_ =	sdelay $0x1  }
0x166: {  	v0 =	vadd.f32 v1, v0;
	_ =	sdelay $0x1  }
0x167: {  	v0 =	vadd.f32 v6, v0;
	_ =	sdelay $0x1  }
0x168: {  	v0 =	vadd.f32 v2, v0;
	_ =	sdelay $0x1  }
0x169: {  	v0 =	vadd.f32 v7, v0;
	_ =	sdelay $0x1  }
0x16a: {  	[tilespmem:s6+$0x1A150] =	vst v0  }
0x16b: {  	v0 =	vld [tilespmem:s2+$0xFFFFFDE0]  }
0x16c: {  	v1 =	vld [tilespmem:s2+$0xFFFFFE60]  }
0x16d: {  	v2 =	vld [tilespmem:s2+$0xFFFFFEE0]  }
0x16e: {  	v3 =	vld [tilespmem:s2+$0xFFFFFF60]  }
0x16f: {  	v4 =	vld [tilespmem:s2+$0xFFFFFFE0]  }
0x170: {  	v5 =	vld [tilespmem:s2+$0x60]  }
0x171: {  	v0 =	vadd.f32 v1, v0;
	v1 =	vld [tilespmem:s2+$0xE0]  }
0x172: {  	v6 =	vld [tilespmem:s2+$0x160]  }
0x173: {  	v0 =	vadd.f32 v2, v0;
	v2 =	vld [tilespmem:s2+$0x1E0]  }
0x174: {  	v7 =	vld [tilespmem:s2+$0x260]  }
0x175: {  	v0 =	vadd.f32 v3, v0;
	_ =	sdelay $0x1  }
0x176: {  	v0 =	vadd.f32 v4, v0;
	_ =	sdelay $0x1  }
0x177: {  	v0 =	vadd.f32 v5, v0;
	_ =	sdelay $0x1  }
0x178: {  	v0 =	vadd.f32 v1, v0;
	_ =	sdelay $0x1  }
0x179: {  	v0 =	vadd.f32 v6, v0;
	_ =	sdelay $0x1  }
0x17a: {  	v0 =	vadd.f32 v2, v0;
	_ =	sdelay $0x1  }
0x17b: {  	v0 =	vadd.f32 v7, v0;
	_ =	sdelay $0x1  }
0x17c: {  	[tilespmem:s6+$0x1A160] =	vst v0  }
0x17d: {  	v0 =	vld [tilespmem:s2+$0xFFFFFDF0]  }
0x17e: {  	v1 =	vld [tilespmem:s2+$0xFFFFFE70]  }
0x17f: {  	v2 =	vld [tilespmem:s2+$0xFFFFFEF0]  }
0x180: {  	v4 =	vld [tilespmem:s2+$0xFFFFFF70]  }
0x181: {  	v5 =	vld [tilespmem:s2+$0xFFFFFFF0]  }
0x182: {  	v6 =	vld [tilespmem:s2+$0x70]  }
0x183: {  	v1 =	vadd.f32 v1, v0;
	v3 =	vld [tilespmem:s2+$0xF0]  }
0x184: {  	v0 =	vld [tilespmem:s2+$0x170]  }
0x185: {  	v7 =	vadd.f32 v2, v1;
	v1 =	vld [tilespmem:s2+$0x1F0]  }
0x186: {  	v2 =	vld [tilespmem:s2+$0x270]  }
.Ltmp0:
0x187: {  	v4 =	vadd.f32 v4, v7;
	(pc) =	sbr.rel @p0 .LBB2_3-.Ltmp0, $3  }
0x188: {  	_ = 	snop  }
0x189: {  	v4 =	vadd.f32 v5, v4;
	_ =	sdelay $0x1  }
0x18a: {  	v4 =	vadd.f32 v6, v4  }
0x18b: {  	_ = 	snop  }
0x18c: {  	v3 =	vadd.f32 v3, v4;
	_ =	sdelay $0x1  }
0x18d: {  	v0 =	vadd.f32 v0, v3;
	_ =	sdelay $0x1  }
0x18e: {  	v0 =	vadd.f32 v1, v0;
	_ =	sdelay $0x1  }
0x18f: {  	s4 =	smul.u32 $0x280, s4;
	v0 =	vadd.f32 v2, v0  }
0x190: {  	s2 =	rddreg [dreg:$0x3]  }
0x191: {  	s22 =	simm.s32 $0x0;
	s2 =	sadd.s32 s2, s4;
	[tilespmem:s6+$0x1A170] =	vst v0  }
0x192: {  	[hbm4b:s2+s22] =	stream.linear.scatter [tilespmem:s17], [sflag:$0x4], $0x1400, $0x38;
	[tilespmem:$0x1C900] =	vst v63  }
0x193: {  	_ =	swait.ge [sflag:s16], $0x1400  }
0x194: {  	[sflag:s16] =	ssyncset.done $0x0  }
0x195: {  	s24 =	simm.s32 $0x1100;
	[sflag:s16] =	ssyncadd.s32 $0xFFFFEC00  }
0x196: {  	[tilespmem:s24], [sflag:$0x1] =	stream.indirect.gather [hbm4b:s1+s19], $0x80, s3, s19, $0xb8;
	[tilespmem:$0x1C900] =	vst v63  }
0x197: {  	s26 =	simm.s32 $0x3900;
	s6 =	sor.u32 $0x80, s3  }
0x198: {  	[tilespmem:s26], [sflag:$0x1] =	stream.indirect.gather [hbm4b:s1+s19], $0x80, s6, s19, $0xb8;
	[tilespmem:$0x1C900] =	vst v63  }
0x199: {  	s20 =	simm.s32 $0x6100;
	s2 =	sor.u32 $0x100, s3  }
0x19a: {  	[tilespmem:s20], [sflag:$0x1] =	stream.indirect.gather [hbm4b:s1+s19], $0x80, s2, s19, $0xb8;
	[tilespmem:$0x1C900] =	vst v63  }
0x19b: {  	s22 =	simm.s32 $0x8900;
	s20 =	sor.u32 $0x180, s3  }
0x19c: {  	[tilespmem:s22], [sflag:$0x1] =	stream.indirect.gather [hbm4b:s1+s19], $0x80, s20, s19, $0xb8;
	[tilespmem:$0x1C900] =	vst v63  }
0x19d: {  	s29 =	simm.s32 $0xB100;
	s3 =	sor.u32 $0x200, s3  }
0x19e: {  	[tilespmem:s29], [sflag:$0x1] =	stream.indirect.gather [hbm4b:s1+s19], $0x80, s3, s19, $0xb8;
	[tilespmem:$0x1C900] =	vst v63  }
0x19f: {  	_ =	swait.ge [sflag:s18], $0x2800  }
0x1a0: {  	[sflag:s18] =	ssyncset.done $0x0  }
0x1a1: {  	[sflag:s18] =	ssyncadd.s32 $0xFFFFD800  }
0x1a2: {  	_ =	swait.ge [sflag:s18], $0x2800  }
0x1a3: {  	[sflag:s18] =	ssyncset.done $0x0  }
0x1a4: {  	[sflag:s18] =	ssyncadd.s32 $0xFFFFD800  }
0x1a5: {  	_ =	swait.ge [sflag:s18], $0x2800  }
0x1a6: {  	[sflag:s18] =	ssyncset.done $0x0  }
0x1a7: {  	[sflag:s18] =	ssyncadd.s32 $0xFFFFD800  }
0x1a8: {  	_ =	swait.ge [sflag:s18], $0x2800  }
0x1a9: {  	[sflag:s18] =	ssyncset.done $0x0  }
0x1aa: {  	[sflag:s18] =	ssyncadd.s32 $0xFFFFD800  }
0x1ab: {  	_ =	swait.ge [sflag:s18], $0x2800  }
0x1ac: {  	[sflag:s18] =	ssyncset.done $0x0  }
0x1ad: {  	s22 =	simm.s32 $0xDB80;
	[sflag:s18] =	ssyncadd.s32 $0xFFFFD800  }
0x1ae: {  	v0 =	vld [tilespmem:s22+$0xFFFFFE00]  }
0x1af: {  	v1 =	vld [tilespmem:s22+$0xFFFFFD80];
	_ =	sdelay $0x1  }
0x1b0: {  	v2 =	vld [tilespmem:s22+$0xFFFFFE80];
	_ =	sdelay $0x1  }
0x1b1: {  	v3 =	vld [tilespmem:s22+$0xFFFFFF00]  }
0x1b2: {  	v0 =	vadd.f32 v0, v1  }
0x1b3: {  	v1 =	vld [tilespmem:s22+$0xFFFFFF80]  }
0x1b4: {  	v0 =	vadd.f32 v2, v0  }
0x1b5: {  	v2 =	vld [tilespmem:s22+$0x0]  }
0x1b6: {  	v0 =	vadd.f32 v3, v0  }
0x1b7: {  	v3 =	vld [tilespmem:s22+$0x80]  }
0x1b8: {  	v0 =	vadd.f32 v1, v0  }
0x1b9: {  	v1 =	vld [tilespmem:s22+$0x100]  }
0x1ba: {  	v0 =	vadd.f32 v2, v0  }
0x1bb: {  	v2 =	vld [tilespmem:s22+$0x180]  }
0x1bc: {  	v0 =	vadd.f32 v3, v0  }
0x1bd: {  	v3 =	vld [tilespmem:s22+$0x200]  }
0x1be: {  	v0 =	vadd.f32 v1, v0;
	_ =	sdelay $0x1  }
0x1bf: {  	v0 =	vadd.f32 v2, v0;
	_ =	sdelay $0x1  }
0x1c0: {  	v0 =	vadd.f32 v3, v0  }
0x1c1: {  	s24 =	simm.s32 $0x0  }
0x1c2: {  	[tilespmem:s24+$0x1A100] =	vst v0  }
0x1c3: {  	v0 =	vld [tilespmem:s22+$0xFFFFFD90]  }
0x1c4: {  	v1 =	vld [tilespmem:s22+$0xFFFFFE10];
	_ =	sdelay $0x1  }
0x1c5: {  	v2 =	vld [tilespmem:s22+$0xFFFFFE90];
	_ =	sdelay $0x1  }
0x1c6: {  	v3 =	vld [tilespmem:s22+$0xFFFFFF10]  }
0x1c7: {  	v0 =	vadd.f32 v1, v0  }
0x1c8: {  	v1 =	vld [tilespmem:s22+$0xFFFFFF90]  }
0x1c9: {  	v0 =	vadd.f32 v2, v0  }
0x1ca: {  	v2 =	vld [tilespmem:s22+$0x10]  }
0x1cb: {  	v0 =	vadd.f32 v3, v0  }
0x1cc: {  	v3 =	vld [tilespmem:s22+$0x90]  }
0x1cd: {  	v0 =	vadd.f32 v1, v0  }
0x1ce: {  	v1 =	vld [tilespmem:s22+$0x110]  }
0x1cf: {  	v0 =	vadd.f32 v2, v0  }
0x1d0: {  	v2 =	vld [tilespmem:s22+$0x190]  }
0x1d1: {  	v0 =	vadd.f32 v3, v0  }
0x1d2: {  	v3 =	vld [tilespmem:s22+$0x210]  }
0x1d3: {  	v0 =	vadd.f32 v1, v0;
	_ =	sdelay $0x1  }
0x1d4: {  	v0 =	vadd.f32 v2, v0;
	_ =	sdelay $0x1  }
0x1d5: {  	v0 =	vadd.f32 v3, v0;
	_ =	sdelay $0x1  }
0x1d6: {  	[tilespmem:s24+$0x1A110] =	vst v0  }
0x1d7: {  	v0 =	vld [tilespmem:s22+$0xFFFFFDA0]  }
0x1d8: {  	v1 =	vld [tilespmem:s22+$0xFFFFFE20];
	_ =	sdelay $0x1  }
0x1d9: {  	v2 =	vld [tilespmem:s22+$0xFFFFFEA0];
	_ =	sdelay $0x1  }
0x1da: {  	v3 =	vld [tilespmem:s22+$0xFFFFFF20]  }
0x1db: {  	v0 =	vadd.f32 v1, v0  }
0x1dc: {  	v1 =	vld [tilespmem:s22+$0xFFFFFFA0]  }
0x1dd: {  	v0 =	vadd.f32 v2, v0  }
0x1de: {  	v2 =	vld [tilespmem:s22+$0x20]  }
0x1df: {  	v0 =	vadd.f32 v3, v0  }
0x1e0: {  	v3 =	vld [tilespmem:s22+$0xA0]  }
0x1e1: {  	v0 =	vadd.f32 v1, v0  }
0x1e2: {  	v1 =	vld [tilespmem:s22+$0x120]  }
0x1e3: {  	v0 =	vadd.f32 v2, v0  }
0x1e4: {  	v2 =	vld [tilespmem:s22+$0x1A0]  }
0x1e5: {  	v0 =	vadd.f32 v3, v0  }
0x1e6: {  	v3 =	vld [tilespmem:s22+$0x220]  }
0x1e7: {  	v0 =	vadd.f32 v1, v0;
	_ =	sdelay $0x1  }
0x1e8: {  	v0 =	vadd.f32 v2, v0;
	_ =	sdelay $0x1  }
0x1e9: {  	v0 =	vadd.f32 v3, v0;
	_ =	sdelay $0x1  }
0x1ea: {  	[tilespmem:s24+$0x1A120] =	vst v0  }
0x1eb: {  	v0 =	vld [tilespmem:s22+$0xFFFFFDB0]  }
0x1ec: {  	v1 =	vld [tilespmem:s22+$0xFFFFFE30];
	_ =	sdelay $0x1  }
0x1ed: {  	v2 =	vld [tilespmem:s22+$0xFFFFFEB0];
	_ =	sdelay $0x1  }
0x1ee: {  	v3 =	vld [tilespmem:s22+$0xFFFFFF30]  }
0x1ef: {  	v0 =	vadd.f32 v1, v0  }
0x1f0: {  	v1 =	vld [tilespmem:s22+$0xFFFFFFB0]  }
0x1f1: {  	v0 =	vadd.f32 v2, v0  }
0x1f2: {  	v2 =	vld [tilespmem:s22+$0x30]  }
0x1f3: {  	v0 =	vadd.f32 v3, v0  }
0x1f4: {  	v3 =	vld [tilespmem:s22+$0xB0]  }
0x1f5: {  	v0 =	vadd.f32 v1, v0  }
0x1f6: {  	v1 =	vld [tilespmem:s22+$0x130]  }
0x1f7: {  	v0 =	vadd.f32 v2, v0  }
0x1f8: {  	v2 =	vld [tilespmem:s22+$0x1B0]  }
0x1f9: {  	v0 =	vadd.f32 v3, v0  }
0x1fa: {  	v3 =	vld [tilespmem:s22+$0x230]  }
0x1fb: {  	v0 =	vadd.f32 v1, v0;
	_ =	sdelay $0x1  }
0x1fc: {  	v0 =	vadd.f32 v2, v0;
	_ =	sdelay $0x1  }
0x1fd: {  	v0 =	vadd.f32 v3, v0;
	_ =	sdelay $0x1  }
0x1fe: {  	[tilespmem:s24+$0x1A130] =	vst v0  }
0x1ff: {  	v0 =	vld [tilespmem:s22+$0xFFFFFDC0]  }
0x200: {  	v1 =	vld [tilespmem:s22+$0xFFFFFE40];
	_ =	sdelay $0x1  }
0x201: {  	v2 =	vld [tilespmem:s22+$0xFFFFFEC0];
	_ =	sdelay $0x1  }
0x202: {  	v3 =	vld [tilespmem:s22+$0xFFFFFF40]  }
0x203: {  	v0 =	vadd.f32 v1, v0  }
0x204: {  	v1 =	vld [tilespmem:s22+$0xFFFFFFC0]  }
0x205: {  	v0 =	vadd.f32 v2, v0  }
0x206: {  	v2 =	vld [tilespmem:s22+$0x40]  }
0x207: {  	v0 =	vadd.f32 v3, v0  }
0x208: {  	v3 =	vld [tilespmem:s22+$0xC0]  }
0x209: {  	v0 =	vadd.f32 v1, v0  }
0x20a: {  	v1 =	vld [tilespmem:s22+$0x140]  }
0x20b: {  	v0 =	vadd.f32 v2, v0  }
0x20c: {  	v2 =	vld [tilespmem:s22+$0x1C0]  }
0x20d: {  	v0 =	vadd.f32 v3, v0  }
0x20e: {  	v3 =	vld [tilespmem:s22+$0x240]  }
0x20f: {  	v0 =	vadd.f32 v1, v0;
	_ =	sdelay $0x1  }
0x210: {  	v0 =	vadd.f32 v2, v0;
	_ =	sdelay $0x1  }
0x211: {  	v0 =	vadd.f32 v3, v0;
	_ =	sdelay $0x1  }
0x212: {  	[tilespmem:s24+$0x1A140] =	vst v0  }
0x213: {  	v0 =	vld [tilespmem:s22+$0xFFFFFDD0]  }
0x214: {  	v1 =	vld [tilespmem:s22+$0xFFFFFE50];
	_ =	sdelay $0x1  }
0x215: {  	v2 =	vld [tilespmem:s22+$0xFFFFFED0];
	_ =	sdelay $0x1  }
0x216: {  	v3 =	vld [tilespmem:s22+$0xFFFFFF50]  }
0x217: {  	v0 =	vadd.f32 v1, v0  }
0x218: {  	v1 =	vld [tilespmem:s22+$0xFFFFFFD0]  }
0x219: {  	v0 =	vadd.f32 v2, v0  }
0x21a: {  	v2 =	vld [tilespmem:s22+$0x50]  }
0x21b: {  	v0 =	vadd.f32 v3, v0  }
0x21c: {  	v3 =	vld [tilespmem:s22+$0xD0]  }
0x21d: {  	v0 =	vadd.f32 v1, v0  }
0x21e: {  	v1 =	vld [tilespmem:s22+$0x150]  }
0x21f: {  	v0 =	vadd.f32 v2, v0  }
0x220: {  	v2 =	vld [tilespmem:s22+$0x1D0]  }
0x221: {  	v0 =	vadd.f32 v3, v0  }
0x222: {  	v3 =	vld [tilespmem:s22+$0x250]  }
0x223: {  	v0 =	vadd.f32 v1, v0;
	_ =	sdelay $0x1  }
0x224: {  	v0 =	vadd.f32 v2, v0;
	_ =	sdelay $0x1  }
0x225: {  	v0 =	vadd.f32 v3, v0;
	_ =	sdelay $0x1  }
0x226: {  	[tilespmem:s24+$0x1A150] =	vst v0  }
0x227: {  	v0 =	vld [tilespmem:s22+$0xFFFFFDE0]  }
0x228: {  	v1 =	vld [tilespmem:s22+$0xFFFFFE60];
	_ =	sdelay $0x1  }
0x229: {  	v2 =	vld [tilespmem:s22+$0xFFFFFEE0];
	_ =	sdelay $0x1  }
0x22a: {  	v3 =	vld [tilespmem:s22+$0xFFFFFF60]  }
0x22b: {  	v0 =	vadd.f32 v1, v0  }
0x22c: {  	v1 =	vld [tilespmem:s22+$0xFFFFFFE0]  }
0x22d: {  	v0 =	vadd.f32 v2, v0  }
0x22e: {  	v2 =	vld [tilespmem:s22+$0x60]  }
0x22f: {  	v0 =	vadd.f32 v3, v0  }
0x230: {  	v3 =	vld [tilespmem:s22+$0xE0]  }
0x231: {  	v0 =	vadd.f32 v1, v0  }
0x232: {  	v1 =	vld [tilespmem:s22+$0x160]  }
0x233: {  	v0 =	vadd.f32 v2, v0  }
0x234: {  	v2 =	vld [tilespmem:s22+$0x1E0]  }
0x235: {  	v0 =	vadd.f32 v3, v0  }
0x236: {  	v3 =	vld [tilespmem:s22+$0x260]  }
0x237: {  	v0 =	vadd.f32 v1, v0;
	_ =	sdelay $0x1  }
0x238: {  	v0 =	vadd.f32 v2, v0;
	_ =	sdelay $0x1  }
0x239: {  	v0 =	vadd.f32 v3, v0;
	_ =	sdelay $0x1  }
0x23a: {  	[tilespmem:s24+$0x1A160] =	vst v0  }
0x23b: {  	v0 =	vld [tilespmem:s22+$0xFFFFFDF0]  }
0x23c: {  	v1 =	vld [tilespmem:s22+$0xFFFFFE70];
	_ =	sdelay $0x1  }
0x23d: {  	v2 =	vld [tilespmem:s22+$0xFFFFFEF0];
	_ =	sdelay $0x1  }
0x23e: {  	v3 =	vld [tilespmem:s22+$0xFFFFFF70]  }
0x23f: {  	v0 =	vadd.f32 v1, v0  }
0x240: {  	v1 =	vld [tilespmem:s22+$0xFFFFFFF0]  }
0x241: {  	v0 =	vadd.f32 v2, v0  }
0x242: {  	v4 =	vld [tilespmem:s22+$0x70]  }
0x243: {  	v2 =	vadd.f32 v3, v0  }
0x244: {  	v3 =	vld [tilespmem:s22+$0xF0]  }
0x245: {  	v0 =	vld [tilespmem:s22+$0x170];
	v5 =	vadd.f32 v1, v2  }
0x246: {  	v1 =	vld [tilespmem:s22+$0x1F0]  }
0x247: {  	s26 =	simm.s32 $0x200;
	v2 =	vld [tilespmem:s22+$0x270];
	v4 =	vadd.f32 v4, v5  }
.LBB2_5:
0x248: {  	p0 =	sne.s32 s26, $0x4E00  }
0x249: {  	s22 =	sadd.s32 $0x500, s22;
	s29 =	smov.u32 s26;
	s26 =	sadd.s32 $0x200, s26;
	v3 =	vadd.f32 v3, v4  }
0x24a: {  	_ = 	snop  }
0x24b: {  	v0 =	vadd.f32 v0, v3;
	_ =	sdelay $0x1  }
0x24c: {  	v0 =	vadd.f32 v1, v0;
	_ =	sdelay $0x1  }
0x24d: {  	v0 =	vadd.f32 v2, v0;
	_ =	sdelay $0x1  }
0x24e: {  	[tilespmem:s24+$0x1A170] =	vst v0  }
0x24f: {  	v0 =	vld [tilespmem:s22+$0xFFFFFE00]  }
0x250: {  	v1 =	vld [tilespmem:s22+$0xFFFFFD80]  }
0x251: {  	v2 =	vld [tilespmem:s22+$0xFFFFFE80];
	_ =	sdelay $0x2  }
0x252: {  	v3 =	vld [tilespmem:s22+$0xFFFFFF00]  }
0x253: {  	v0 =	vadd.f32 v0, v1  }
0x254: {  	v1 =	vld [tilespmem:s22+$0xFFFFFF80]  }
0x255: {  	v0 =	vadd.f32 v2, v0  }
0x256: {  	v2 =	vld [tilespmem:s22+$0x0]  }
0x257: {  	v0 =	vadd.f32 v3, v0  }
0x258: {  	v3 =	vld [tilespmem:s22+$0x80]  }
0x259: {  	v0 =	vadd.f32 v1, v0  }
0x25a: {  	v1 =	vld [tilespmem:s22+$0x100]  }
0x25b: {  	v0 =	vadd.f32 v2, v0  }
0x25c: {  	v2 =	vld [tilespmem:s22+$0x180]  }
0x25d: {  	v0 =	vadd.f32 v3, v0  }
0x25e: {  	v3 =	vld [tilespmem:s22+$0x200]  }
0x25f: {  	v0 =	vadd.f32 v1, v0;
	_ =	sdelay $0x1  }
0x260: {  	v0 =	vadd.f32 v2, v0;
	_ =	sdelay $0x1  }
0x261: {  	v0 =	vadd.f32 v3, v0  }
0x262: {  	s24 =	sshra.s32 s29, $0x2  }
0x263: {  	[tilespmem:s24+$0x1A100] =	vst v0  }
0x264: {  	v0 =	vld [tilespmem:s22+$0xFFFFFD90]  }
0x265: {  	v1 =	vld [tilespmem:s22+$0xFFFFFE10];
	_ =	sdelay $0x1  }
0x266: {  	v2 =	vld [tilespmem:s22+$0xFFFFFE90];
	_ =	sdelay $0x1  }
0x267: {  	v3 =	vld [tilespmem:s22+$0xFFFFFF10]  }
0x268: {  	v0 =	vadd.f32 v1, v0  }
0x269: {  	v1 =	vld [tilespmem:s22+$0xFFFFFF90]  }
0x26a: {  	v0 =	vadd.f32 v2, v0  }
0x26b: {  	v2 =	vld [tilespmem:s22+$0x10]  }
0x26c: {  	v0 =	vadd.f32 v3, v0  }
0x26d: {  	v3 =	vld [tilespmem:s22+$0x90]  }
0x26e: {  	v0 =	vadd.f32 v1, v0  }
0x26f: {  	v1 =	vld [tilespmem:s22+$0x110]  }
0x270: {  	v0 =	vadd.f32 v2, v0  }
0x271: {  	v2 =	vld [tilespmem:s22+$0x190]  }
0x272: {  	v0 =	vadd.f32 v3, v0  }
0x273: {  	v3 =	vld [tilespmem:s22+$0x210]  }
0x274: {  	v0 =	vadd.f32 v1, v0;
	_ =	sdelay $0x1  }
0x275: {  	v0 =	vadd.f32 v2, v0;
	_ =	sdelay $0x1  }
0x276: {  	v0 =	vadd.f32 v3, v0;
	_ =	sdelay $0x1  }
0x277: {  	[tilespmem:s24+$0x1A110] =	vst v0  }
0x278: {  	v0 =	vld [tilespmem:s22+$0xFFFFFDA0]  }
0x279: {  	v1 =	vld [tilespmem:s22+$0xFFFFFE20];
	_ =	sdelay $0x1  }
0x27a: {  	v2 =	vld [tilespmem:s22+$0xFFFFFEA0];
	_ =	sdelay $0x1  }
0x27b: {  	v3 =	vld [tilespmem:s22+$0xFFFFFF20]  }
0x27c: {  	v0 =	vadd.f32 v1, v0  }
0x27d: {  	v1 =	vld [tilespmem:s22+$0xFFFFFFA0]  }
0x27e: {  	v0 =	vadd.f32 v2, v0  }
0x27f: {  	v2 =	vld [tilespmem:s22+$0x20]  }
0x280: {  	v0 =	vadd.f32 v3, v0  }
0x281: {  	v3 =	vld [tilespmem:s22+$0xA0]  }
0x282: {  	v0 =	vadd.f32 v1, v0  }
0x283: {  	v1 =	vld [tilespmem:s22+$0x120]  }
0x284: {  	v0 =	vadd.f32 v2, v0  }
0x285: {  	v2 =	vld [tilespmem:s22+$0x1A0]  }
0x286: {  	v0 =	vadd.f32 v3, v0  }
0x287: {  	v3 =	vld [tilespmem:s22+$0x220]  }
0x288: {  	v0 =	vadd.f32 v1, v0;
	_ =	sdelay $0x1  }
0x289: {  	v0 =	vadd.f32 v2, v0;
	_ =	sdelay $0x1  }
0x28a: {  	v0 =	vadd.f32 v3, v0;
	_ =	sdelay $0x1  }
0x28b: {  	[tilespmem:s24+$0x1A120] =	vst v0  }
0x28c: {  	v0 =	vld [tilespmem:s22+$0xFFFFFDB0]  }
0x28d: {  	v1 =	vld [tilespmem:s22+$0xFFFFFE30];
	_ =	sdelay $0x1  }
0x28e: {  	v2 =	vld [tilespmem:s22+$0xFFFFFEB0];
	_ =	sdelay $0x1  }
0x28f: {  	v3 =	vld [tilespmem:s22+$0xFFFFFF30]  }
0x290: {  	v0 =	vadd.f32 v1, v0  }
0x291: {  	v1 =	vld [tilespmem:s22+$0xFFFFFFB0]  }
0x292: {  	v0 =	vadd.f32 v2, v0  }
0x293: {  	v2 =	vld [tilespmem:s22+$0x30]  }
0x294: {  	v0 =	vadd.f32 v3, v0  }
0x295: {  	v3 =	vld [tilespmem:s22+$0xB0]  }
0x296: {  	v0 =	vadd.f32 v1, v0  }
0x297: {  	v1 =	vld [tilespmem:s22+$0x130]  }
0x298: {  	v0 =	vadd.f32 v2, v0  }
0x299: {  	v2 =	vld [tilespmem:s22+$0x1B0]  }
0x29a: {  	v0 =	vadd.f32 v3, v0  }
0x29b: {  	v3 =	vld [tilespmem:s22+$0x230]  }
0x29c: {  	v0 =	vadd.f32 v1, v0;
	_ =	sdelay $0x1  }
0x29d: {  	v0 =	vadd.f32 v2, v0;
	_ =	sdelay $0x1  }
0x29e: {  	v0 =	vadd.f32 v3, v0;
	_ =	sdelay $0x1  }
0x29f: {  	[tilespmem:s24+$0x1A130] =	vst v0  }
0x2a0: {  	v0 =	vld [tilespmem:s22+$0xFFFFFDC0]  }
0x2a1: {  	v1 =	vld [tilespmem:s22+$0xFFFFFE40];
	_ =	sdelay $0x1  }
0x2a2: {  	v2 =	vld [tilespmem:s22+$0xFFFFFEC0];
	_ =	sdelay $0x1  }
0x2a3: {  	v3 =	vld [tilespmem:s22+$0xFFFFFF40]  }
0x2a4: {  	v0 =	vadd.f32 v1, v0  }
0x2a5: {  	v1 =	vld [tilespmem:s22+$0xFFFFFFC0]  }
0x2a6: {  	v0 =	vadd.f32 v2, v0  }
0x2a7: {  	v2 =	vld [tilespmem:s22+$0x40]  }
0x2a8: {  	v0 =	vadd.f32 v3, v0  }
0x2a9: {  	v3 =	vld [tilespmem:s22+$0xC0]  }
0x2aa: {  	v0 =	vadd.f32 v1, v0  }
0x2ab: {  	v1 =	vld [tilespmem:s22+$0x140]  }
0x2ac: {  	v0 =	vadd.f32 v2, v0  }
0x2ad: {  	v2 =	vld [tilespmem:s22+$0x1C0]  }
0x2ae: {  	v0 =	vadd.f32 v3, v0  }
0x2af: {  	v3 =	vld [tilespmem:s22+$0x240]  }
0x2b0: {  	v0 =	vadd.f32 v1, v0;
	_ =	sdelay $0x1  }
0x2b1: {  	v0 =	vadd.f32 v2, v0;
	_ =	sdelay $0x1  }
0x2b2: {  	v0 =	vadd.f32 v3, v0;
	_ =	sdelay $0x1  }
0x2b3: {  	[tilespmem:s24+$0x1A140] =	vst v0  }
0x2b4: {  	v0 =	vld [tilespmem:s22+$0xFFFFFDD0]  }
0x2b5: {  	v1 =	vld [tilespmem:s22+$0xFFFFFE50]  }
0x2b6: {  	v2 =	vld [tilespmem:s22+$0xFFFFFED0]  }
0x2b7: {  	v3 =	vld [tilespmem:s22+$0xFFFFFF50]  }
0x2b8: {  	v4 =	vld [tilespmem:s22+$0xFFFFFFD0]  }
0x2b9: {  	v5 =	vld [tilespmem:s22+$0x50]  }
0x2ba: {  	v0 =	vadd.f32 v1, v0;
	v1 =	vld [tilespmem:s22+$0xD0]  }
0x2bb: {  	v6 =	vld [tilespmem:s22+$0x150]  }
0x2bc: {  	v0 =	vadd.f32 v2, v0;
	v2 =	vld [tilespmem:s22+$0x1D0]  }
0x2bd: {  	v7 =	vld [tilespmem:s22+$0x250]  }
0x2be: {  	v0 =	vadd.f32 v3, v0;
	_ =	sdelay $0x1  }
0x2bf: {  	v0 =	vadd.f32 v4, v0;
	_ =	sdelay $0x1  }
0x2c0: {  	v0 =	vadd.f32 v5, v0;
	_ =	sdelay $0x1  }
0x2c1: {  	v0 =	vadd.f32 v1, v0;
	_ =	sdelay $0x1  }
0x2c2: {  	v0 =	vadd.f32 v6, v0;
	_ =	sdelay $0x1  }
0x2c3: {  	v0 =	vadd.f32 v2, v0;
	_ =	sdelay $0x1  }
0x2c4: {  	v0 =	vadd.f32 v7, v0;
	_ =	sdelay $0x1  }
0x2c5: {  	[tilespmem:s24+$0x1A150] =	vst v0  }
0x2c6: {  	v0 =	vld [tilespmem:s22+$0xFFFFFDE0]  }
0x2c7: {  	v1 =	vld [tilespmem:s22+$0xFFFFFE60]  }
0x2c8: {  	v2 =	vld [tilespmem:s22+$0xFFFFFEE0]  }
0x2c9: {  	v3 =	vld [tilespmem:s22+$0xFFFFFF60]  }
0x2ca: {  	v4 =	vld [tilespmem:s22+$0xFFFFFFE0]  }
0x2cb: {  	v5 =	vld [tilespmem:s22+$0x60]  }
0x2cc: {  	v0 =	vadd.f32 v1, v0;
	v1 =	vld [tilespmem:s22+$0xE0]  }
0x2cd: {  	v6 =	vld [tilespmem:s22+$0x160]  }
0x2ce: {  	v0 =	vadd.f32 v2, v0;
	v2 =	vld [tilespmem:s22+$0x1E0]  }
0x2cf: {  	v7 =	vld [tilespmem:s22+$0x260]  }
0x2d0: {  	v0 =	vadd.f32 v3, v0;
	_ =	sdelay $0x1  }
0x2d1: {  	v0 =	vadd.f32 v4, v0;
	_ =	sdelay $0x1  }
0x2d2: {  	v0 =	vadd.f32 v5, v0;
	_ =	sdelay $0x1  }
0x2d3: {  	v0 =	vadd.f32 v1, v0;
	_ =	sdelay $0x1  }
0x2d4: {  	v0 =	vadd.f32 v6, v0;
	_ =	sdelay $0x1  }
0x2d5: {  	v0 =	vadd.f32 v2, v0;
	_ =	sdelay $0x1  }
0x2d6: {  	v0 =	vadd.f32 v7, v0;
	_ =	sdelay $0x1  }
0x2d7: {  	[tilespmem:s24+$0x1A160] =	vst v0  }
0x2d8: {  	v0 =	vld [tilespmem:s22+$0xFFFFFDF0]  }
0x2d9: {  	v1 =	vld [tilespmem:s22+$0xFFFFFE70]  }
0x2da: {  	v2 =	vld [tilespmem:s22+$0xFFFFFEF0]  }
0x2db: {  	v4 =	vld [tilespmem:s22+$0xFFFFFF70]  }
0x2dc: {  	v5 =	vld [tilespmem:s22+$0xFFFFFFF0]  }
0x2dd: {  	v6 =	vld [tilespmem:s22+$0x70]  }
0x2de: {  	v1 =	vadd.f32 v1, v0;
	v3 =	vld [tilespmem:s22+$0xF0]  }
0x2df: {  	v0 =	vld [tilespmem:s22+$0x170]  }
0x2e0: {  	v7 =	vadd.f32 v2, v1;
	v1 =	vld [tilespmem:s22+$0x1F0]  }
0x2e1: {  	v2 =	vld [tilespmem:s22+$0x270]  }
.Ltmp1:
0x2e2: {  	v4 =	vadd.f32 v4, v7;
	(pc) =	sbr.rel @p0 .LBB2_5-.Ltmp1, $3  }
0x2e3: {  	_ = 	snop  }
0x2e4: {  	v4 =	vadd.f32 v5, v4;
	_ =	sdelay $0x1  }
0x2e5: {  	v4 =	vadd.f32 v6, v4  }
0x2e6: {  	_ = 	snop  }
0x2e7: {  	v3 =	vadd.f32 v3, v4;
	_ =	sdelay $0x1  }
0x2e8: {  	v0 =	vadd.f32 v0, v3;
	_ =	sdelay $0x1  }
0x2e9: {  	v0 =	vadd.f32 v1, v0;
	_ =	sdelay $0x1  }
0x2ea: {  	v0 =	vadd.f32 v2, v0  }
0x2eb: {  	s22 =	rddreg [dreg:$0x4]  }
0x2ec: {  	s22 =	sadd.s32 s22, s4;
	[tilespmem:s24+$0x1A170] =	vst v0  }
0x2ed: {  	[hbm4b:s22+s7] =	stream.linear.scatter [tilespmem:s17], [sflag:$0x4], $0x1400, $0x38;
	[tilespmem:$0x1C900] =	vst v63  }
0x2ee: {  	_ =	swait.ge [sflag:s16], $0x1400  }
0x2ef: {  	[sflag:s16] =	ssyncset.done $0x0  }
0x2f0: {  	[sflag:s16] =	ssyncadd.s32 $0xFFFFEC00  }
0x2f1: {  	_ =	swait.ge [sflag:s12], $0x1400  }
0x2f2: {  	[sflag:s12] =	ssyncset.done $0x0  }
0x2f3: {  	[sflag:s12] =	ssyncadd.s32 $0xFFFFEC00  }
0x2f4: {  	s26 =	rddreg [dreg:$0x5]  }
0x2f5: {  	s29 =	sadd.s32 s26, s4  }
0x2f6: {  	[hbm4b:s29+s7] =	stream.linear.scatter [tilespmem:s23], [sflag:$0x4], $0x1400, $0x38;
	[tilespmem:$0x1C900] =	vst v63  }
0x2f7: {  	_ =	swait.ge [sflag:s16], $0x1400  }
0x2f8: {  	[sflag:s16] =	ssyncset.done $0x0  }
0x2f9: {  	[sflag:s16] =	ssyncadd.s32 $0xFFFFEC00  }
0x2fa: {  	[tilespmem:s30], [sflag:$0x2] =	stream.indirect.gather [hbm4b:s1+s19], $0x80, s15, s19, $0xb8;
	[tilespmem:$0x1C900] =	vst v63  }
0x2fb: {  	s22 =	sor.u32 $0x800, s6  }
0x2fc: {  	[tilespmem:s0], [sflag:$0x2] =	stream.indirect.gather [hbm4b:s1+s19], $0x80, s22, s19, $0xb8;
	[tilespmem:$0x1C900] =	vst v63  }
0x2fd: {  	s2 =	sor.u32 $0x800, s2;
	s14 =	sadd.s32 $0x1, s14  }
0x2fe: {  	[tilespmem:s21], [sflag:$0x2] =	stream.indirect.gather [hbm4b:s1+s19], $0x80, s2, s19, $0xb8;
	[tilespmem:$0x1C900] =	vst v63  }
0x2ff: {  	p0 =	sne.s32 s14, $0x7D;
	s24 =	sor.u32 $0x800, s20  }
0x300: {  	[tilespmem:s25], [sflag:$0x2] =	stream.indirect.gather [hbm4b:s1+s19], $0x80, s24, s19, $0xb8;
	[tilespmem:$0x1C900] =	vst v63  }
.Ltmp2:
0x301: {  	_ = 	snop;
	(pc) =	sbr.rel @p0 .LBB2_2-.Ltmp2, $4  }
0x302: {  	s26 =	sor.u32 $0x800, s3  }
0x303: {  	[tilespmem:s31], [sflag:$0x2] =	stream.indirect.gather [hbm4b:s1+s19], $0x80, s26, s19, $0xb8;
	[tilespmem:$0x1C900] =	vst v63  }
0x304: {  	s29 =	rddreg [dreg:$0x2]  }
0x305: {  	[tilespmem:s23], [sflag:$0x3] =	stream.indirect.gather [hbm4b:s29+s5], $0x80, s13, s5, $0xb8;
	[tilespmem:$0x1C900] =	vst v63  }
0x306: {  	_ =	swait.ge [sflag:s28], $0x2800  }
0x307: {  	[sflag:s28] =	ssyncset.done $0x0  }
0x308: {  	[sflag:s28] =	ssyncadd.s32 $0xFFFFD800  }
0x309: {  	_ =	swait.ge [sflag:s28], $0x2800  }
0x30a: {  	[sflag:s28] =	ssyncset.done $0x0  }
0x30b: {  	[sflag:s28] =	ssyncadd.s32 $0xFFFFD800  }
0x30c: {  	_ =	swait.ge [sflag:s28], $0x2800  }
0x30d: {  	[sflag:s28] =	ssyncset.done $0x0  }
0x30e: {  	[sflag:s28] =	ssyncadd.s32 $0xFFFFD800  }
0x30f: {  	_ =	swait.ge [sflag:s28], $0x2800  }
0x310: {  	[sflag:s28] =	ssyncset.done $0x0  }
0x311: {  	[sflag:s28] =	ssyncadd.s32 $0xFFFFD800  }
0x312: {  	_ =	swait.ge [sflag:s28], $0x2800  }
0x313: {  	[sflag:s28] =	ssyncset.done $0x0  }
0x314: {  	[sflag:s28] =	ssyncadd.s32 $0xFFFFD800  }
0x315: {  	_ =	swait.ge [sflag:s18], $0x2800  }
0x316: {  	[sflag:s18] =	ssyncset.done $0x0  }
0x317: {  	[sflag:s18] =	ssyncadd.s32 $0xFFFFD800  }
0x318: {  	_ =	swait.ge [sflag:s18], $0x2800  }
0x319: {  	[sflag:s18] =	ssyncset.done $0x0  }
0x31a: {  	[sflag:s18] =	ssyncadd.s32 $0xFFFFD800  }
0x31b: {  	_ =	swait.ge [sflag:s18], $0x2800  }
0x31c: {  	[sflag:s18] =	ssyncset.done $0x0  }
0x31d: {  	[sflag:s18] =	ssyncadd.s32 $0xFFFFD800  }
0x31e: {  	_ =	swait.ge [sflag:s18], $0x2800  }
0x31f: {  	[sflag:s18] =	ssyncset.done $0x0  }
0x320: {  	[sflag:s18] =	ssyncadd.s32 $0xFFFFD800  }
0x321: {  	_ =	swait.ge [sflag:s18], $0x2800  }
0x322: {  	[sflag:s18] =	ssyncset.done $0x0  }
0x323: {  	[sflag:s18] =	ssyncadd.s32 $0xFFFFD800  }
0x324: {  	_ =	swait.ge [sflag:s12], $0x1400  }
0x325: {  	s3 =	rddreg [dreg:$0xb]  }
0x326: {  	s2 =	rddreg [dreg:$0xa];
	s3 =	sadd.s32 $0x1, s3  }
0x327: {  	p0 =	sne.s32 s3, s2  }
.Ltmp3:
0x328: {  	_ = 	snop;
	(pc) =	sbr.rel @p0 .LBB2_1-.Ltmp3, $3  }
0x329: {  	_ =	sdelay $0x1  }
0x32a: {  	[sflag:s12] =	ssyncset.done $0x0  }
0x32b: {  	[sflag:s12] =	ssyncadd.s32 $0xFFFFEC00  }
0x32c: {  	_ =	sfence.sel $0x180000  }
0x32d: {  	[bflag:$0x0] =	sbarrier.arrive $0xFFFF  }
0x32e: {  	_ =	strace $0x90000047  }
0x32f: {  	s0 =	stileid.u32;
	[bflag:$0x2] =	sbarrier.arrive $0xFFFF  }
0x330: {  	p0 =	sne.s32 s0, $0x0;
	s0 =	rddreg [dreg:$0x6]  }
0x331: {  	s0 =	sadd.s32 @!p0 $0x100000, s0  }
0x332: {  	[sflag:s0] =	ssyncadd.tile.s32 @!p0 $0x1;
	_ =	shalt  }
.Lfunc_end2:
_tile_overlayer_lowered:
.L_overlay_start_2:
0x333: {  	(tag) =	ssettag $0x2  }
0x334: {  	s0 =	rddreg [dreg:$0x0];
	s2 =	stileid.u32  }
0x335: {  	s1 =	rddreg [dreg:$0x1];
	p0 =	sne.s32 s2, $0x0  }
0x336: {  	s3 =	rddreg [dreg:$0x2];
	[bflag:$0x3] =	sbarrier.arrive $0xFFFF;
	s2 =	simm.s32 @!p0 $0x1C04  }
0x337: {  	[timem:s3], [sflag:s2] =	dma.local @!p0 [hbm:s0], s1  }
0x338: {  	s0 =	simm.s32 @!p0 $0x4  }
0x339: {  	_ =	swait.ge @!p0 [sflag:s0], s1  }
0x33a: {  	s1 =	ssub.s32 @!p0 $0x0, s1;
	[sflag:s0] =	ssyncset.done @!p0 $0x0  }
0x33b: {  	[sflag:s0] =	ssyncadd.s32 @!p0 s1  }
0x33c: {  	[bflag:$0x3] =	sbarrier.arrive $0xFFFF  }
0x33d: {  	_ =	shalt  }

</sc_bundles>
